<compile_context>
chip_gen: v7x
topology: tpu7x:2x2x1
jax: 0.10.2.dev20260603
libtpu: 0.0.44.dev20260713+nightly
codegen_flags: <defaults>
</compile_context>

<pallas_src>
import jax
import jax.numpy as jnp
from jax import lax
from jax.experimental import pallas as pl
from jax.experimental.pallas import tpu as pltpu
from jax.experimental.pallas import tpu_sc as plsc

OCC_THRESHOLD = 0.5

R = 16384
P = 128
L = 16
NG = P // L
NC = 2
NS = 16
NW = NC * NS
PER_W = R // NW
CH = 128
NCH = PER_W // CH
NBC = CH // L


def _body(occ_hbm, out_hbm, buf0a, buf0b, bufs, posb, amb, sema, semb):
    w = lax.axis_index("s") * NC + lax.axis_index("c")
    base = w * PER_W
    lane = lax.iota(jnp.int32, L)
    zero = jnp.zeros((L,), jnp.int32)
    slabs = [buf0a, buf0b]
    sems = [sema, semb]

    def block_body(buf0, c, bb):
        b = c * NBC + bb
        rows = bb * L + lane
        m = plsc.load_gather(buf0, [rows, zero, zero])
        am = zero
        for k in range(1, L):
            kv = jnp.full((L,), k, jnp.int32)
            v = plsc.load_gather(buf0, [rows, kv, zero])
            gt = v > m
            am = jnp.where(gt, k, am)
            m = jnp.maximum(v, m)
        qual = m >= OCC_THRESHOLD
        posb[pl.ds(b * L, L)] = qual.astype(jnp.int32)
        amb[pl.ds(b * L, L)] = am
        cnt = plsc.all_reduce_population_count(qual)[15]

        @pl.when(cnt < L)
        def _slow():
            pltpu.sync_copy(
                occ_hbm.at[pl.ds(base + b * L, L), pl.ds(0, L), pl.ds(0, P)],
                bufs,
            )

            def ray_body(r, carry):
                posv, amv = carry

                def grp_body(g, ptv):
                    macc = bufs[r, 0, pl.ds(g * L, L)]
                    for s in range(1, L):
                        macc = jnp.maximum(macc, bufs[r, s, pl.ds(g * L, L)])
                    hit = macc >= OCC_THRESHOLD
                    pg = jnp.min(jnp.where(hit, g * L + lane, P))
                    return jnp.minimum(ptv, pg)

                ptv = lax.fori_loop(0, NG, grp_body, P)
                pos = ptv < P
                pt = jnp.where(pos, ptv, 0)
                rv = jnp.full((L,), r, jnp.int32)
                ptvv = jnp.full((L,), pt, jnp.int32)
                win = plsc.load_gather(bufs, [rv, lane, ptvv])
                mx = jnp.max(win)
                am2 = jnp.min(jnp.where(win == mx, lane, L))
                sel = lane == r
                posv = jnp.where(sel, pos.astype(jnp.int32), posv)
                amv = jnp.where(sel, am2, amv)
                return posv, amv

            posv, amv = lax.fori_loop(0, L, ray_body, (zero, zero))
            posb[pl.ds(b * L, L)] = posv
            amb[pl.ds(b * L, L)] = amv

        return 0

    def slab_copy(c, buf, sem):
        return pltpu.async_copy(
            occ_hbm.at[pl.ds(base + c * CH, CH), pl.ds(0, L), pl.ds(0, L)],
            buf,
            sem,
        )

    cp = slab_copy(0, slabs[0], sems[0])
    for c in range(NCH):
        if c + 1 < NCH:
            nxt = slab_copy(c + 1, slabs[(c + 1) % 2], sems[(c + 1) % 2])
        cp.wait()
        lax.fori_loop(0, NBC, lambda bb, x, _c=c: block_body(slabs[_c % 2], _c, bb), 0)
        if c + 1 < NCH:
            cp = nxt

    pltpu.sync_copy(posb, out_hbm.at[pl.ds(base, PER_W)])
    pltpu.sync_copy(amb, out_hbm.at[pl.ds(R + base, PER_W)])


@jax.jit
def _run(occ):
    mesh = plsc.VectorSubcoreMesh(core_axis_name="c", subcore_axis_name="s")
    f = pl.kernel(
        _body,
        out_type=jax.ShapeDtypeStruct((2 * R,), jnp.int32),
        mesh=mesh,
        compiler_params=pltpu.CompilerParams(
            needs_layout_passes=False, use_tc_tiling_on_sc=False
        ),
        scratch_types=[
            pltpu.VMEM((CH, L, L), jnp.float32),
            pltpu.VMEM((CH, L, L), jnp.float32),
            pltpu.VMEM((L, L, P), jnp.float32),
            pltpu.VMEM((PER_W,), jnp.int32),
            pltpu.VMEM((PER_W,), jnp.int32),
            pltpu.SemaphoreType.DMA,
            pltpu.SemaphoreType.DMA,
        ],
    )
    return f(occ.transpose(0, 2, 1))


def kernel(occ):
    out = _run(occ)
    return (out[:R].astype(bool), out[R:])

# --- scband reference (transcript-rebuilt; emitter-appended) ---
"""Pipeline reference for scband-ray-associator-44289702756880 (READ-ONLY COPY).

The authoritative reference and input builder live on the scoring server;
editing this copy changes nothing except your own understanding.
"""

import jax, jax.numpy as jnp
import numpy as np

OCC_THRESHOLD = 0.5

def setup_inputs(seed: int = 0) -> dict:
    key = jax.random.key(seed)
    occ = jax.random.uniform(key, (16384, 128, 16), dtype=jnp.float32)
    return {"occ": occ}

def reference(occ):
    # occ: [n_rays, n_points_per_ray, n_parts]
    # torch: max_occ_per_pt, part_idx_per_pt = occ.max(dim=-1)
    max_occ_per_pt = jnp.max(occ, axis=-1)          # [R, P]
    part_idx_per_pt = jnp.argmax(occ, axis=-1)      # [R, P] int
    # points_in = max_occ_per_pt >= occ_threshold
    points_in = max_occ_per_pt >= OCC_THRESHOLD     # bool [R, P]
    # positive_rays, positive_pt_idx = points_in.max(dim=-1)
    positive_rays = jnp.max(points_in, axis=-1)     # bool [R]
    positive_pt_idx = jnp.argmax(points_in, axis=-1)  # int [R]
    # ray_associations = gather(part_idx_per_pt, -1, positive_pt_idx[..., None]).squeeze()
    ray_associations = jnp.take_along_axis(part_idx_per_pt, positive_pt_idx[..., None], axis=-1)
    ray_associations = jnp.squeeze(ray_associations, axis=-1)  # [R]
    return (positive_rays, ray_associations)

if __name__ == "__main__":
    import jax
    _d = setup_inputs()
    print(jax.jit(kernel)(*tuple(_d.values())))

</pallas_src>

<mosaic_0001>
#map = affine_map<(d0, d1) -> (0, 0, 0)>
#map1 = affine_map<(d0, d1) -> (0)>
module attributes {stable_mosaic.version = 14 : i64} {
  func.func @_body(%arg0: i32, %arg1: i32, %arg2: memref<16384x16x128xf32, #tpu.memory_space<hbm>>, %arg3: memref<32768xi32, #tpu.memory_space<hbm>>, %arg4: memref<128x16x16xf32, #tpu.memory_space<vmem>>, %arg5: memref<128x16x16xf32, #tpu.memory_space<vmem>>, %arg6: memref<16x16x128xf32, #tpu.memory_space<vmem>>, %arg7: memref<512xi32, #tpu.memory_space<vmem>>, %arg8: memref<512xi32, #tpu.memory_space<vmem>>, %arg9: memref<!tpu.dma_semaphore, #tpu.memory_space<semaphore_mem>>, %arg10: memref<!tpu.dma_semaphore, #tpu.memory_space<semaphore_mem>>) attributes {dimension_semantics = [#tpu.dimension_semantics<core_parallel>, #tpu.dimension_semantics<subcore_parallel>], iteration_bounds = array<i64: 2, 16>, scalar_prefetch = 0 : i64, scratch_operands = 7 : i64, tpu.core_type = #tpu.core_type<sc_vector_subcore>, window_params = [{transform_indices = #map}, {transform_indices = #map1}]} {
    %mul3A = arith.constant 2 : i32
    %mul3A_0 = arith.muli %arg1, %mul3A : i32
    %add3A = arith.addi %mul3A_0, %arg0 : i32
    %mul3A_1 = arith.constant 512 : i32
    %mul3A_2 = arith.muli %add3A, %mul3A_1 : i32
    %iota3A = tpu.iota {dimensions = array<i32: 0>} : vector<16xi32>
    %broadcast_in_dim3A = arith.constant 0 : i32
    %broadcast_in_dim3A_3 = vector.broadcast %broadcast_in_dim3A : i32 to vector<16xi32>
    %add3A_4 = arith.constant 0 : i32
    %add3A_5 = arith.addi %mul3A_2, %add3A_4 : i32
    %dma_start3A = arith.constant 0 : i32
    %dma_start3A_6 = arith.constant 0 : i32
    %dma_start3A_7 = tpu.memref_slice %arg2[%add3A_5, %dma_start3A, %dma_start3A_6] : memref<16384x16x128xf32, #tpu.memory_space<hbm>> -> memref<128x16x16xf32, #tpu.memory_space<hbm>>
    %dma_start3A_8 = arith.constant 0 : i32
    %dma_start3A_9 = arith.constant 0 : i32
    %dma_start3A_10 = tpu.memref_slice %arg2[%add3A_5, %dma_start3A_8, %dma_start3A_9] : memref<16384x16x128xf32, #tpu.memory_space<hbm>> -> memref<128x16x16xf32, #tpu.memory_space<hbm>>
    tpu.enqueue_dma source(%dma_start3A_10 : memref<128x16x16xf32, #tpu.memory_space<hbm>>) target(%arg4 : memref<128x16x16xf32, #tpu.memory_space<vmem>>) target_semaphore(%arg9 : memref<!tpu.dma_semaphore, #tpu.memory_space<semaphore_mem>>)
    %add3A_11 = arith.constant 128 : i32
    %add3A_12 = arith.addi %mul3A_2, %add3A_11 : i32
    %dma_start3A_13 = arith.constant 0 : i32
    %dma_start3A_14 = arith.constant 0 : i32
    %dma_start3A_15 = tpu.memref_slice %arg2[%add3A_12, %dma_start3A_13, %dma_start3A_14] : memref<16384x16x128xf32, #tpu.memory_space<hbm>> -> memref<128x16x16xf32, #tpu.memory_space<hbm>>
    %dma_start3A_16 = arith.constant 0 : i32
    %dma_start3A_17 = arith.constant 0 : i32
    %dma_start3A_18 = tpu.memref_slice %arg2[%add3A_12, %dma_start3A_16, %dma_start3A_17] : memref<16384x16x128xf32, #tpu.memory_space<hbm>> -> memref<128x16x16xf32, #tpu.memory_space<hbm>>
    tpu.enqueue_dma source(%dma_start3A_18 : memref<128x16x16xf32, #tpu.memory_space<hbm>>) target(%arg5 : memref<128x16x16xf32, #tpu.memory_space<vmem>>) target_semaphore(%arg10 : memref<!tpu.dma_semaphore, #tpu.memory_space<semaphore_mem>>)
    %dma_wait3A = arith.constant 0 : i32
    %dma_wait3A_19 = arith.constant 0 : i32
    %dma_wait3A_20 = tpu.memref_slice %arg2[%add3A_5, %dma_wait3A, %dma_wait3A_19] : memref<16384x16x128xf32, #tpu.memory_space<hbm>> -> memref<128x16x16xf32, #tpu.memory_space<hbm>>
    %dma_wait3A_21 = arith.constant 0 : i32
    %dma_wait3A_22 = arith.constant 0 : i32
    %dma_wait3A_23 = tpu.memref_slice %arg2[%add3A_5, %dma_wait3A_21, %dma_wait3A_22] : memref<16384x16x128xf32, #tpu.memory_space<hbm>> -> memref<128x16x16xf32, #tpu.memory_space<hbm>>
    tpu.wait_dma2 semaphore(%arg9 : memref<!tpu.dma_semaphore, #tpu.memory_space<semaphore_mem>>) src(%dma_wait3A_23 : memref<128x16x16xf32, #tpu.memory_space<hbm>>) dst(%arg4 : memref<128x16x16xf32, #tpu.memory_space<vmem>>)
    %scan3A = arith.constant 0 : i32
    %scan3A_24 = arith.constant 0 : i32
    %scan3A_25 = arith.constant 8 : i32
    %scan3A_26 = arith.addi %scan3A_24, %scan3A_25 : i32
    %scan3A_27 = arith.constant 1 : i32
    %scan3A_28 = scf.for %scan3A_87 = %scan3A_24 to %scan3A_26 step %scan3A_27 iter_args(%scan3A_88 = %scan3A) -> (i32)  : i32 {
      %add3A_89 = arith.constant 0 : i32
      %add3A_90 = arith.addi %add3A_89, %scan3A_87 : i32
      %mul3A_91 = arith.constant 16 : i32
      %mul3A_92 = arith.muli %scan3A_87, %mul3A_91 : i32
      %add3A_93 = vector.broadcast %mul3A_92 : i32 to vector<16xi32>
      %add3A_94 = arith.addi %add3A_93, %iota3A : vector<16xi32>
      %gather3A = tpu.vector_load_idx %arg4[%add3A_94, %broadcast_in_dim3A_3, %broadcast_in_dim3A_3] : memref<128x16x16xf32, #tpu.memory_space<vmem>>[vector<16xi32>, vector<16xi32>, vector<16xi32>], vector<16xf32>,
      %broadcast_in_dim3A_95 = arith.constant 1 : i32
      %broadcast_in_dim3A_96 = vector.broadcast %broadcast_in_dim3A_95 : i32 to vector<16xi32>
      %gather3A_97 = tpu.vector_load_idx %arg4[%add3A_94, %broadcast_in_dim3A_96, %broadcast_in_dim3A_3] : memref<128x16x16xf32, #tpu.memory_space<vmem>>[vector<16xi32>, vector<16xi32>, vector<16xi32>], vector<16xf32>,
      %gt3A = arith.cmpf ogt, %gather3A_97, %gather3A : vector<16xf32>
      %jit3A = arith.constant 1 : i32
      %broadcast_in_dim3A_98 = vector.broadcast %jit3A : i32 to vector<16xi32>
      %select_n3A = arith.select %gt3A, %broadcast_in_dim3A_98, %broadcast_in_dim3A_3 : vector<16xi1>, vector<16xi32>
      %max3A = arith.maximumf %gather3A_97, %gather3A : vector<16xf32>
      %broadcast_in_dim3A_99 = arith.constant 2 : i32
      %broadcast_in_dim3A_100 = vector.broadcast %broadcast_in_dim3A_99 : i32 to vector<16xi32>
      %gather3A_101 = tpu.vector_load_idx %arg4[%add3A_94, %broadcast_in_dim3A_100, %broadcast_in_dim3A_3] : memref<128x16x16xf32, #tpu.memory_space<vmem>>[vector<16xi32>, vector<16xi32>, vector<16xi32>], vector<16xf32>,
      %gt3A_102 = arith.cmpf ogt, %gather3A_101, %max3A : vector<16xf32>
      %jit3A_103 = arith.constant 2 : i32
      %broadcast_in_dim3A_104 = vector.broadcast %jit3A_103 : i32 to vector<16xi32>
      %select_n3A_105 = arith.select %gt3A_102, %broadcast_in_dim3A_104, %select_n3A : vector<16xi1>, vector<16xi32>
      %max3A_106 = arith.maximumf %gather3A_101, %max3A : vector<16xf32>
      %broadcast_in_dim3A_107 = arith.constant 3 : i32
      %broadcast_in_dim3A_108 = vector.broadcast %broadcast_in_dim3A_107 : i32 to vector<16xi32>
      %gather3A_109 = tpu.vector_load_idx %arg4[%add3A_94, %broadcast_in_dim3A_108, %broadcast_in_dim3A_3] : memref<128x16x16xf32, #tpu.memory_space<vmem>>[vector<16xi32>, vector<16xi32>, vector<16xi32>], vector<16xf32>,
      %gt3A_110 = arith.cmpf ogt, %gather3A_109, %max3A_106 : vector<16xf32>
      %jit3A_111 = arith.constant 3 : i32
      %broadcast_in_dim3A_112 = vector.broadcast %jit3A_111 : i32 to vector<16xi32>
      %select_n3A_113 = arith.select %gt3A_110, %broadcast_in_dim3A_112, %select_n3A_105 : vector<16xi1>, vector<16xi32>
      %max3A_114 = arith.maximumf %gather3A_109, %max3A_106 : vector<16xf32>
      %broadcast_in_dim3A_115 = arith.constant 4 : i32
      %broadcast_in_dim3A_116 = vector.broadcast %broadcast_in_dim3A_115 : i32 to vector<16xi32>
      %gather3A_117 = tpu.vector_load_idx %arg4[%add3A_94, %broadcast_in_dim3A_116, %broadcast_in_dim3A_3] : memref<128x16x16xf32, #tpu.memory_space<vmem>>[vector<16xi32>, vector<16xi32>, vector<16xi32>], vector<16xf32>,
      %gt3A_118 = arith.cmpf ogt, %gather3A_117, %max3A_114 : vector<16xf32>
      %jit3A_119 = arith.constant 4 : i32
      %broadcast_in_dim3A_120 = vector.broadcast %jit3A_119 : i32 to vector<16xi32>
      %select_n3A_121 = arith.select %gt3A_118, %broadcast_in_dim3A_120, %select_n3A_113 : vector<16xi1>, vector<16xi32>
      %max3A_122 = arith.maximumf %gather3A_117, %max3A_114 : vector<16xf32>
      %broadcast_in_dim3A_123 = arith.constant 5 : i32
      %broadcast_in_dim3A_124 = vector.broadcast %broadcast_in_dim3A_123 : i32 to vector<16xi32>
      %gather3A_125 = tpu.vector_load_idx %arg4[%add3A_94, %broadcast_in_dim3A_124, %broadcast_in_dim3A_3] : memref<128x16x16xf32, #tpu.memory_space<vmem>>[vector<16xi32>, vector<16xi32>, vector<16xi32>], vector<16xf32>,
      %gt3A_126 = arith.cmpf ogt, %gather3A_125, %max3A_122 : vector<16xf32>
      %jit3A_127 = arith.constant 5 : i32
      %broadcast_in_dim3A_128 = vector.broadcast %jit3A_127 : i32 to vector<16xi32>
      %select_n3A_129 = arith.select %gt3A_126, %broadcast_in_dim3A_128, %select_n3A_121 : vector<16xi1>, vector<16xi32>
      %max3A_130 = arith.maximumf %gather3A_125, %max3A_122 : vector<16xf32>
      %broadcast_in_dim3A_131 = arith.constant 6 : i32
      %broadcast_in_dim3A_132 = vector.broadcast %broadcast_in_dim3A_131 : i32 to vector<16xi32>
      %gather3A_133 = tpu.vector_load_idx %arg4[%add3A_94, %broadcast_in_dim3A_132, %broadcast_in_dim3A_3] : memref<128x16x16xf32, #tpu.memory_space<vmem>>[vector<16xi32>, vector<16xi32>, vector<16xi32>], vector<16xf32>,
      %gt3A_134 = arith.cmpf ogt, %gather3A_133, %max3A_130 : vector<16xf32>
      %jit3A_135 = arith.constant 6 : i32
      %broadcast_in_dim3A_136 = vector.broadcast %jit3A_135 : i32 to vector<16xi32>
      %select_n3A_137 = arith.select %gt3A_134, %broadcast_in_dim3A_136, %select_n3A_129 : vector<16xi1>, vector<16xi32>
      %max3A_138 = arith.maximumf %gather3A_133, %max3A_130 : vector<16xf32>
      %broadcast_in_dim3A_139 = arith.constant 7 : i32
      %broadcast_in_dim3A_140 = vector.broadcast %broadcast_in_dim3A_139 : i32 to vector<16xi32>
      %gather3A_141 = tpu.vector_load_idx %arg4[%add3A_94, %broadcast_in_dim3A_140, %broadcast_in_dim3A_3] : memref<128x16x16xf32, #tpu.memory_space<vmem>>[vector<16xi32>, vector<16xi32>, vector<16xi32>], vector<16xf32>,
      %gt3A_142 = arith.cmpf ogt, %gather3A_141, %max3A_138 : vector<16xf32>
      %jit3A_143 = arith.constant 7 : i32
      %broadcast_in_dim3A_144 = vector.broadcast %jit3A_143 : i32 to vector<16xi32>
      %select_n3A_145 = arith.select %gt3A_142, %broadcast_in_dim3A_144, %select_n3A_137 : vector<16xi1>, vector<16xi32>
      %max3A_146 = arith.maximumf %gather3A_141, %max3A_138 : vector<16xf32>
      %broadcast_in_dim3A_147 = arith.constant 8 : i32
      %broadcast_in_dim3A_148 = vector.broadcast %broadcast_in_dim3A_147 : i32 to vector<16xi32>
      %gather3A_149 = tpu.vector_load_idx %arg4[%add3A_94, %broadcast_in_dim3A_148, %broadcast_in_dim3A_3] : memref<128x16x16xf32, #tpu.memory_space<vmem>>[vector<16xi32>, vector<16xi32>, vector<16xi32>], vector<16xf32>,
      %gt3A_150 = arith.cmpf ogt, %gather3A_149, %max3A_146 : vector<16xf32>
      %jit3A_151 = arith.constant 8 : i32
      %broadcast_in_dim3A_152 = vector.broadcast %jit3A_151 : i32 to vector<16xi32>
      %select_n3A_153 = arith.select %gt3A_150, %broadcast_in_dim3A_152, %select_n3A_145 : vector<16xi1>, vector<16xi32>
      %max3A_154 = arith.maximumf %gather3A_149, %max3A_146 : vector<16xf32>
      %broadcast_in_dim3A_155 = arith.constant 9 : i32
      %broadcast_in_dim3A_156 = vector.broadcast %broadcast_in_dim3A_155 : i32 to vector<16xi32>
      %gather3A_157 = tpu.vector_load_idx %arg4[%add3A_94, %broadcast_in_dim3A_156, %broadcast_in_dim3A_3] : memref<128x16x16xf32, #tpu.memory_space<vmem>>[vector<16xi32>, vector<16xi32>, vector<16xi32>], vector<16xf32>,
      %gt3A_158 = arith.cmpf ogt, %gather3A_157, %max3A_154 : vector<16xf32>
      %jit3A_159 = arith.constant 9 : i32
      %broadcast_in_dim3A_160 = vector.broadcast %jit3A_159 : i32 to vector<16xi32>
      %select_n3A_161 = arith.select %gt3A_158, %broadcast_in_dim3A_160, %select_n3A_153 : vector<16xi1>, vector<16xi32>
      %max3A_162 = arith.maximumf %gather3A_157, %max3A_154 : vector<16xf32>
      %broadcast_in_dim3A_163 = arith.constant 10 : i32
      %broadcast_in_dim3A_164 = vector.broadcast %broadcast_in_dim3A_163 : i32 to vector<16xi32>
      %gather3A_165 = tpu.vector_load_idx %arg4[%add3A_94, %broadcast_in_dim3A_164, %broadcast_in_dim3A_3] : memref<128x16x16xf32, #tpu.memory_space<vmem>>[vector<16xi32>, vector<16xi32>, vector<16xi32>], vector<16xf32>,
      %gt3A_166 = arith.cmpf ogt, %gather3A_165, %max3A_162 : vector<16xf32>
      %jit3A_167 = arith.constant 10 : i32
      %broadcast_in_dim3A_168 = vector.broadcast %jit3A_167 : i32 to vector<16xi32>
      %select_n3A_169 = arith.select %gt3A_166, %broadcast_in_dim3A_168, %select_n3A_161 : vector<16xi1>, vector<16xi32>
      %max3A_170 = arith.maximumf %gather3A_165, %max3A_162 : vector<16xf32>
      %broadcast_in_dim3A_171 = arith.constant 11 : i32
      %broadcast_in_dim3A_172 = vector.broadcast %broadcast_in_dim3A_171 : i32 to vector<16xi32>
      %gather3A_173 = tpu.vector_load_idx %arg4[%add3A_94, %broadcast_in_dim3A_172, %broadcast_in_dim3A_3] : memref<128x16x16xf32, #tpu.memory_space<vmem>>[vector<16xi32>, vector<16xi32>, vector<16xi32>], vector<16xf32>,
      %gt3A_174 = arith.cmpf ogt, %gather3A_173, %max3A_170 : vector<16xf32>
      %jit3A_175 = arith.constant 11 : i32
      %broadcast_in_dim3A_176 = vector.broadcast %jit3A_175 : i32 to vector<16xi32>
      %select_n3A_177 = arith.select %gt3A_174, %broadcast_in_dim3A_176, %select_n3A_169 : vector<16xi1>, vector<16xi32>
      %max3A_178 = arith.maximumf %gather3A_173, %max3A_170 : vector<16xf32>
      %broadcast_in_dim3A_179 = arith.constant 12 : i32
      %broadcast_in_dim3A_180 = vector.broadcast %broadcast_in_dim3A_179 : i32 to vector<16xi32>
      %gather3A_181 = tpu.vector_load_idx %arg4[%add3A_94, %broadcast_in_dim3A_180, %broadcast_in_dim3A_3] : memref<128x16x16xf32, #tpu.memory_space<vmem>>[vector<16xi32>, vector<16xi32>, vector<16xi32>], vector<16xf32>,
      %gt3A_182 = arith.cmpf ogt, %gather3A_181, %max3A_178 : vector<16xf32>
      %jit3A_183 = arith.constant 12 : i32
      %broadcast_in_dim3A_184 = vector.broadcast %jit3A_183 : i32 to vector<16xi32>
      %select_n3A_185 = arith.select %gt3A_182, %broadcast_in_dim3A_184, %select_n3A_177 : vector<16xi1>, vector<16xi32>
      %max3A_186 = arith.maximumf %gather3A_181, %max3A_178 : vector<16xf32>
      %broadcast_in_dim3A_187 = arith.constant 13 : i32
      %broadcast_in_dim3A_188 = vector.broadcast %broadcast_in_dim3A_187 : i32 to vector<16xi32>
      %gather3A_189 = tpu.vector_load_idx %arg4[%add3A_94, %broadcast_in_dim3A_188, %broadcast_in_dim3A_3] : memref<128x16x16xf32, #tpu.memory_space<vmem>>[vector<16xi32>, vector<16xi32>, vector<16xi32>], vector<16xf32>,
      %gt3A_190 = arith.cmpf ogt, %gather3A_189, %max3A_186 : vector<16xf32>
      %jit3A_191 = arith.constant 13 : i32
      %broadcast_in_dim3A_192 = vector.broadcast %jit3A_191 : i32 to vector<16xi32>
      %select_n3A_193 = arith.select %gt3A_190, %broadcast_in_dim3A_192, %select_n3A_185 : vector<16xi1>, vector<16xi32>
      %max3A_194 = arith.maximumf %gather3A_189, %max3A_186 : vector<16xf32>
      %broadcast_in_dim3A_195 = arith.constant 14 : i32
      %broadcast_in_dim3A_196 = vector.broadcast %broadcast_in_dim3A_195 : i32 to vector<16xi32>
      %gather3A_197 = tpu.vector_load_idx %arg4[%add3A_94, %broadcast_in_dim3A_196, %broadcast_in_dim3A_3] : memref<128x16x16xf32, #tpu.memory_space<vmem>>[vector<16xi32>, vector<16xi32>, vector<16xi32>], vector<16xf32>,
      %gt3A_198 = arith.cmpf ogt, %gather3A_197, %max3A_194 : vector<16xf32>
      %jit3A_199 = arith.constant 14 : i32
      %broadcast_in_dim3A_200 = vector.broadcast %jit3A_199 : i32 to vector<16xi32>
      %select_n3A_201 = arith.select %gt3A_198, %broadcast_in_dim3A_200, %select_n3A_193 : vector<16xi1>, vector<16xi32>
      %max3A_202 = arith.maximumf %gather3A_197, %max3A_194 : vector<16xf32>
      %broadcast_in_dim3A_203 = arith.constant 15 : i32
      %broadcast_in_dim3A_204 = vector.broadcast %broadcast_in_dim3A_203 : i32 to vector<16xi32>
      %gather3A_205 = tpu.vector_load_idx %arg4[%add3A_94, %broadcast_in_dim3A_204, %broadcast_in_dim3A_3] : memref<128x16x16xf32, #tpu.memory_space<vmem>>[vector<16xi32>, vector<16xi32>, vector<16xi32>], vector<16xf32>,
      %gt3A_206 = arith.cmpf ogt, %gather3A_205, %max3A_202 : vector<16xf32>
      %jit3A_207 = arith.constant 15 : i32
      %broadcast_in_dim3A_208 = vector.broadcast %jit3A_207 : i32 to vector<16xi32>
      %select_n3A_209 = arith.select %gt3A_206, %broadcast_in_dim3A_208, %select_n3A_201 : vector<16xi1>, vector<16xi32>
      %max3A_210 = arith.maximumf %gather3A_205, %max3A_202 : vector<16xf32>
      %ge3A = arith.constant 5.000000e-01 : f32
      %ge3A_211 = vector.broadcast %ge3A : f32 to vector<16xf32>
      %ge3A_212 = arith.cmpf oge, %max3A_210, %ge3A_211 : vector<16xf32>
      %convert_element_type3A = arith.extui %ge3A_212 : vector<16xi1> to vector<16xi32>
      %mul3A_213 = arith.constant 16 : i32
      %mul3A_214 = arith.muli %add3A_90, %mul3A_213 : i32
      %swap3A = arith.index_cast %mul3A_214 : i32 to index
      %swap3A_215 = tpu.vector_load %arg7[%swap3A] {strides = array<i32>} : memref<512xi32, #tpu.memory_space<vmem>>, vector<16xi32>,
      tpu.vector_store %arg7[%swap3A], %convert_element_type3A {strides = array<i32>} : memref<512xi32, #tpu.memory_space<vmem>>, vector<16xi32>,
      %mul3A_216 = arith.constant 16 : i32
      %mul3A_217 = arith.muli %add3A_90, %mul3A_216 : i32
      %swap3A_218 = arith.index_cast %mul3A_217 : i32 to index
      %swap3A_219 = tpu.vector_load %arg8[%swap3A_218] {strides = array<i32>} : memref<512xi32, #tpu.memory_space<vmem>>, vector<16xi32>,
      tpu.vector_store %arg8[%swap3A_218], %select_n3A_209 {strides = array<i32>} : memref<512xi32, #tpu.memory_space<vmem>>, vector<16xi32>,
      %all_reduce_population_count3A = tpu.all_reduce %ge3A_212 {dim = 0 : i64, kind = #tpu.reduction_kind<sum>} : vector<16xi1> -> vector<16xi32>
      %slice3A = vector.extract_strided_slice %all_reduce_population_count3A {offsets = [15], sizes = [1], strides = [1]} : vector<16xi32> to vector<1xi32>
      %squeeze3A = vector.extract %slice3A[0] : i32 from vector<1xi32>
      %lt3A = arith.constant 16 : i32
      %lt3A_220 = arith.cmpi slt, %squeeze3A, %lt3A : i32
      %convert_element_type3A_221 = arith.extui %lt3A_220 : i1 to i32
      %cond3A = arith.constant 0 : i32
      %cond3A_222 = arith.cmpi ne, %convert_element_type3A_221, %cond3A : i32
      scf.if %cond3A_222 {
        %mul3A_224 = arith.constant 16 : i32
        %mul3A_225 = arith.muli %add3A_90, %mul3A_224 : i32
        %add3A_226 = arith.addi %mul3A_2, %mul3A_225 : i32
        "tpu.region"() ({
          %run_scoped3A = tpu.sem_alloc : memref<!tpu.dma_semaphore, #tpu.memory_space<semaphore_mem>>
          %dma_start3A_241 = arith.constant 0 : i32
          %dma_start3A_242 = arith.constant 0 : i32
          %dma_start3A_243 = tpu.memref_slice %arg2[%add3A_226, %dma_start3A_241, %dma_start3A_242] : memref<16384x16x128xf32, #tpu.memory_space<hbm>> -> memref<16x16x128xf32, #tpu.memory_space<hbm>>
          %dma_start3A_244 = arith.constant 0 : i32
          %dma_start3A_245 = arith.constant 0 : i32
          %dma_start3A_246 = tpu.memref_slice %arg2[%add3A_226, %dma_start3A_244, %dma_start3A_245] : memref<16384x16x128xf32, #tpu.memory_space<hbm>> -> memref<16x16x128xf32, #tpu.memory_space<hbm>>
          tpu.enqueue_dma source(%dma_start3A_246 : memref<16x16x128xf32, #tpu.memory_space<hbm>>) target(%arg6 : memref<16x16x128xf32, #tpu.memory_space<vmem>>) target_semaphore(%run_scoped3A : memref<!tpu.dma_semaphore, #tpu.memory_space<semaphore_mem>>)
          %dma_wait3A_247 = arith.constant 0 : i32
          %dma_wait3A_248 = arith.constant 0 : i32
          %dma_wait3A_249 = tpu.memref_slice %arg2[%add3A_226, %dma_wait3A_247, %dma_wait3A_248] : memref<16384x16x128xf32, #tpu.memory_space<hbm>> -> memref<16x16x128xf32, #tpu.memory_space<hbm>>
          %dma_wait3A_250 = arith.constant 0 : i32
          %dma_wait3A_251 = arith.constant 0 : i32
          %dma_wait3A_252 = tpu.memref_slice %arg2[%add3A_226, %dma_wait3A_250, %dma_wait3A_251] : memref<16384x16x128xf32, #tpu.memory_space<hbm>> -> memref<16x16x128xf32, #tpu.memory_space<hbm>>
          tpu.wait_dma2 semaphore(%run_scoped3A : memref<!tpu.dma_semaphore, #tpu.memory_space<semaphore_mem>>) src(%dma_wait3A_252 : memref<16x16x128xf32, #tpu.memory_space<hbm>>) dst(%arg6 : memref<16x16x128xf32, #tpu.memory_space<vmem>>)
          tpu.yield
        }) : () -> ()
        %scan3A_227 = arith.constant 0 : i32
        %scan3A_228 = arith.constant 16 : i32
        %scan3A_229 = arith.addi %scan3A_227, %scan3A_228 : i32
        %scan3A_230 = arith.constant 1 : i32
        %scan3A_231:2 = scf.for %scan3A_241 = %scan3A_227 to %scan3A_229 step %scan3A_230 iter_args(%scan3A_242 = %broadcast_in_dim3A_3, %scan3A_243 = %broadcast_in_dim3A_3) -> (vector<16xi32>, vector<16xi32>)  : i32 {
          %scan3A_244 = arith.constant 128 : i32
          %scan3A_245 = arith.constant 0 : i32
          %scan3A_246 = arith.constant 8 : i32
          %scan3A_247 = arith.addi %scan3A_245, %scan3A_246 : i32
          %scan3A_248 = arith.constant 1 : i32
          %scan3A_249 = scf.for %scan3A_279 = %scan3A_245 to %scan3A_247 step %scan3A_248 iter_args(%scan3A_280 = %scan3A_244) -> (i32)  : i32 {
            %mul3A_281 = arith.constant 16 : i32
            %mul3A_282 = arith.muli %scan3A_279, %mul3A_281 : i32
            %get3A = arith.constant 0 : i32
            %get3A_283 = arith.index_cast %scan3A_241 : i32 to index
            %get3A_284 = arith.index_cast %get3A : i32 to index
            %get3A_285 = arith.index_cast %mul3A_282 : i32 to index
            %get3A_286 = tpu.vector_load %arg6[%get3A_283, %get3A_284, %get3A_285] {strides = array<i32>} : memref<16x16x128xf32, #tpu.memory_space<vmem>>, vector<16xf32>,
            %mul3A_287 = arith.constant 16 : i32
            %mul3A_288 = arith.muli %scan3A_279, %mul3A_287 : i32
            %get3A_289 = arith.constant 1 : i32
            %get3A_290 = arith.index_cast %scan3A_241 : i32 to index
            %get3A_291 = arith.index_cast %get3A_289 : i32 to index
            %get3A_292 = arith.index_cast %mul3A_288 : i32 to index
            %get3A_293 = tpu.vector_load %arg6[%get3A_290, %get3A_291, %get3A_292] {strides = array<i32>} : memref<16x16x128xf32, #tpu.memory_space<vmem>>, vector<16xf32>,
            %max3A_294 = arith.maximumf %get3A_286, %get3A_293 : vector<16xf32>
            %mul3A_295 = arith.constant 16 : i32
            %mul3A_296 = arith.muli %scan3A_279, %mul3A_295 : i32
            %get3A_297 = arith.constant 2 : i32
            %get3A_298 = arith.index_cast %scan3A_241 : i32 to index
            %get3A_299 = arith.index_cast %get3A_297 : i32 to index
            %get3A_300 = arith.index_cast %mul3A_296 : i32 to index
            %get3A_301 = tpu.vector_load %arg6[%get3A_298, %get3A_299, %get3A_300] {strides = array<i32>} : memref<16x16x128xf32, #tpu.memory_space<vmem>>, vector<16xf32>,
            %max3A_302 = arith.maximumf %max3A_294, %get3A_301 : vector<16xf32>
            %mul3A_303 = arith.constant 16 : i32
            %mul3A_304 = arith.muli %scan3A_279, %mul3A_303 : i32
            %get3A_305 = arith.constant 3 : i32
            %get3A_306 = arith.index_cast %scan3A_241 : i32 to index
            %get3A_307 = arith.index_cast %get3A_305 : i32 to index
            %get3A_308 = arith.index_cast %mul3A_304 : i32 to index
            %get3A_309 = tpu.vector_load %arg6[%get3A_306, %get3A_307, %get3A_308] {strides = array<i32>} : memref<16x16x128xf32, #tpu.memory_space<vmem>>, vector<16xf32>,
            %max3A_310 = arith.maximumf %max3A_302, %get3A_309 : vector<16xf32>
            %mul3A_311 = arith.constant 16 : i32
            %mul3A_312 = arith.muli %scan3A_279, %mul3A_311 : i32
            %get3A_313 = arith.constant 4 : i32
            %get3A_314 = arith.index_cast %scan3A_241 : i32 to index
            %get3A_315 = arith.index_cast %get3A_313 : i32 to index
            %get3A_316 = arith.index_cast %mul3A_312 : i32 to index
            %get3A_317 = tpu.vector_load %arg6[%get3A_314, %get3A_315, %get3A_316] {strides = array<i32>} : memref<16x16x128xf32, #tpu.memory_space<vmem>>, vector<16xf32>,
            %max3A_318 = arith.maximumf %max3A_310, %get3A_317 : vector<16xf32>
            %mul3A_319 = arith.constant 16 : i32
            %mul3A_320 = arith.muli %scan3A_279, %mul3A_319 : i32
            %get3A_321 = arith.constant 5 : i32
            %get3A_322 = arith.index_cast %scan3A_241 : i32 to index
            %get3A_323 = arith.index_cast %get3A_321 : i32 to index
            %get3A_324 = arith.index_cast %mul3A_320 : i32 to index
            %get3A_325 = tpu.vector_load %arg6[%get3A_322, %get3A_323, %get3A_324] {strides = array<i32>} : memref<16x16x128xf32, #tpu.memory_space<vmem>>, vector<16xf32>,
            %max3A_326 = arith.maximumf %max3A_318, %get3A_325 : vector<16xf32>
            %mul3A_327 = arith.constant 16 : i32
            %mul3A_328 = arith.muli %scan3A_279, %mul3A_327 : i32
            %get3A_329 = arith.constant 6 : i32
            %get3A_330 = arith.index_cast %scan3A_241 : i32 to index
            %get3A_331 = arith.index_cast %get3A_329 : i32 to index
            %get3A_332 = arith.index_cast %mul3A_328 : i32 to index
            %get3A_333 = tpu.vector_load %arg6[%get3A_330, %get3A_331, %get3A_332] {strides = array<i32>} : memref<16x16x128xf32, #tpu.memory_space<vmem>>, vector<16xf32>,
            %max3A_334 = arith.maximumf %max3A_326, %get3A_333 : vector<16xf32>
            %mul3A_335 = arith.constant 16 : i32
            %mul3A_336 = arith.muli %scan3A_279, %mul3A_335 : i32
            %get3A_337 = arith.constant 7 : i32
            %get3A_338 = arith.index_cast %scan3A_241 : i32 to index
            %get3A_339 = arith.index_cast %get3A_337 : i32 to index
            %get3A_340 = arith.index_cast %mul3A_336 : i32 to index
            %get3A_341 = tpu.vector_load %arg6[%get3A_338, %get3A_339, %get3A_340] {strides = array<i32>} : memref<16x16x128xf32, #tpu.memory_space<vmem>>, vector<16xf32>,
            %max3A_342 = arith.maximumf %max3A_334, %get3A_341 : vector<16xf32>
            %mul3A_343 = arith.constant 16 : i32
            %mul3A_344 = arith.muli %scan3A_279, %mul3A_343 : i32
            %get3A_345 = arith.constant 8 : i32
            %get3A_346 = arith.index_cast %scan3A_241 : i32 to index
            %get3A_347 = arith.index_cast %get3A_345 : i32 to index
            %get3A_348 = arith.index_cast %mul3A_344 : i32 to index
            %get3A_349 = tpu.vector_load %arg6[%get3A_346, %get3A_347, %get3A_348] {strides = array<i32>} : memref<16x16x128xf32, #tpu.memory_space<vmem>>, vector<16xf32>,
            %max3A_350 = arith.maximumf %max3A_342, %get3A_349 : vector<16xf32>
            %mul3A_351 = arith.constant 16 : i32
            %mul3A_352 = arith.muli %scan3A_279, %mul3A_351 : i32
            %get3A_353 = arith.constant 9 : i32
            %get3A_354 = arith.index_cast %scan3A_241 : i32 to index
            %get3A_355 = arith.index_cast %get3A_353 : i32 to index
            %get3A_356 = arith.index_cast %mul3A_352 : i32 to index
            %get3A_357 = tpu.vector_load %arg6[%get3A_354, %get3A_355, %get3A_356] {strides = array<i32>} : memref<16x16x128xf32, #tpu.memory_space<vmem>>, vector<16xf32>,
            %max3A_358 = arith.maximumf %max3A_350, %get3A_357 : vector<16xf32>
            %mul3A_359 = arith.constant 16 : i32
            %mul3A_360 = arith.muli %scan3A_279, %mul3A_359 : i32
            %get3A_361 = arith.constant 10 : i32
            %get3A_362 = arith.index_cast %scan3A_241 : i32 to index
            %get3A_363 = arith.index_cast %get3A_361 : i32 to index
            %get3A_364 = arith.index_cast %mul3A_360 : i32 to index
            %get3A_365 = tpu.vector_load %arg6[%get3A_362, %get3A_363, %get3A_364] {strides = array<i32>} : memref<16x16x128xf32, #tpu.memory_space<vmem>>, vector<16xf32>,
            %max3A_366 = arith.maximumf %max3A_358, %get3A_365 : vector<16xf32>
            %mul3A_367 = arith.constant 16 : i32
            %mul3A_368 = arith.muli %scan3A_279, %mul3A_367 : i32
            %get3A_369 = arith.constant 11 : i32
            %get3A_370 = arith.index_cast %scan3A_241 : i32 to index
            %get3A_371 = arith.index_cast %get3A_369 : i32 to index
            %get3A_372 = arith.index_cast %mul3A_368 : i32 to index
            %get3A_373 = tpu.vector_load %arg6[%get3A_370, %get3A_371, %get3A_372] {strides = array<i32>} : memref<16x16x128xf32, #tpu.memory_space<vmem>>, vector<16xf32>,
            %max3A_374 = arith.maximumf %max3A_366, %get3A_373 : vector<16xf32>
            %mul3A_375 = arith.constant 16 : i32
            %mul3A_376 = arith.muli %scan3A_279, %mul3A_375 : i32
            %get3A_377 = arith.constant 12 : i32
            %get3A_378 = arith.index_cast %scan3A_241 : i32 to index
            %get3A_379 = arith.index_cast %get3A_377 : i32 to index
            %get3A_380 = arith.index_cast %mul3A_376 : i32 to index
            %get3A_381 = tpu.vector_load %arg6[%get3A_378, %get3A_379, %get3A_380] {strides = array<i32>} : memref<16x16x128xf32, #tpu.memory_space<vmem>>, vector<16xf32>,
            %max3A_382 = arith.maximumf %max3A_374, %get3A_381 : vector<16xf32>
            %mul3A_383 = arith.constant 16 : i32
            %mul3A_384 = arith.muli %scan3A_279, %mul3A_383 : i32
            %get3A_385 = arith.constant 13 : i32
            %get3A_386 = arith.index_cast %scan3A_241 : i32 to index
            %get3A_387 = arith.index_cast %get3A_385 : i32 to index
            %get3A_388 = arith.index_cast %mul3A_384 : i32 to index
            %get3A_389 = tpu.vector_load %arg6[%get3A_386, %get3A_387, %get3A_388] {strides = array<i32>} : memref<16x16x128xf32, #tpu.memory_space<vmem>>, vector<16xf32>,
            %max3A_390 = arith.maximumf %max3A_382, %get3A_389 : vector<16xf32>
            %mul3A_391 = arith.constant 16 : i32
            %mul3A_392 = arith.muli %scan3A_279, %mul3A_391 : i32
            %get3A_393 = arith.constant 14 : i32
            %get3A_394 = arith.index_cast %scan3A_241 : i32 to index
            %get3A_395 = arith.index_cast %get3A_393 : i32 to index
            %get3A_396 = arith.index_cast %mul3A_392 : i32 to index
            %get3A_397 = tpu.vector_load %arg6[%get3A_394, %get3A_395, %get3A_396] {strides = array<i32>} : memref<16x16x128xf32, #tpu.memory_space<vmem>>, vector<16xf32>,
            %max3A_398 = arith.maximumf %max3A_390, %get3A_397 : vector<16xf32>
            %mul3A_399 = arith.constant 16 : i32
            %mul3A_400 = arith.muli %scan3A_279, %mul3A_399 : i32
            %get3A_401 = arith.constant 15 : i32
            %get3A_402 = arith.index_cast %scan3A_241 : i32 to index
            %get3A_403 = arith.index_cast %get3A_401 : i32 to index
            %get3A_404 = arith.index_cast %mul3A_400 : i32 to index
            %get3A_405 = tpu.vector_load %arg6[%get3A_402, %get3A_403, %get3A_404] {strides = array<i32>} : memref<16x16x128xf32, #tpu.memory_space<vmem>>, vector<16xf32>,
            %max3A_406 = arith.maximumf %max3A_398, %get3A_405 : vector<16xf32>
            %ge3A_407 = arith.constant 5.000000e-01 : f32
            %ge3A_408 = vector.broadcast %ge3A_407 : f32 to vector<16xf32>
            %ge3A_409 = arith.cmpf oge, %max3A_406, %ge3A_408 : vector<16xf32>
            %mul3A_410 = arith.constant 16 : i32
            %mul3A_411 = arith.muli %scan3A_279, %mul3A_410 : i32
            %add3A_412 = vector.broadcast %mul3A_411 : i32 to vector<16xi32>
            %add3A_413 = arith.addi %add3A_412, %iota3A : vector<16xi32>
            %jit3A_414 = arith.constant 128 : i32
            %broadcast_in_dim3A_415 = vector.broadcast %jit3A_414 : i32 to vector<16xi32>
            %select_n3A_416 = arith.select %ge3A_409, %add3A_413, %broadcast_in_dim3A_415 : vector<16xi1>, vector<16xi32>
            %reduce_min3A_417 = arith.constant true
            %reduce_min3A_418 = vector.broadcast %reduce_min3A_417 : i1 to vector<16xi1>
            %reduce_min3A_419 = arith.constant -2147483648 : i32
            %reduce_min3A_420 = vector.broadcast %reduce_min3A_419 : i32 to vector<16xi32>
            %reduce_min3A_421 = arith.xori %select_n3A_416, %reduce_min3A_420 : vector<16xi32>
            %reduce_min3A_422 = tpu.scan <min>, %reduce_min3A_421 masked %reduce_min3A_418 : vector<16xi32>, vector<16xi1> -> vector<16xi32>
            %reduce_min3A_423 = arith.xori %reduce_min3A_422, %reduce_min3A_420 : vector<16xi32>
            %reduce_min3A_424 = vector.extract %reduce_min3A_423[15] : i32 from vector<16xi32>
            %min3A = arith.minsi %scan3A_280, %reduce_min3A_424 : i32
            scf.yield %min3A : i32
          }
          %scan3A_250 = arith.constant 8 : i32
          %lt3A_251 = arith.constant 128 : i32
          %lt3A_252 = arith.cmpi slt, %scan3A_249, %lt3A_251 : i32
          %jit3A_253 = arith.constant 0 : i32
          %select_n3A_254 = arith.select %lt3A_252, %scan3A_249, %jit3A_253 : i32
          %broadcast_in_dim3A_255 = vector.broadcast %scan3A_241 : i32 to vector<16xi32>
          %broadcast_in_dim3A_256 = vector.broadcast %select_n3A_254 : i32 to vector<16xi32>
          %gather3A_257 = tpu.vector_load_idx %arg6[%broadcast_in_dim3A_255, %iota3A, %broadcast_in_dim3A_256] : memref<16x16x128xf32, #tpu.memory_space<vmem>>[vector<16xi32>, vector<16xi32>, vector<16xi32>], vector<16xf32>,
          %reduce_max3A = arith.constant true
          %reduce_max3A_258 = vector.broadcast %reduce_max3A : i1 to vector<16xi1>
          %reduce_max3A_259 = tpu.scan <max>, %gather3A_257 masked %reduce_max3A_258 : vector<16xf32>, vector<16xi1> -> vector<16xf32>
          %reduce_max3A_260 = vector.extract %reduce_max3A_259[15] : f32 from vector<16xf32>
          %eq3A = vector.broadcast %reduce_max3A_260 : f32 to vector<16xf32>
          %eq3A_261 = arith.cmpf oeq, %gather3A_257, %eq3A : vector<16xf32>
          %jit3A_262 = arith.constant 16 : i32
          %broadcast_in_dim3A_263 = vector.broadcast %jit3A_262 : i32 to vector<16xi32>
          %select_n3A_264 = arith.select %eq3A_261, %iota3A, %broadcast_in_dim3A_263 : vector<16xi1>, vector<16xi32>
          %reduce_min3A = arith.constant true
          %reduce_min3A_265 = vector.broadcast %reduce_min3A : i1 to vector<16xi1>
          %reduce_min3A_266 = arith.constant -2147483648 : i32
          %reduce_min3A_267 = vector.broadcast %reduce_min3A_266 : i32 to vector<16xi32>
          %reduce_min3A_268 = arith.xori %select_n3A_264, %reduce_min3A_267 : vector<16xi32>
          %reduce_min3A_269 = tpu.scan <min>, %reduce_min3A_268 masked %reduce_min3A_265 : vector<16xi32>, vector<16xi1> -> vector<16xi32>
          %reduce_min3A_270 = arith.xori %reduce_min3A_269, %reduce_min3A_267 : vector<16xi32>
          %reduce_min3A_271 = vector.extract %reduce_min3A_270[15] : i32 from vector<16xi32>
          %eq3A_272 = vector.broadcast %scan3A_241 : i32 to vector<16xi32>
          %eq3A_273 = arith.cmpi eq, %iota3A, %eq3A_272 : vector<16xi32>
          %convert_element_type3A_274 = arith.extui %lt3A_252 : i1 to i32
          %broadcast_in_dim3A_275 = vector.broadcast %convert_element_type3A_274 : i32 to vector<16xi32>
          %select_n3A_276 = arith.select %eq3A_273, %broadcast_in_dim3A_275, %scan3A_242 : vector<16xi1>, vector<16xi32>
          %broadcast_in_dim3A_277 = vector.broadcast %reduce_min3A_271 : i32 to vector<16xi32>
          %select_n3A_278 = arith.select %eq3A_273, %broadcast_in_dim3A_277, %scan3A_243 : vector<16xi1>, vector<16xi32>
          scf.yield %select_n3A_276, %select_n3A_278 : vector<16xi32>, vector<16xi32>
        }
        %scan3A_232 = arith.constant 16 : i32
        %mul3A_233 = arith.constant 16 : i32
        %mul3A_234 = arith.muli %add3A_90, %mul3A_233 : i32
        %swap3A_235 = arith.index_cast %mul3A_234 : i32 to index
        %swap3A_236 = tpu.vector_load %arg7[%swap3A_235] {strides = array<i32>} : memref<512xi32, #tpu.memory_space<vmem>>, vector<16xi32>,
        tpu.vector_store %arg7[%swap3A_235], %scan3A_231#0 {strides = array<i32>} : memref<512xi32, #tpu.memory_space<vmem>>, vector<16xi32>,
        %mul3A_237 = arith.constant 16 : i32
        %mul3A_238 = arith.muli %add3A_90, %mul3A_237 : i32
        %swap3A_239 = arith.index_cast %mul3A_238 : i32 to index
        %swap3A_240 = tpu.vector_load %arg8[%swap3A_239] {strides = array<i32>} : memref<512xi32, #tpu.memory_space<vmem>>, vector<16xi32>,
        tpu.vector_store %arg8[%swap3A_239], %scan3A_231#1 {strides = array<i32>} : memref<512xi32, #tpu.memory_space<vmem>>, vector<16xi32>,
      } else {
      }
      %scan3A_223 = arith.constant 0 : i32
      scf.yield %scan3A_223 : i32
    }
    %scan3A_29 = arith.constant 8 : i32
    %add3A_30 = arith.constant 256 : i32
    %add3A_31 = arith.addi %mul3A_2, %add3A_30 : i32
    %dma_start3A_32 = arith.constant 0 : i32
    %dma_start3A_33 = arith.constant 0 : i32
    %dma_start3A_34 = tpu.memref_slice %arg2[%add3A_31, %dma_start3A_32, %dma_start3A_33] : memref<16384x16x128xf32, #tpu.memory_space<hbm>> -> memref<128x16x16xf32, #tpu.memory_space<hbm>>
    %dma_start3A_35 = arith.constant 0 : i32
    %dma_start3A_36 = arith.constant 0 : i32
    %dma_start3A_37 = tpu.memref_slice %arg2[%add3A_31, %dma_start3A_35, %dma_start3A_36] : memref<16384x16x128xf32, #tpu.memory_space<hbm>> -> memref<128x16x16xf32, #tpu.memory_space<hbm>>
    tpu.enqueue_dma source(%dma_start3A_37 : memref<128x16x16xf32, #tpu.memory_space<hbm>>) target(%arg4 : memref<128x16x16xf32, #tpu.memory_space<vmem>>) target_semaphore(%arg9 : memref<!tpu.dma_semaphore, #tpu.memory_space<semaphore_mem>>)
    %dma_wait3A_38 = arith.constant 0 : i32
    %dma_wait3A_39 = arith.constant 0 : i32
    %dma_wait3A_40 = tpu.memref_slice %arg2[%add3A_12, %dma_wait3A_38, %dma_wait3A_39] : memref<16384x16x128xf32, #tpu.memory_space<hbm>> -> memref<128x16x16xf32, #tpu.memory_space<hbm>>
    %dma_wait3A_41 = arith.constant 0 : i32
    %dma_wait3A_42 = arith.constant 0 : i32
    %dma_wait3A_43 = tpu.memref_slice %arg2[%add3A_12, %dma_wait3A_41, %dma_wait3A_42] : memref<16384x16x128xf32, #tpu.memory_space<hbm>> -> memref<128x16x16xf32, #tpu.memory_space<hbm>>
    tpu.wait_dma2 semaphore(%arg10 : memref<!tpu.dma_semaphore, #tpu.memory_space<semaphore_mem>>) src(%dma_wait3A_43 : memref<128x16x16xf32, #tpu.memory_space<hbm>>) dst(%arg5 : memref<128x16x16xf32, #tpu.memory_space<vmem>>)
    %scan3A_44 = arith.constant 0 : i32
    %scan3A_45 = arith.constant 0 : i32
    %scan3A_46 = arith.constant 8 : i32
    %scan3A_47 = arith.addi %scan3A_45, %scan3A_46 : i32
    %scan3A_48 = arith.constant 1 : i32
    %scan3A_49 = scf.for %scan3A_87 = %scan3A_45 to %scan3A_47 step %scan3A_48 iter_args(%scan3A_88 = %scan3A_44) -> (i32)  : i32 {
      %add3A_89 = arith.constant 8 : i32
      %add3A_90 = arith.addi %add3A_89, %scan3A_87 : i32
      %mul3A_91 = arith.constant 16 : i32
      %mul3A_92 = arith.muli %scan3A_87, %mul3A_91 : i32
      %add3A_93 = vector.broadcast %mul3A_92 : i32 to vector<16xi32>
      %add3A_94 = arith.addi %add3A_93, %iota3A : vector<16xi32>
      %gather3A = tpu.vector_load_idx %arg5[%add3A_94, %broadcast_in_dim3A_3, %broadcast_in_dim3A_3] : memref<128x16x16xf32, #tpu.memory_space<vmem>>[vector<16xi32>, vector<16xi32>, vector<16xi32>], vector<16xf32>,
      %broadcast_in_dim3A_95 = arith.constant 1 : i32
      %broadcast_in_dim3A_96 = vector.broadcast %broadcast_in_dim3A_95 : i32 to vector<16xi32>
      %gather3A_97 = tpu.vector_load_idx %arg5[%add3A_94, %broadcast_in_dim3A_96, %broadcast_in_dim3A_3] : memref<128x16x16xf32, #tpu.memory_space<vmem>>[vector<16xi32>, vector<16xi32>, vector<16xi32>], vector<16xf32>,
      %gt3A = arith.cmpf ogt, %gather3A_97, %gather3A : vector<16xf32>
      %jit3A = arith.constant 1 : i32
      %broadcast_in_dim3A_98 = vector.broadcast %jit3A : i32 to vector<16xi32>
      %select_n3A = arith.select %gt3A, %broadcast_in_dim3A_98, %broadcast_in_dim3A_3 : vector<16xi1>, vector<16xi32>
      %max3A = arith.maximumf %gather3A_97, %gather3A : vector<16xf32>
      %broadcast_in_dim3A_99 = arith.constant 2 : i32
      %broadcast_in_dim3A_100 = vector.broadcast %broadcast_in_dim3A_99 : i32 to vector<16xi32>
      %gather3A_101 = tpu.vector_load_idx %arg5[%add3A_94, %broadcast_in_dim3A_100, %broadcast_in_dim3A_3] : memref<128x16x16xf32, #tpu.memory_space<vmem>>[vector<16xi32>, vector<16xi32>, vector<16xi32>], vector<16xf32>,
      %gt3A_102 = arith.cmpf ogt, %gather3A_101, %max3A : vector<16xf32>
      %jit3A_103 = arith.constant 2 : i32
      %broadcast_in_dim3A_104 = vector.broadcast %jit3A_103 : i32 to vector<16xi32>
      %select_n3A_105 = arith.select %gt3A_102, %broadcast_in_dim3A_104, %select_n3A : vector<16xi1>, vector<16xi32>
      %max3A_106 = arith.maximumf %gather3A_101, %max3A : vector<16xf32>
      %broadcast_in_dim3A_107 = arith.constant 3 : i32
      %broadcast_in_dim3A_108 = vector.broadcast %broadcast_in_dim3A_107 : i32 to vector<16xi32>
      %gather3A_109 = tpu.vector_load_idx %arg5[%add3A_94, %broadcast_in_dim3A_108, %broadcast_in_dim3A_3] : memref<128x16x16xf32, #tpu.memory_space<vmem>>[vector<16xi32>, vector<16xi32>, vector<16xi32>], vector<16xf32>,
      %gt3A_110 = arith.cmpf ogt, %gather3A_109, %max3A_106 : vector<16xf32>
      %jit3A_111 = arith.constant 3 : i32
      %broadcast_in_dim3A_112 = vector.broadcast %jit3A_111 : i32 to vector<16xi32>
      %select_n3A_113 = arith.select %gt3A_110, %broadcast_in_dim3A_112, %select_n3A_105 : vector<16xi1>, vector<16xi32>
      %max3A_114 = arith.maximumf %gather3A_109, %max3A_106 : vector<16xf32>
      %broadcast_in_dim3A_115 = arith.constant 4 : i32
      %broadcast_in_dim3A_116 = vector.broadcast %broadcast_in_dim3A_115 : i32 to vector<16xi32>
      %gather3A_117 = tpu.vector_load_idx %arg5[%add3A_94, %broadcast_in_dim3A_116, %broadcast_in_dim3A_3] : memref<128x16x16xf32, #tpu.memory_space<vmem>>[vector<16xi32>, vector<16xi32>, vector<16xi32>], vector<16xf32>,
      %gt3A_118 = arith.cmpf ogt, %gather3A_117, %max3A_114 : vector<16xf32>
      %jit3A_119 = arith.constant 4 : i32
      %broadcast_in_dim3A_120 = vector.broadcast %jit3A_119 : i32 to vector<16xi32>
      %select_n3A_121 = arith.select %gt3A_118, %broadcast_in_dim3A_120, %select_n3A_113 : vector<16xi1>, vector<16xi32>
      %max3A_122 = arith.maximumf %gather3A_117, %max3A_114 : vector<16xf32>
      %broadcast_in_dim3A_123 = arith.constant 5 : i32
      %broadcast_in_dim3A_124 = vector.broadcast %broadcast_in_dim3A_123 : i32 to vector<16xi32>
      %gather3A_125 = tpu.vector_load_idx %arg5[%add3A_94, %broadcast_in_dim3A_124, %broadcast_in_dim3A_3] : memref<128x16x16xf32, #tpu.memory_space<vmem>>[vector<16xi32>, vector<16xi32>, vector<16xi32>], vector<16xf32>,
      %gt3A_126 = arith.cmpf ogt, %gather3A_125, %max3A_122 : vector<16xf32>
      %jit3A_127 = arith.constant 5 : i32
      %broadcast_in_dim3A_128 = vector.broadcast %jit3A_127 : i32 to vector<16xi32>
      %select_n3A_129 = arith.select %gt3A_126, %broadcast_in_dim3A_128, %select_n3A_121 : vector<16xi1>, vector<16xi32>
      %max3A_130 = arith.maximumf %gather3A_125, %max3A_122 : vector<16xf32>
      %broadcast_in_dim3A_131 = arith.constant 6 : i32
      %broadcast_in_dim3A_132 = vector.broadcast %broadcast_in_dim3A_131 : i32 to vector<16xi32>
      %gather3A_133 = tpu.vector_load_idx %arg5[%add3A_94, %broadcast_in_dim3A_132, %broadcast_in_dim3A_3] : memref<128x16x16xf32, #tpu.memory_space<vmem>>[vector<16xi32>, vector<16xi32>, vector<16xi32>], vector<16xf32>,
      %gt3A_134 = arith.cmpf ogt, %gather3A_133, %max3A_130 : vector<16xf32>
      %jit3A_135 = arith.constant 6 : i32
      %broadcast_in_dim3A_136 = vector.broadcast %jit3A_135 : i32 to vector<16xi32>
      %select_n3A_137 = arith.select %gt3A_134, %broadcast_in_dim3A_136, %select_n3A_129 : vector<16xi1>, vector<16xi32>
      %max3A_138 = arith.maximumf %gather3A_133, %max3A_130 : vector<16xf32>
      %broadcast_in_dim3A_139 = arith.constant 7 : i32
      %broadcast_in_dim3A_140 = vector.broadcast %broadcast_in_dim3A_139 : i32 to vector<16xi32>
      %gather3A_141 = tpu.vector_load_idx %arg5[%add3A_94, %broadcast_in_dim3A_140, %broadcast_in_dim3A_3] : memref<128x16x16xf32, #tpu.memory_space<vmem>>[vector<16xi32>, vector<16xi32>, vector<16xi32>], vector<16xf32>,
      %gt3A_142 = arith.cmpf ogt, %gather3A_141, %max3A_138 : vector<16xf32>
      %jit3A_143 = arith.constant 7 : i32
      %broadcast_in_dim3A_144 = vector.broadcast %jit3A_143 : i32 to vector<16xi32>
      %select_n3A_145 = arith.select %gt3A_142, %broadcast_in_dim3A_144, %select_n3A_137 : vector<16xi1>, vector<16xi32>
      %max3A_146 = arith.maximumf %gather3A_141, %max3A_138 : vector<16xf32>
      %broadcast_in_dim3A_147 = arith.constant 8 : i32
      %broadcast_in_dim3A_148 = vector.broadcast %broadcast_in_dim3A_147 : i32 to vector<16xi32>
      %gather3A_149 = tpu.vector_load_idx %arg5[%add3A_94, %broadcast_in_dim3A_148, %broadcast_in_dim3A_3] : memref<128x16x16xf32, #tpu.memory_space<vmem>>[vector<16xi32>, vector<16xi32>, vector<16xi32>], vector<16xf32>,
      %gt3A_150 = arith.cmpf ogt, %gather3A_149, %max3A_146 : vector<16xf32>
      %jit3A_151 = arith.constant 8 : i32
      %broadcast_in_dim3A_152 = vector.broadcast %jit3A_151 : i32 to vector<16xi32>
      %select_n3A_153 = arith.select %gt3A_150, %broadcast_in_dim3A_152, %select_n3A_145 : vector<16xi1>, vector<16xi32>
      %max3A_154 = arith.maximumf %gather3A_149, %max3A_146 : vector<16xf32>
      %broadcast_in_dim3A_155 = arith.constant 9 : i32
      %broadcast_in_dim3A_156 = vector.broadcast %broadcast_in_dim3A_155 : i32 to vector<16xi32>
      %gather3A_157 = tpu.vector_load_idx %arg5[%add3A_94, %broadcast_in_dim3A_156, %broadcast_in_dim3A_3] : memref<128x16x16xf32, #tpu.memory_space<vmem>>[vector<16xi32>, vector<16xi32>, vector<16xi32>], vector<16xf32>,
      %gt3A_158 = arith.cmpf ogt, %gather3A_157, %max3A_154 : vector<16xf32>
      %jit3A_159 = arith.constant 9 : i32
      %broadcast_in_dim3A_160 = vector.broadcast %jit3A_159 : i32 to vector<16xi32>
      %select_n3A_161 = arith.select %gt3A_158, %broadcast_in_dim3A_160, %select_n3A_153 : vector<16xi1>, vector<16xi32>
      %max3A_162 = arith.maximumf %gather3A_157, %max3A_154 : vector<16xf32>
      %broadcast_in_dim3A_163 = arith.constant 10 : i32
      %broadcast_in_dim3A_164 = vector.broadcast %broadcast_in_dim3A_163 : i32 to vector<16xi32>
      %gather3A_165 = tpu.vector_load_idx %arg5[%add3A_94, %broadcast_in_dim3A_164, %broadcast_in_dim3A_3] : memref<128x16x16xf32, #tpu.memory_space<vmem>>[vector<16xi32>, vector<16xi32>, vector<16xi32>], vector<16xf32>,
      %gt3A_166 = arith.cmpf ogt, %gather3A_165, %max3A_162 : vector<16xf32>
      %jit3A_167 = arith.constant 10 : i32
      %broadcast_in_dim3A_168 = vector.broadcast %jit3A_167 : i32 to vector<16xi32>
      %select_n3A_169 = arith.select %gt3A_166, %broadcast_in_dim3A_168, %select_n3A_161 : vector<16xi1>, vector<16xi32>
      %max3A_170 = arith.maximumf %gather3A_165, %max3A_162 : vector<16xf32>
      %broadcast_in_dim3A_171 = arith.constant 11 : i32
      %broadcast_in_dim3A_172 = vector.broadcast %broadcast_in_dim3A_171 : i32 to vector<16xi32>
      %gather3A_173 = tpu.vector_load_idx %arg5[%add3A_94, %broadcast_in_dim3A_172, %broadcast_in_dim3A_3] : memref<128x16x16xf32, #tpu.memory_space<vmem>>[vector<16xi32>, vector<16xi32>, vector<16xi32>], vector<16xf32>,
      %gt3A_174 = arith.cmpf ogt, %gather3A_173, %max3A_170 : vector<16xf32>
      %jit3A_175 = arith.constant 11 : i32
      %broadcast_in_dim3A_176 = vector.broadcast %jit3A_175 : i32 to vector<16xi32>
      %select_n3A_177 = arith.select %gt3A_174, %broadcast_in_dim3A_176, %select_n3A_169 : vector<16xi1>, vector<16xi32>
      %max3A_178 = arith.maximumf %gather3A_173, %max3A_170 : vector<16xf32>
      %broadcast_in_dim3A_179 = arith.constant 12 : i32
      %broadcast_in_dim3A_180 = vector.broadcast %broadcast_in_dim3A_179 : i32 to vector<16xi32>
      %gather3A_181 = tpu.vector_load_idx %arg5[%add3A_94, %broadcast_in_dim3A_180, %broadcast_in_dim3A_3] : memref<128x16x16xf32, #tpu.memory_space<vmem>>[vector<16xi32>, vector<16xi32>, vector<16xi32>], vector<16xf32>,
      %gt3A_182 = arith.cmpf ogt, %gather3A_181, %max3A_178 : vector<16xf32>
      %jit3A_183 = arith.constant 12 : i32
      %broadcast_in_dim3A_184 = vector.broadcast %jit3A_183 : i32 to vector<16xi32>
      %select_n3A_185 = arith.select %gt3A_182, %broadcast_in_dim3A_184, %select_n3A_177 : vector<16xi1>, vector<16xi32>
      %max3A_186 = arith.maximumf %gather3A_181, %max3A_178 : vector<16xf32>
      %broadcast_in_dim3A_187 = arith.constant 13 : i32
      %broadcast_in_dim3A_188 = vector.broadcast %broadcast_in_dim3A_187 : i32 to vector<16xi32>
      %gather3A_189 = tpu.vector_load_idx %arg5[%add3A_94, %broadcast_in_dim3A_188, %broadcast_in_dim3A_3] : memref<128x16x16xf32, #tpu.memory_space<vmem>>[vector<16xi32>, vector<16xi32>, vector<16xi32>], vector<16xf32>,
      %gt3A_190 = arith.cmpf ogt, %gather3A_189, %max3A_186 : vector<16xf32>
      %jit3A_191 = arith.constant 13 : i32
      %broadcast_in_dim3A_192 = vector.broadcast %jit3A_191 : i32 to vector<16xi32>
      %select_n3A_193 = arith.select %gt3A_190, %broadcast_in_dim3A_192, %select_n3A_185 : vector<16xi1>, vector<16xi32>
      %max3A_194 = arith.maximumf %gather3A_189, %max3A_186 : vector<16xf32>
      %broadcast_in_dim3A_195 = arith.constant 14 : i32
      %broadcast_in_dim3A_196 = vector.broadcast %broadcast_in_dim3A_195 : i32 to vector<16xi32>
      %gather3A_197 = tpu.vector_load_idx %arg5[%add3A_94, %broadcast_in_dim3A_196, %broadcast_in_dim3A_3] : memref<128x16x16xf32, #tpu.memory_space<vmem>>[vector<16xi32>, vector<16xi32>, vector<16xi32>], vector<16xf32>,
      %gt3A_198 = arith.cmpf ogt, %gather3A_197, %max3A_194 : vector<16xf32>
      %jit3A_199 = arith.constant 14 : i32
      %broadcast_in_dim3A_200 = vector.broadcast %jit3A_199 : i32 to vector<16xi32>
      %select_n3A_201 = arith.select %gt3A_198, %broadcast_in_dim3A_200, %select_n3A_193 : vector<16xi1>, vector<16xi32>
      %max3A_202 = arith.maximumf %gather3A_197, %max3A_194 : vector<16xf32>
      %broadcast_in_dim3A_203 = arith.constant 15 : i32
      %broadcast_in_dim3A_204 = vector.broadcast %broadcast_in_dim3A_203 : i32 to vector<16xi32>
      %gather3A_205 = tpu.vector_load_idx %arg5[%add3A_94, %broadcast_in_dim3A_204, %broadcast_in_dim3A_3] : memref<128x16x16xf32, #tpu.memory_space<vmem>>[vector<16xi32>, vector<16xi32>, vector<16xi32>], vector<16xf32>,
      %gt3A_206 = arith.cmpf ogt, %gather3A_205, %max3A_202 : vector<16xf32>
      %jit3A_207 = arith.constant 15 : i32
      %broadcast_in_dim3A_208 = vector.broadcast %jit3A_207 : i32 to vector<16xi32>
      %select_n3A_209 = arith.select %gt3A_206, %broadcast_in_dim3A_208, %select_n3A_201 : vector<16xi1>, vector<16xi32>
      %max3A_210 = arith.maximumf %gather3A_205, %max3A_202 : vector<16xf32>
      %ge3A = arith.constant 5.000000e-01 : f32
      %ge3A_211 = vector.broadcast %ge3A : f32 to vector<16xf32>
      %ge3A_212 = arith.cmpf oge, %max3A_210, %ge3A_211 : vector<16xf32>
      %convert_element_type3A = arith.extui %ge3A_212 : vector<16xi1> to vector<16xi32>
      %mul3A_213 = arith.constant 16 : i32
      %mul3A_214 = arith.muli %add3A_90, %mul3A_213 : i32
      %swap3A = arith.index_cast %mul3A_214 : i32 to index
      %swap3A_215 = tpu.vector_load %arg7[%swap3A] {strides = array<i32>} : memref<512xi32, #tpu.memory_space<vmem>>, vector<16xi32>,
      tpu.vector_store %arg7[%swap3A], %convert_element_type3A {strides = array<i32>} : memref<512xi32, #tpu.memory_space<vmem>>, vector<16xi32>,
      %mul3A_216 = arith.constant 16 : i32
      %mul3A_217 = arith.muli %add3A_90, %mul3A_216 : i32
      %swap3A_218 = arith.index_cast %mul3A_217 : i32 to index
      %swap3A_219 = tpu.vector_load %arg8[%swap3A_218] {strides = array<i32>} : memref<512xi32, #tpu.memory_space<vmem>>, vector<16xi32>,
      tpu.vector_store %arg8[%swap3A_218], %select_n3A_209 {strides = array<i32>} : memref<512xi32, #tpu.memory_space<vmem>>, vector<16xi32>,
      %all_reduce_population_count3A = tpu.all_reduce %ge3A_212 {dim = 0 : i64, kind = #tpu.reduction_kind<sum>} : vector<16xi1> -> vector<16xi32>
      %slice3A = vector.extract_strided_slice %all_reduce_population_count3A {offsets = [15], sizes = [1], strides = [1]} : vector<16xi32> to vector<1xi32>
      %squeeze3A = vector.extract %slice3A[0] : i32 from vector<1xi32>
      %lt3A = arith.constant 16 : i32
      %lt3A_220 = arith.cmpi slt, %squeeze3A, %lt3A : i32
      %convert_element_type3A_221 = arith.extui %lt3A_220 : i1 to i32
      %cond3A = arith.constant 0 : i32
      %cond3A_222 = arith.cmpi ne, %convert_element_type3A_221, %cond3A : i32
      scf.if %cond3A_222 {
        %mul3A_224 = arith.constant 16 : i32
        %mul3A_225 = arith.muli %add3A_90, %mul3A_224 : i32
        %add3A_226 = arith.addi %mul3A_2, %mul3A_225 : i32
        "tpu.region"() ({
          %run_scoped3A = tpu.sem_alloc : memref<!tpu.dma_semaphore, #tpu.memory_space<semaphore_mem>>
          %dma_start3A_241 = arith.constant 0 : i32
          %dma_start3A_242 = arith.constant 0 : i32
          %dma_start3A_243 = tpu.memref_slice %arg2[%add3A_226, %dma_start3A_241, %dma_start3A_242] : memref<16384x16x128xf32, #tpu.memory_space<hbm>> -> memref<16x16x128xf32, #tpu.memory_space<hbm>>
          %dma_start3A_244 = arith.constant 0 : i32
          %dma_start3A_245 = arith.constant 0 : i32
          %dma_start3A_246 = tpu.memref_slice %arg2[%add3A_226, %dma_start3A_244, %dma_start3A_245] : memref<16384x16x128xf32, #tpu.memory_space<hbm>> -> memref<16x16x128xf32, #tpu.memory_space<hbm>>
          tpu.enqueue_dma source(%dma_start3A_246 : memref<16x16x128xf32, #tpu.memory_space<hbm>>) target(%arg6 : memref<16x16x128xf32, #tpu.memory_space<vmem>>) target_semaphore(%run_scoped3A : memref<!tpu.dma_semaphore, #tpu.memory_space<semaphore_mem>>)
          %dma_wait3A_247 = arith.constant 0 : i32
          %dma_wait3A_248 = arith.constant 0 : i32
          %dma_wait3A_249 = tpu.memref_slice %arg2[%add3A_226, %dma_wait3A_247, %dma_wait3A_248] : memref<16384x16x128xf32, #tpu.memory_space<hbm>> -> memref<16x16x128xf32, #tpu.memory_space<hbm>>
          %dma_wait3A_250 = arith.constant 0 : i32
          %dma_wait3A_251 = arith.constant 0 : i32
          %dma_wait3A_252 = tpu.memref_slice %arg2[%add3A_226, %dma_wait3A_250, %dma_wait3A_251] : memref<16384x16x128xf32, #tpu.memory_space<hbm>> -> memref<16x16x128xf32, #tpu.memory_space<hbm>>
          tpu.wait_dma2 semaphore(%run_scoped3A : memref<!tpu.dma_semaphore, #tpu.memory_space<semaphore_mem>>) src(%dma_wait3A_252 : memref<16x16x128xf32, #tpu.memory_space<hbm>>) dst(%arg6 : memref<16x16x128xf32, #tpu.memory_space<vmem>>)
          tpu.yield
        }) : () -> ()
        %scan3A_227 = arith.constant 0 : i32
        %scan3A_228 = arith.constant 16 : i32
        %scan3A_229 = arith.addi %scan3A_227, %scan3A_228 : i32
        %scan3A_230 = arith.constant 1 : i32
        %scan3A_231:2 = scf.for %scan3A_241 = %scan3A_227 to %scan3A_229 step %scan3A_230 iter_args(%scan3A_242 = %broadcast_in_dim3A_3, %scan3A_243 = %broadcast_in_dim3A_3) -> (vector<16xi32>, vector<16xi32>)  : i32 {
          %scan3A_244 = arith.constant 128 : i32
          %scan3A_245 = arith.constant 0 : i32
          %scan3A_246 = arith.constant 8 : i32
          %scan3A_247 = arith.addi %scan3A_245, %scan3A_246 : i32
          %scan3A_248 = arith.constant 1 : i32
          %scan3A_249 = scf.for %scan3A_279 = %scan3A_245 to %scan3A_247 step %scan3A_248 iter_args(%scan3A_280 = %scan3A_244) -> (i32)  : i32 {
            %mul3A_281 = arith.constant 16 : i32
            %mul3A_282 = arith.muli %scan3A_279, %mul3A_281 : i32
            %get3A = arith.constant 0 : i32
            %get3A_283 = arith.index_cast %scan3A_241 : i32 to index
            %get3A_284 = arith.index_cast %get3A : i32 to index
            %get3A_285 = arith.index_cast %mul3A_282 : i32 to index
            %get3A_286 = tpu.vector_load %arg6[%get3A_283, %get3A_284, %get3A_285] {strides = array<i32>} : memref<16x16x128xf32, #tpu.memory_space<vmem>>, vector<16xf32>,
            %mul3A_287 = arith.constant 16 : i32
            %mul3A_288 = arith.muli %scan3A_279, %mul3A_287 : i32
            %get3A_289 = arith.constant 1 : i32
            %get3A_290 = arith.index_cast %scan3A_241 : i32 to index
            %get3A_291 = arith.index_cast %get3A_289 : i32 to index
            %get3A_292 = arith.index_cast %mul3A_288 : i32 to index
            %get3A_293 = tpu.vector_load %arg6[%get3A_290, %get3A_291, %get3A_292] {strides = array<i32>} : memref<16x16x128xf32, #tpu.memory_space<vmem>>, vector<16xf32>,
            %max3A_294 = arith.maximumf %get3A_286, %get3A_293 : vector<16xf32>
            %mul3A_295 = arith.constant 16 : i32
            %mul3A_296 = arith.muli %scan3A_279, %mul3A_295 : i32
            %get3A_297 = arith.constant 2 : i32
            %get3A_298 = arith.index_cast %scan3A_241 : i32 to index
            %get3A_299 = arith.index_cast %get3A_297 : i32 to index
            %get3A_300 = arith.index_cast %mul3A_296 : i32 to index
            %get3A_301 = tpu.vector_load %arg6[%get3A_298, %get3A_299, %get3A_300] {strides = array<i32>} : memref<16x16x128xf32, #tpu.memory_space<vmem>>, vector<16xf32>,
            %max3A_302 = arith.maximumf %max3A_294, %get3A_301 : vector<16xf32>
            %mul3A_303 = arith.constant 16 : i32
            %mul3A_304 = arith.muli %scan3A_279, %mul3A_303 : i32
            %get3A_305 = arith.constant 3 : i32
            %get3A_306 = arith.index_cast %scan3A_241 : i32 to index
            %get3A_307 = arith.index_cast %get3A_305 : i32 to index
            %get3A_308 = arith.index_cast %mul3A_304 : i32 to index
            %get3A_309 = tpu.vector_load %arg6[%get3A_306, %get3A_307, %get3A_308] {strides = array<i32>} : memref<16x16x128xf32, #tpu.memory_space<vmem>>, vector<16xf32>,
            %max3A_310 = arith.maximumf %max3A_302, %get3A_309 : vector<16xf32>
            %mul3A_311 = arith.constant 16 : i32
            %mul3A_312 = arith.muli %scan3A_279, %mul3A_311 : i32
            %get3A_313 = arith.constant 4 : i32
            %get3A_314 = arith.index_cast %scan3A_241 : i32 to index
            %get3A_315 = arith.index_cast %get3A_313 : i32 to index
            %get3A_316 = arith.index_cast %mul3A_312 : i32 to index
            %get3A_317 = tpu.vector_load %arg6[%get3A_314, %get3A_315, %get3A_316] {strides = array<i32>} : memref<16x16x128xf32, #tpu.memory_space<vmem>>, vector<16xf32>,
            %max3A_318 = arith.maximumf %max3A_310, %get3A_317 : vector<16xf32>
            %mul3A_319 = arith.constant 16 : i32
            %mul3A_320 = arith.muli %scan3A_279, %mul3A_319 : i32
            %get3A_321 = arith.constant 5 : i32
            %get3A_322 = arith.index_cast %scan3A_241 : i32 to index
            %get3A_323 = arith.index_cast %get3A_321 : i32 to index
            %get3A_324 = arith.index_cast %mul3A_320 : i32 to index
            %get3A_325 = tpu.vector_load %arg6[%get3A_322, %get3A_323, %get3A_324] {strides = array<i32>} : memref<16x16x128xf32, #tpu.memory_space<vmem>>, vector<16xf32>,
            %max3A_326 = arith.maximumf %max3A_318, %get3A_325 : vector<16xf32>
            %mul3A_327 = arith.constant 16 : i32
            %mul3A_328 = arith.muli %scan3A_279, %mul3A_327 : i32
            %get3A_329 = arith.constant 6 : i32
            %get3A_330 = arith.index_cast %scan3A_241 : i32 to index
            %get3A_331 = arith.index_cast %get3A_329 : i32 to index
            %get3A_332 = arith.index_cast %mul3A_328 : i32 to index
            %get3A_333 = tpu.vector_load %arg6[%get3A_330, %get3A_331, %get3A_332] {strides = array<i32>} : memref<16x16x128xf32, #tpu.memory_space<vmem>>, vector<16xf32>,
            %max3A_334 = arith.maximumf %max3A_326, %get3A_333 : vector<16xf32>
            %mul3A_335 = arith.constant 16 : i32
            %mul3A_336 = arith.muli %scan3A_279, %mul3A_335 : i32
            %get3A_337 = arith.constant 7 : i32
            %get3A_338 = arith.index_cast %scan3A_241 : i32 to index
            %get3A_339 = arith.index_cast %get3A_337 : i32 to index
            %get3A_340 = arith.index_cast %mul3A_336 : i32 to index
            %get3A_341 = tpu.vector_load %arg6[%get3A_338, %get3A_339, %get3A_340] {strides = array<i32>} : memref<16x16x128xf32, #tpu.memory_space<vmem>>, vector<16xf32>,
            %max3A_342 = arith.maximumf %max3A_334, %get3A_341 : vector<16xf32>
            %mul3A_343 = arith.constant 16 : i32
            %mul3A_344 = arith.muli %scan3A_279, %mul3A_343 : i32
            %get3A_345 = arith.constant 8 : i32
            %get3A_346 = arith.index_cast %scan3A_241 : i32 to index
            %get3A_347 = arith.index_cast %get3A_345 : i32 to index
            %get3A_348 = arith.index_cast %mul3A_344 : i32 to index
            %get3A_349 = tpu.vector_load %arg6[%get3A_346, %get3A_347, %get3A_348] {strides = array<i32>} : memref<16x16x128xf32, #tpu.memory_space<vmem>>, vector<16xf32>,
            %max3A_350 = arith.maximumf %max3A_342, %get3A_349 : vector<16xf32>
            %mul3A_351 = arith.constant 16 : i32
            %mul3A_352 = arith.muli %scan3A_279, %mul3A_351 : i32
            %get3A_353 = arith.constant 9 : i32
            %get3A_354 = arith.index_cast %scan3A_241 : i32 to index
            %get3A_355 = arith.index_cast %get3A_353 : i32 to index
            %get3A_356 = arith.index_cast %mul3A_352 : i32 to index
            %get3A_357 = tpu.vector_load %arg6[%get3A_354, %get3A_355, %get3A_356] {strides = array<i32>} : memref<16x16x128xf32, #tpu.memory_space<vmem>>, vector<16xf32>,
            %max3A_358 = arith.maximumf %max3A_350, %get3A_357 : vector<16xf32>
            %mul3A_359 = arith.constant 16 : i32
            %mul3A_360 = arith.muli %scan3A_279, %mul3A_359 : i32
            %get3A_361 = arith.constant 10 : i32
            %get3A_362 = arith.index_cast %scan3A_241 : i32 to index
            %get3A_363 = arith.index_cast %get3A_361 : i32 to index
            %get3A_364 = arith.index_cast %mul3A_360 : i32 to index
            %get3A_365 = tpu.vector_load %arg6[%get3A_362, %get3A_363, %get3A_364] {strides = array<i32>} : memref<16x16x128xf32, #tpu.memory_space<vmem>>, vector<16xf32>,
            %max3A_366 = arith.maximumf %max3A_358, %get3A_365 : vector<16xf32>
            %mul3A_367 = arith.constant 16 : i32
            %mul3A_368 = arith.muli %scan3A_279, %mul3A_367 : i32
            %get3A_369 = arith.constant 11 : i32
            %get3A_370 = arith.index_cast %scan3A_241 : i32 to index
            %get3A_371 = arith.index_cast %get3A_369 : i32 to index
            %get3A_372 = arith.index_cast %mul3A_368 : i32 to index
            %get3A_373 = tpu.vector_load %arg6[%get3A_370, %get3A_371, %get3A_372] {strides = array<i32>} : memref<16x16x128xf32, #tpu.memory_space<vmem>>, vector<16xf32>,
            %max3A_374 = arith.maximumf %max3A_366, %get3A_373 : vector<16xf32>
            %mul3A_375 = arith.constant 16 : i32
            %mul3A_376 = arith.muli %scan3A_279, %mul3A_375 : i32
            %get3A_377 = arith.constant 12 : i32
            %get3A_378 = arith.index_cast %scan3A_241 : i32 to index
            %get3A_379 = arith.index_cast %get3A_377 : i32 to index
            %get3A_380 = arith.index_cast %mul3A_376 : i32 to index
            %get3A_381 = tpu.vector_load %arg6[%get3A_378, %get3A_379, %get3A_380] {strides = array<i32>} : memref<16x16x128xf32, #tpu.memory_space<vmem>>, vector<16xf32>,
            %max3A_382 = arith.maximumf %max3A_374, %get3A_381 : vector<16xf32>
            %mul3A_383 = arith.constant 16 : i32
            %mul3A_384 = arith.muli %scan3A_279, %mul3A_383 : i32
            %get3A_385 = arith.constant 13 : i32
            %get3A_386 = arith.index_cast %scan3A_241 : i32 to index
            %get3A_387 = arith.index_cast %get3A_385 : i32 to index
            %get3A_388 = arith.index_cast %mul3A_384 : i32 to index
            %get3A_389 = tpu.vector_load %arg6[%get3A_386, %get3A_387, %get3A_388] {strides = array<i32>} : memref<16x16x128xf32, #tpu.memory_space<vmem>>, vector<16xf32>,
            %max3A_390 = arith.maximumf %max3A_382, %get3A_389 : vector<16xf32>
            %mul3A_391 = arith.constant 16 : i32
            %mul3A_392 = arith.muli %scan3A_279, %mul3A_391 : i32
            %get3A_393 = arith.constant 14 : i32
            %get3A_394 = arith.index_cast %scan3A_241 : i32 to index
            %get3A_395 = arith.index_cast %get3A_393 : i32 to index
            %get3A_396 = arith.index_cast %mul3A_392 : i32 to index
            %get3A_397 = tpu.vector_load %arg6[%get3A_394, %get3A_395, %get3A_396] {strides = array<i32>} : memref<16x16x128xf32, #tpu.memory_space<vmem>>, vector<16xf32>,
            %max3A_398 = arith.maximumf %max3A_390, %get3A_397 : vector<16xf32>
            %mul3A_399 = arith.constant 16 : i32
            %mul3A_400 = arith.muli %scan3A_279, %mul3A_399 : i32
            %get3A_401 = arith.constant 15 : i32
            %get3A_402 = arith.index_cast %scan3A_241 : i32 to index
            %get3A_403 = arith.index_cast %get3A_401 : i32 to index
            %get3A_404 = arith.index_cast %mul3A_400 : i32 to index
            %get3A_405 = tpu.vector_load %arg6[%get3A_402, %get3A_403, %get3A_404] {strides = array<i32>} : memref<16x16x128xf32, #tpu.memory_space<vmem>>, vector<16xf32>,
            %max3A_406 = arith.maximumf %max3A_398, %get3A_405 : vector<16xf32>
            %ge3A_407 = arith.constant 5.000000e-01 : f32
            %ge3A_408 = vector.broadcast %ge3A_407 : f32 to vector<16xf32>
            %ge3A_409 = arith.cmpf oge, %max3A_406, %ge3A_408 : vector<16xf32>
            %mul3A_410 = arith.constant 16 : i32
            %mul3A_411 = arith.muli %scan3A_279, %mul3A_410 : i32
            %add3A_412 = vector.broadcast %mul3A_411 : i32 to vector<16xi32>
            %add3A_413 = arith.addi %add3A_412, %iota3A : vector<16xi32>
            %jit3A_414 = arith.constant 128 : i32
            %broadcast_in_dim3A_415 = vector.broadcast %jit3A_414 : i32 to vector<16xi32>
            %select_n3A_416 = arith.select %ge3A_409, %add3A_413, %broadcast_in_dim3A_415 : vector<16xi1>, vector<16xi32>
            %reduce_min3A_417 = arith.constant true
            %reduce_min3A_418 = vector.broadcast %reduce_min3A_417 : i1 to vector<16xi1>
            %reduce_min3A_419 = arith.constant -2147483648 : i32
            %reduce_min3A_420 = vector.broadcast %reduce_min3A_419 : i32 to vector<16xi32>
            %reduce_min3A_421 = arith.xori %select_n3A_416, %reduce_min3A_420 : vector<16xi32>
            %reduce_min3A_422 = tpu.scan <min>, %reduce_min3A_421 masked %reduce_min3A_418 : vector<16xi32>, vector<16xi1> -> vector<16xi32>
            %reduce_min3A_423 = arith.xori %reduce_min3A_422, %reduce_min3A_420 : vector<16xi32>
            %reduce_min3A_424 = vector.extract %reduce_min3A_423[15] : i32 from vector<16xi32>
            %min3A = arith.minsi %scan3A_280, %reduce_min3A_424 : i32
            scf.yield %min3A : i32
          }
          %scan3A_250 = arith.constant 8 : i32
          %lt3A_251 = arith.constant 128 : i32
          %lt3A_252 = arith.cmpi slt, %scan3A_249, %lt3A_251 : i32
          %jit3A_253 = arith.constant 0 : i32
          %select_n3A_254 = arith.select %lt3A_252, %scan3A_249, %jit3A_253 : i32
          %broadcast_in_dim3A_255 = vector.broadcast %scan3A_241 : i32 to vector<16xi32>
          %broadcast_in_dim3A_256 = vector.broadcast %select_n3A_254 : i32 to vector<16xi32>
          %gather3A_257 = tpu.vector_load_idx %arg6[%broadcast_in_dim3A_255, %iota3A, %broadcast_in_dim3A_256] : memref<16x16x128xf32, #tpu.memory_space<vmem>>[vector<16xi32>, vector<16xi32>, vector<16xi32>], vector<16xf32>,
          %reduce_max3A = arith.constant true
          %reduce_max3A_258 = vector.broadcast %reduce_max3A : i1 to vector<16xi1>
          %reduce_max3A_259 = tpu.scan <max>, %gather3A_257 masked %reduce_max3A_258 : vector<16xf32>, vector<16xi1> -> vector<16xf32>
          %reduce_max3A_260 = vector.extract %reduce_max3A_259[15] : f32 from vector<16xf32>
          %eq3A = vector.broadcast %reduce_max3A_260 : f32 to vector<16xf32>
          %eq3A_261 = arith.cmpf oeq, %gather3A_257, %eq3A : vector<16xf32>
          %jit3A_262 = arith.constant 16 : i32
          %broadcast_in_dim3A_263 = vector.broadcast %jit3A_262 : i32 to vector<16xi32>
          %select_n3A_264 = arith.select %eq3A_261, %iota3A, %broadcast_in_dim3A_263 : vector<16xi1>, vector<16xi32>
          %reduce_min3A = arith.constant true
          %reduce_min3A_265 = vector.broadcast %reduce_min3A : i1 to vector<16xi1>
          %reduce_min3A_266 = arith.constant -2147483648 : i32
          %reduce_min3A_267 = vector.broadcast %reduce_min3A_266 : i32 to vector<16xi32>
          %reduce_min3A_268 = arith.xori %select_n3A_264, %reduce_min3A_267 : vector<16xi32>
          %reduce_min3A_269 = tpu.scan <min>, %reduce_min3A_268 masked %reduce_min3A_265 : vector<16xi32>, vector<16xi1> -> vector<16xi32>
          %reduce_min3A_270 = arith.xori %reduce_min3A_269, %reduce_min3A_267 : vector<16xi32>
          %reduce_min3A_271 = vector.extract %reduce_min3A_270[15] : i32 from vector<16xi32>
          %eq3A_272 = vector.broadcast %scan3A_241 : i32 to vector<16xi32>
          %eq3A_273 = arith.cmpi eq, %iota3A, %eq3A_272 : vector<16xi32>
          %convert_element_type3A_274 = arith.extui %lt3A_252 : i1 to i32
          %broadcast_in_dim3A_275 = vector.broadcast %convert_element_type3A_274 : i32 to vector<16xi32>
          %select_n3A_276 = arith.select %eq3A_273, %broadcast_in_dim3A_275, %scan3A_242 : vector<16xi1>, vector<16xi32>
          %broadcast_in_dim3A_277 = vector.broadcast %reduce_min3A_271 : i32 to vector<16xi32>
          %select_n3A_278 = arith.select %eq3A_273, %broadcast_in_dim3A_277, %scan3A_243 : vector<16xi1>, vector<16xi32>
          scf.yield %select_n3A_276, %select_n3A_278 : vector<16xi32>, vector<16xi32>
        }
        %scan3A_232 = arith.constant 16 : i32
        %mul3A_233 = arith.constant 16 : i32
        %mul3A_234 = arith.muli %add3A_90, %mul3A_233 : i32
        %swap3A_235 = arith.index_cast %mul3A_234 : i32 to index
        %swap3A_236 = tpu.vector_load %arg7[%swap3A_235] {strides = array<i32>} : memref<512xi32, #tpu.memory_space<vmem>>, vector<16xi32>,
        tpu.vector_store %arg7[%swap3A_235], %scan3A_231#0 {strides = array<i32>} : memref<512xi32, #tpu.memory_space<vmem>>, vector<16xi32>,
        %mul3A_237 = arith.constant 16 : i32
        %mul3A_238 = arith.muli %add3A_90, %mul3A_237 : i32
        %swap3A_239 = arith.index_cast %mul3A_238 : i32 to index
        %swap3A_240 = tpu.vector_load %arg8[%swap3A_239] {strides = array<i32>} : memref<512xi32, #tpu.memory_space<vmem>>, vector<16xi32>,
        tpu.vector_store %arg8[%swap3A_239], %scan3A_231#1 {strides = array<i32>} : memref<512xi32, #tpu.memory_space<vmem>>, vector<16xi32>,
      } else {
      }
      %scan3A_223 = arith.constant 0 : i32
      scf.yield %scan3A_223 : i32
    }
    %scan3A_50 = arith.constant 8 : i32
    %add3A_51 = arith.constant 384 : i32
    %add3A_52 = arith.addi %mul3A_2, %add3A_51 : i32
    %dma_start3A_53 = arith.constant 0 : i32
    %dma_start3A_54 = arith.constant 0 : i32
    %dma_start3A_55 = tpu.memref_slice %arg2[%add3A_52, %dma_start3A_53, %dma_start3A_54] : memref<16384x16x128xf32, #tpu.memory_space<hbm>> -> memref<128x16x16xf32, #tpu.memory_space<hbm>>
    %dma_start3A_56 = arith.constant 0 : i32
    %dma_start3A_57 = arith.constant 0 : i32
    %dma_start3A_58 = tpu.memref_slice %arg2[%add3A_52, %dma_start3A_56, %dma_start3A_57] : memref<16384x16x128xf32, #tpu.memory_space<hbm>> -> memref<128x16x16xf32, #tpu.memory_space<hbm>>
    tpu.enqueue_dma source(%dma_start3A_58 : memref<128x16x16xf32, #tpu.memory_space<hbm>>) target(%arg5 : memref<128x16x16xf32, #tpu.memory_space<vmem>>) target_semaphore(%arg10 : memref<!tpu.dma_semaphore, #tpu.memory_space<semaphore_mem>>)
    %dma_wait3A_59 = arith.constant 0 : i32
    %dma_wait3A_60 = arith.constant 0 : i32
    %dma_wait3A_61 = tpu.memref_slice %arg2[%add3A_31, %dma_wait3A_59, %dma_wait3A_60] : memref<16384x16x128xf32, #tpu.memory_space<hbm>> -> memref<128x16x16xf32, #tpu.memory_space<hbm>>
    %dma_wait3A_62 = arith.constant 0 : i32
    %dma_wait3A_63 = arith.constant 0 : i32
    %dma_wait3A_64 = tpu.memref_slice %arg2[%add3A_31, %dma_wait3A_62, %dma_wait3A_63] : memref<16384x16x128xf32, #tpu.memory_space<hbm>> -> memref<128x16x16xf32, #tpu.memory_space<hbm>>
    tpu.wait_dma2 semaphore(%arg9 : memref<!tpu.dma_semaphore, #tpu.memory_space<semaphore_mem>>) src(%dma_wait3A_64 : memref<128x16x16xf32, #tpu.memory_space<hbm>>) dst(%arg4 : memref<128x16x16xf32, #tpu.memory_space<vmem>>)
    %scan3A_65 = arith.constant 0 : i32
    %scan3A_66 = arith.constant 0 : i32
    %scan3A_67 = arith.constant 8 : i32
    %scan3A_68 = arith.addi %scan3A_66, %scan3A_67 : i32
    %scan3A_69 = arith.constant 1 : i32
    %scan3A_70 = scf.for %scan3A_87 = %scan3A_66 to %scan3A_68 step %scan3A_69 iter_args(%scan3A_88 = %scan3A_65) -> (i32)  : i32 {
      %add3A_89 = arith.constant 16 : i32
      %add3A_90 = arith.addi %add3A_89, %scan3A_87 : i32
      %mul3A_91 = arith.constant 16 : i32
      %mul3A_92 = arith.muli %scan3A_87, %mul3A_91 : i32
      %add3A_93 = vector.broadcast %mul3A_92 : i32 to vector<16xi32>
      %add3A_94 = arith.addi %add3A_93, %iota3A : vector<16xi32>
      %gather3A = tpu.vector_load_idx %arg4[%add3A_94, %broadcast_in_dim3A_3, %broadcast_in_dim3A_3] : memref<128x16x16xf32, #tpu.memory_space<vmem>>[vector<16xi32>, vector<16xi32>, vector<16xi32>], vector<16xf32>,
      %broadcast_in_dim3A_95 = arith.constant 1 : i32
      %broadcast_in_dim3A_96 = vector.broadcast %broadcast_in_dim3A_95 : i32 to vector<16xi32>
      %gather3A_97 = tpu.vector_load_idx %arg4[%add3A_94, %broadcast_in_dim3A_96, %broadcast_in_dim3A_3] : memref<128x16x16xf32, #tpu.memory_space<vmem>>[vector<16xi32>, vector<16xi32>, vector<16xi32>], vector<16xf32>,
      %gt3A = arith.cmpf ogt, %gather3A_97, %gather3A : vector<16xf32>
      %jit3A = arith.constant 1 : i32
      %broadcast_in_dim3A_98 = vector.broadcast %jit3A : i32 to vector<16xi32>
      %select_n3A = arith.select %gt3A, %broadcast_in_dim3A_98, %broadcast_in_dim3A_3 : vector<16xi1>, vector<16xi32>
      %max3A = arith.maximumf %gather3A_97, %gather3A : vector<16xf32>
      %broadcast_in_dim3A_99 = arith.constant 2 : i32
      %broadcast_in_dim3A_100 = vector.broadcast %broadcast_in_dim3A_99 : i32 to vector<16xi32>
      %gather3A_101 = tpu.vector_load_idx %arg4[%add3A_94, %broadcast_in_dim3A_100, %broadcast_in_dim3A_3] : memref<128x16x16xf32, #tpu.memory_space<vmem>>[vector<16xi32>, vector<16xi32>, vector<16xi32>], vector<16xf32>,
      %gt3A_102 = arith.cmpf ogt, %gather3A_101, %max3A : vector<16xf32>
      %jit3A_103 = arith.constant 2 : i32
      %broadcast_in_dim3A_104 = vector.broadcast %jit3A_103 : i32 to vector<16xi32>
      %select_n3A_105 = arith.select %gt3A_102, %broadcast_in_dim3A_104, %select_n3A : vector<16xi1>, vector<16xi32>
      %max3A_106 = arith.maximumf %gather3A_101, %max3A : vector<16xf32>
      %broadcast_in_dim3A_107 = arith.constant 3 : i32
      %broadcast_in_dim3A_108 = vector.broadcast %broadcast_in_dim3A_107 : i32 to vector<16xi32>
      %gather3A_109 = tpu.vector_load_idx %arg4[%add3A_94, %broadcast_in_dim3A_108, %broadcast_in_dim3A_3] : memref<128x16x16xf32, #tpu.memory_space<vmem>>[vector<16xi32>, vector<16xi32>, vector<16xi32>], vector<16xf32>,
      %gt3A_110 = arith.cmpf ogt, %gather3A_109, %max3A_106 : vector<16xf32>
      %jit3A_111 = arith.constant 3 : i32
      %broadcast_in_dim3A_112 = vector.broadcast %jit3A_111 : i32 to vector<16xi32>
      %select_n3A_113 = arith.select %gt3A_110, %broadcast_in_dim3A_112, %select_n3A_105 : vector<16xi1>, vector<16xi32>
      %max3A_114 = arith.maximumf %gather3A_109, %max3A_106 : vector<16xf32>
      %broadcast_in_dim3A_115 = arith.constant 4 : i32
      %broadcast_in_dim3A_116 = vector.broadcast %broadcast_in_dim3A_115 : i32 to vector<16xi32>
      %gather3A_117 = tpu.vector_load_idx %arg4[%add3A_94, %broadcast_in_dim3A_116, %broadcast_in_dim3A_3] : memref<128x16x16xf32, #tpu.memory_space<vmem>>[vector<16xi32>, vector<16xi32>, vector<16xi32>], vector<16xf32>,
      %gt3A_118 = arith.cmpf ogt, %gather3A_117, %max3A_114 : vector<16xf32>
      %jit3A_119 = arith.constant 4 : i32
      %broadcast_in_dim3A_120 = vector.broadcast %jit3A_119 : i32 to vector<16xi32>
      %select_n3A_121 = arith.select %gt3A_118, %broadcast_in_dim3A_120, %select_n3A_113 : vector<16xi1>, vector<16xi32>
      %max3A_122 = arith.maximumf %gather3A_117, %max3A_114 : vector<16xf32>
      %broadcast_in_dim3A_123 = arith.constant 5 : i32
      %broadcast_in_dim3A_124 = vector.broadcast %broadcast_in_dim3A_123 : i32 to vector<16xi32>
      %gather3A_125 = tpu.vector_load_idx %arg4[%add3A_94, %broadcast_in_dim3A_124, %broadcast_in_dim3A_3] : memref<128x16x16xf32, #tpu.memory_space<vmem>>[vector<16xi32>, vector<16xi32>, vector<16xi32>], vector<16xf32>,
      %gt3A_126 = arith.cmpf ogt, %gather3A_125, %max3A_122 : vector<16xf32>
      %jit3A_127 = arith.constant 5 : i32
      %broadcast_in_dim3A_128 = vector.broadcast %jit3A_127 : i32 to vector<16xi32>
      %select_n3A_129 = arith.select %gt3A_126, %broadcast_in_dim3A_128, %select_n3A_121 : vector<16xi1>, vector<16xi32>
      %max3A_130 = arith.maximumf %gather3A_125, %max3A_122 : vector<16xf32>
      %broadcast_in_dim3A_131 = arith.constant 6 : i32
      %broadcast_in_dim3A_132 = vector.broadcast %broadcast_in_dim3A_131 : i32 to vector<16xi32>
      %gather3A_133 = tpu.vector_load_idx %arg4[%add3A_94, %broadcast_in_dim3A_132, %broadcast_in_dim3A_3] : memref<128x16x16xf32, #tpu.memory_space<vmem>>[vector<16xi32>, vector<16xi32>, vector<16xi32>], vector<16xf32>,
      %gt3A_134 = arith.cmpf ogt, %gather3A_133, %max3A_130 : vector<16xf32>
      %jit3A_135 = arith.constant 6 : i32
      %broadcast_in_dim3A_136 = vector.broadcast %jit3A_135 : i32 to vector<16xi32>
      %select_n3A_137 = arith.select %gt3A_134, %broadcast_in_dim3A_136, %select_n3A_129 : vector<16xi1>, vector<16xi32>
      %max3A_138 = arith.maximumf %gather3A_133, %max3A_130 : vector<16xf32>
      %broadcast_in_dim3A_139 = arith.constant 7 : i32
      %broadcast_in_dim3A_140 = vector.broadcast %broadcast_in_dim3A_139 : i32 to vector<16xi32>
      %gather3A_141 = tpu.vector_load_idx %arg4[%add3A_94, %broadcast_in_dim3A_140, %broadcast_in_dim3A_3] : memref<128x16x16xf32, #tpu.memory_space<vmem>>[vector<16xi32>, vector<16xi32>, vector<16xi32>], vector<16xf32>,
      %gt3A_142 = arith.cmpf ogt, %gather3A_141, %max3A_138 : vector<16xf32>
      %jit3A_143 = arith.constant 7 : i32
      %broadcast_in_dim3A_144 = vector.broadcast %jit3A_143 : i32 to vector<16xi32>
      %select_n3A_145 = arith.select %gt3A_142, %broadcast_in_dim3A_144, %select_n3A_137 : vector<16xi1>, vector<16xi32>
      %max3A_146 = arith.maximumf %gather3A_141, %max3A_138 : vector<16xf32>
      %broadcast_in_dim3A_147 = arith.constant 8 : i32
      %broadcast_in_dim3A_148 = vector.broadcast %broadcast_in_dim3A_147 : i32 to vector<16xi32>
      %gather3A_149 = tpu.vector_load_idx %arg4[%add3A_94, %broadcast_in_dim3A_148, %broadcast_in_dim3A_3] : memref<128x16x16xf32, #tpu.memory_space<vmem>>[vector<16xi32>, vector<16xi32>, vector<16xi32>], vector<16xf32>,
      %gt3A_150 = arith.cmpf ogt, %gather3A_149, %max3A_146 : vector<16xf32>
      %jit3A_151 = arith.constant 8 : i32
      %broadcast_in_dim3A_152 = vector.broadcast %jit3A_151 : i32 to vector<16xi32>
      %select_n3A_153 = arith.select %gt3A_150, %broadcast_in_dim3A_152, %select_n3A_145 : vector<16xi1>, vector<16xi32>
      %max3A_154 = arith.maximumf %gather3A_149, %max3A_146 : vector<16xf32>
      %broadcast_in_dim3A_155 = arith.constant 9 : i32
      %broadcast_in_dim3A_156 = vector.broadcast %broadcast_in_dim3A_155 : i32 to vector<16xi32>
      %gather3A_157 = tpu.vector_load_idx %arg4[%add3A_94, %broadcast_in_dim3A_156, %broadcast_in_dim3A_3] : memref<128x16x16xf32, #tpu.memory_space<vmem>>[vector<16xi32>, vector<16xi32>, vector<16xi32>], vector<16xf32>,
      %gt3A_158 = arith.cmpf ogt, %gather3A_157, %max3A_154 : vector<16xf32>
      %jit3A_159 = arith.constant 9 : i32
      %broadcast_in_dim3A_160 = vector.broadcast %jit3A_159 : i32 to vector<16xi32>
      %select_n3A_161 = arith.select %gt3A_158, %broadcast_in_dim3A_160, %select_n3A_153 : vector<16xi1>, vector<16xi32>
      %max3A_162 = arith.maximumf %gather3A_157, %max3A_154 : vector<16xf32>
      %broadcast_in_dim3A_163 = arith.constant 10 : i32
      %broadcast_in_dim3A_164 = vector.broadcast %broadcast_in_dim3A_163 : i32 to vector<16xi32>
      %gather3A_165 = tpu.vector_load_idx %arg4[%add3A_94, %broadcast_in_dim3A_164, %broadcast_in_dim3A_3] : memref<128x16x16xf32, #tpu.memory_space<vmem>>[vector<16xi32>, vector<16xi32>, vector<16xi32>], vector<16xf32>,
      %gt3A_166 = arith.cmpf ogt, %gather3A_165, %max3A_162 : vector<16xf32>
      %jit3A_167 = arith.constant 10 : i32
      %broadcast_in_dim3A_168 = vector.broadcast %jit3A_167 : i32 to vector<16xi32>
      %select_n3A_169 = arith.select %gt3A_166, %broadcast_in_dim3A_168, %select_n3A_161 : vector<16xi1>, vector<16xi32>
      %max3A_170 = arith.maximumf %gather3A_165, %max3A_162 : vector<16xf32>
      %broadcast_in_dim3A_171 = arith.constant 11 : i32
      %broadcast_in_dim3A_172 = vector.broadcast %broadcast_in_dim3A_171 : i32 to vector<16xi32>
      %gather3A_173 = tpu.vector_load_idx %arg4[%add3A_94, %broadcast_in_dim3A_172, %broadcast_in_dim3A_3] : memref<128x16x16xf32, #tpu.memory_space<vmem>>[vector<16xi32>, vector<16xi32>, vector<16xi32>], vector<16xf32>,
      %gt3A_174 = arith.cmpf ogt, %gather3A_173, %max3A_170 : vector<16xf32>
      %jit3A_175 = arith.constant 11 : i32
      %broadcast_in_dim3A_176 = vector.broadcast %jit3A_175 : i32 to vector<16xi32>
      %select_n3A_177 = arith.select %gt3A_174, %broadcast_in_dim3A_176, %select_n3A_169 : vector<16xi1>, vector<16xi32>
      %max3A_178 = arith.maximumf %gather3A_173, %max3A_170 : vector<16xf32>
      %broadcast_in_dim3A_179 = arith.constant 12 : i32
      %broadcast_in_dim3A_180 = vector.broadcast %broadcast_in_dim3A_179 : i32 to vector<16xi32>
      %gather3A_181 = tpu.vector_load_idx %arg4[%add3A_94, %broadcast_in_dim3A_180, %broadcast_in_dim3A_3] : memref<128x16x16xf32, #tpu.memory_space<vmem>>[vector<16xi32>, vector<16xi32>, vector<16xi32>], vector<16xf32>,
      %gt3A_182 = arith.cmpf ogt, %gather3A_181, %max3A_178 : vector<16xf32>
      %jit3A_183 = arith.constant 12 : i32
      %broadcast_in_dim3A_184 = vector.broadcast %jit3A_183 : i32 to vector<16xi32>
      %select_n3A_185 = arith.select %gt3A_182, %broadcast_in_dim3A_184, %select_n3A_177 : vector<16xi1>, vector<16xi32>
      %max3A_186 = arith.maximumf %gather3A_181, %max3A_178 : vector<16xf32>
      %broadcast_in_dim3A_187 = arith.constant 13 : i32
      %broadcast_in_dim3A_188 = vector.broadcast %broadcast_in_dim3A_187 : i32 to vector<16xi32>
      %gather3A_189 = tpu.vector_load_idx %arg4[%add3A_94, %broadcast_in_dim3A_188, %broadcast_in_dim3A_3] : memref<128x16x16xf32, #tpu.memory_space<vmem>>[vector<16xi32>, vector<16xi32>, vector<16xi32>], vector<16xf32>,
      %gt3A_190 = arith.cmpf ogt, %gather3A_189, %max3A_186 : vector<16xf32>
      %jit3A_191 = arith.constant 13 : i32
      %broadcast_in_dim3A_192 = vector.broadcast %jit3A_191 : i32 to vector<16xi32>
      %select_n3A_193 = arith.select %gt3A_190, %broadcast_in_dim3A_192, %select_n3A_185 : vector<16xi1>, vector<16xi32>
      %max3A_194 = arith.maximumf %gather3A_189, %max3A_186 : vector<16xf32>
      %broadcast_in_dim3A_195 = arith.constant 14 : i32
      %broadcast_in_dim3A_196 = vector.broadcast %broadcast_in_dim3A_195 : i32 to vector<16xi32>
      %gather3A_197 = tpu.vector_load_idx %arg4[%add3A_94, %broadcast_in_dim3A_196, %broadcast_in_dim3A_3] : memref<128x16x16xf32, #tpu.memory_space<vmem>>[vector<16xi32>, vector<16xi32>, vector<16xi32>], vector<16xf32>,
      %gt3A_198 = arith.cmpf ogt, %gather3A_197, %max3A_194 : vector<16xf32>
      %jit3A_199 = arith.constant 14 : i32
      %broadcast_in_dim3A_200 = vector.broadcast %jit3A_199 : i32 to vector<16xi32>
      %select_n3A_201 = arith.select %gt3A_198, %broadcast_in_dim3A_200, %select_n3A_193 : vector<16xi1>, vector<16xi32>
      %max3A_202 = arith.maximumf %gather3A_197, %max3A_194 : vector<16xf32>
      %broadcast_in_dim3A_203 = arith.constant 15 : i32
      %broadcast_in_dim3A_204 = vector.broadcast %broadcast_in_dim3A_203 : i32 to vector<16xi32>
      %gather3A_205 = tpu.vector_load_idx %arg4[%add3A_94, %broadcast_in_dim3A_204, %broadcast_in_dim3A_3] : memref<128x16x16xf32, #tpu.memory_space<vmem>>[vector<16xi32>, vector<16xi32>, vector<16xi32>], vector<16xf32>,
      %gt3A_206 = arith.cmpf ogt, %gather3A_205, %max3A_202 : vector<16xf32>
      %jit3A_207 = arith.constant 15 : i32
      %broadcast_in_dim3A_208 = vector.broadcast %jit3A_207 : i32 to vector<16xi32>
      %select_n3A_209 = arith.select %gt3A_206, %broadcast_in_dim3A_208, %select_n3A_201 : vector<16xi1>, vector<16xi32>
      %max3A_210 = arith.maximumf %gather3A_205, %max3A_202 : vector<16xf32>
      %ge3A = arith.constant 5.000000e-01 : f32
      %ge3A_211 = vector.broadcast %ge3A : f32 to vector<16xf32>
      %ge3A_212 = arith.cmpf oge, %max3A_210, %ge3A_211 : vector<16xf32>
      %convert_element_type3A = arith.extui %ge3A_212 : vector<16xi1> to vector<16xi32>
      %mul3A_213 = arith.constant 16 : i32
      %mul3A_214 = arith.muli %add3A_90, %mul3A_213 : i32
      %swap3A = arith.index_cast %mul3A_214 : i32 to index
      %swap3A_215 = tpu.vector_load %arg7[%swap3A] {strides = array<i32>} : memref<512xi32, #tpu.memory_space<vmem>>, vector<16xi32>,
      tpu.vector_store %arg7[%swap3A], %convert_element_type3A {strides = array<i32>} : memref<512xi32, #tpu.memory_space<vmem>>, vector<16xi32>,
      %mul3A_216 = arith.constant 16 : i32
      %mul3A_217 = arith.muli %add3A_90, %mul3A_216 : i32
      %swap3A_218 = arith.index_cast %mul3A_217 : i32 to index
      %swap3A_219 = tpu.vector_load %arg8[%swap3A_218] {strides = array<i32>} : memref<512xi32, #tpu.memory_space<vmem>>, vector<16xi32>,
      tpu.vector_store %arg8[%swap3A_218], %select_n3A_209 {strides = array<i32>} : memref<512xi32, #tpu.memory_space<vmem>>, vector<16xi32>,
      %all_reduce_population_count3A = tpu.all_reduce %ge3A_212 {dim = 0 : i64, kind = #tpu.reduction_kind<sum>} : vector<16xi1> -> vector<16xi32>
      %slice3A = vector.extract_strided_slice %all_reduce_population_count3A {offsets = [15], sizes = [1], strides = [1]} : vector<16xi32> to vector<1xi32>
      %squeeze3A = vector.extract %slice3A[0] : i32 from vector<1xi32>
      %lt3A = arith.constant 16 : i32
      %lt3A_220 = arith.cmpi slt, %squeeze3A, %lt3A : i32
      %convert_element_type3A_221 = arith.extui %lt3A_220 : i1 to i32
      %cond3A = arith.constant 0 : i32
      %cond3A_222 = arith.cmpi ne, %convert_element_type3A_221, %cond3A : i32
      scf.if %cond3A_222 {
        %mul3A_224 = arith.constant 16 : i32
        %mul3A_225 = arith.muli %add3A_90, %mul3A_224 : i32
        %add3A_226 = arith.addi %mul3A_2, %mul3A_225 : i32
        "tpu.region"() ({
          %run_scoped3A = tpu.sem_alloc : memref<!tpu.dma_semaphore, #tpu.memory_space<semaphore_mem>>
          %dma_start3A_241 = arith.constant 0 : i32
          %dma_start3A_242 = arith.constant 0 : i32
          %dma_start3A_243 = tpu.memref_slice %arg2[%add3A_226, %dma_start3A_241, %dma_start3A_242] : memref<16384x16x128xf32, #tpu.memory_space<hbm>> -> memref<16x16x128xf32, #tpu.memory_space<hbm>>
          %dma_start3A_244 = arith.constant 0 : i32
          %dma_start3A_245 = arith.constant 0 : i32
          %dma_start3A_246 = tpu.memref_slice %arg2[%add3A_226, %dma_start3A_244, %dma_start3A_245] : memref<16384x16x128xf32, #tpu.memory_space<hbm>> -> memref<16x16x128xf32, #tpu.memory_space<hbm>>
          tpu.enqueue_dma source(%dma_start3A_246 : memref<16x16x128xf32, #tpu.memory_space<hbm>>) target(%arg6 : memref<16x16x128xf32, #tpu.memory_space<vmem>>) target_semaphore(%run_scoped3A : memref<!tpu.dma_semaphore, #tpu.memory_space<semaphore_mem>>)
          %dma_wait3A_247 = arith.constant 0 : i32
          %dma_wait3A_248 = arith.constant 0 : i32
          %dma_wait3A_249 = tpu.memref_slice %arg2[%add3A_226, %dma_wait3A_247, %dma_wait3A_248] : memref<16384x16x128xf32, #tpu.memory_space<hbm>> -> memref<16x16x128xf32, #tpu.memory_space<hbm>>
          %dma_wait3A_250 = arith.constant 0 : i32
          %dma_wait3A_251 = arith.constant 0 : i32
          %dma_wait3A_252 = tpu.memref_slice %arg2[%add3A_226, %dma_wait3A_250, %dma_wait3A_251] : memref<16384x16x128xf32, #tpu.memory_space<hbm>> -> memref<16x16x128xf32, #tpu.memory_space<hbm>>
          tpu.wait_dma2 semaphore(%run_scoped3A : memref<!tpu.dma_semaphore, #tpu.memory_space<semaphore_mem>>) src(%dma_wait3A_252 : memref<16x16x128xf32, #tpu.memory_space<hbm>>) dst(%arg6 : memref<16x16x128xf32, #tpu.memory_space<vmem>>)
          tpu.yield
        }) : () -> ()
        %scan3A_227 = arith.constant 0 : i32
        %scan3A_228 = arith.constant 16 : i32
        %scan3A_229 = arith.addi %scan3A_227, %scan3A_228 : i32
        %scan3A_230 = arith.constant 1 : i32
        %scan3A_231:2 = scf.for %scan3A_241 = %scan3A_227 to %scan3A_229 step %scan3A_230 iter_args(%scan3A_242 = %broadcast_in_dim3A_3, %scan3A_243 = %broadcast_in_dim3A_3) -> (vector<16xi32>, vector<16xi32>)  : i32 {
          %scan3A_244 = arith.constant 128 : i32
          %scan3A_245 = arith.constant 0 : i32
          %scan3A_246 = arith.constant 8 : i32
          %scan3A_247 = arith.addi %scan3A_245, %scan3A_246 : i32
          %scan3A_248 = arith.constant 1 : i32
          %scan3A_249 = scf.for %scan3A_279 = %scan3A_245 to %scan3A_247 step %scan3A_248 iter_args(%scan3A_280 = %scan3A_244) -> (i32)  : i32 {
            %mul3A_281 = arith.constant 16 : i32
            %mul3A_282 = arith.muli %scan3A_279, %mul3A_281 : i32
            %get3A = arith.constant 0 : i32
            %get3A_283 = arith.index_cast %scan3A_241 : i32 to index
            %get3A_284 = arith.index_cast %get3A : i32 to index
            %get3A_285 = arith.index_cast %mul3A_282 : i32 to index
            %get3A_286 = tpu.vector_load %arg6[%get3A_283, %get3A_284, %get3A_285] {strides = array<i32>} : memref<16x16x128xf32, #tpu.memory_space<vmem>>, vector<16xf32>,
            %mul3A_287 = arith.constant 16 : i32
            %mul3A_288 = arith.muli %scan3A_279, %mul3A_287 : i32
            %get3A_289 = arith.constant 1 : i32
            %get3A_290 = arith.index_cast %scan3A_241 : i32 to index
            %get3A_291 = arith.index_cast %get3A_289 : i32 to index
            %get3A_292 = arith.index_cast %mul3A_288 : i32 to index
            %get3A_293 = tpu.vector_load %arg6[%get3A_290, %get3A_291, %get3A_292] {strides = array<i32>} : memref<16x16x128xf32, #tpu.memory_space<vmem>>, vector<16xf32>,
            %max3A_294 = arith.maximumf %get3A_286, %get3A_293 : vector<16xf32>
            %mul3A_295 = arith.constant 16 : i32
            %mul3A_296 = arith.muli %scan3A_279, %mul3A_295 : i32
            %get3A_297 = arith.constant 2 : i32
            %get3A_298 = arith.index_cast %scan3A_241 : i32 to index
            %get3A_299 = arith.index_cast %get3A_297 : i32 to index
            %get3A_300 = arith.index_cast %mul3A_296 : i32 to index
            %get3A_301 = tpu.vector_load %arg6[%get3A_298, %get3A_299, %get3A_300] {strides = array<i32>} : memref<16x16x128xf32, #tpu.memory_space<vmem>>, vector<16xf32>,
            %max3A_302 = arith.maximumf %max3A_294, %get3A_301 : vector<16xf32>
            %mul3A_303 = arith.constant 16 : i32
            %mul3A_304 = arith.muli %scan3A_279, %mul3A_303 : i32
            %get3A_305 = arith.constant 3 : i32
            %get3A_306 = arith.index_cast %scan3A_241 : i32 to index
            %get3A_307 = arith.index_cast %get3A_305 : i32 to index
            %get3A_308 = arith.index_cast %mul3A_304 : i32 to index
            %get3A_309 = tpu.vector_load %arg6[%get3A_306, %get3A_307, %get3A_308] {strides = array<i32>} : memref<16x16x128xf32, #tpu.memory_space<vmem>>, vector<16xf32>,
            %max3A_310 = arith.maximumf %max3A_302, %get3A_309 : vector<16xf32>
            %mul3A_311 = arith.constant 16 : i32
            %mul3A_312 = arith.muli %scan3A_279, %mul3A_311 : i32
            %get3A_313 = arith.constant 4 : i32
            %get3A_314 = arith.index_cast %scan3A_241 : i32 to index
            %get3A_315 = arith.index_cast %get3A_313 : i32 to index
            %get3A_316 = arith.index_cast %mul3A_312 : i32 to index
            %get3A_317 = tpu.vector_load %arg6[%get3A_314, %get3A_315, %get3A_316] {strides = array<i32>} : memref<16x16x128xf32, #tpu.memory_space<vmem>>, vector<16xf32>,
            %max3A_318 = arith.maximumf %max3A_310, %get3A_317 : vector<16xf32>
            %mul3A_319 = arith.constant 16 : i32
            %mul3A_320 = arith.muli %scan3A_279, %mul3A_319 : i32
            %get3A_321 = arith.constant 5 : i32
            %get3A_322 = arith.index_cast %scan3A_241 : i32 to index
            %get3A_323 = arith.index_cast %get3A_321 : i32 to index
            %get3A_324 = arith.index_cast %mul3A_320 : i32 to index
            %get3A_325 = tpu.vector_load %arg6[%get3A_322, %get3A_323, %get3A_324] {strides = array<i32>} : memref<16x16x128xf32, #tpu.memory_space<vmem>>, vector<16xf32>,
            %max3A_326 = arith.maximumf %max3A_318, %get3A_325 : vector<16xf32>
            %mul3A_327 = arith.constant 16 : i32
            %mul3A_328 = arith.muli %scan3A_279, %mul3A_327 : i32
            %get3A_329 = arith.constant 6 : i32
            %get3A_330 = arith.index_cast %scan3A_241 : i32 to index
            %get3A_331 = arith.index_cast %get3A_329 : i32 to index
            %get3A_332 = arith.index_cast %mul3A_328 : i32 to index
            %get3A_333 = tpu.vector_load %arg6[%get3A_330, %get3A_331, %get3A_332] {strides = array<i32>} : memref<16x16x128xf32, #tpu.memory_space<vmem>>, vector<16xf32>,
            %max3A_334 = arith.maximumf %max3A_326, %get3A_333 : vector<16xf32>
            %mul3A_335 = arith.constant 16 : i32
            %mul3A_336 = arith.muli %scan3A_279, %mul3A_335 : i32
            %get3A_337 = arith.constant 7 : i32
            %get3A_338 = arith.index_cast %scan3A_241 : i32 to index
            %get3A_339 = arith.index_cast %get3A_337 : i32 to index
            %get3A_340 = arith.index_cast %mul3A_336 : i32 to index
            %get3A_341 = tpu.vector_load %arg6[%get3A_338, %get3A_339, %get3A_340] {strides = array<i32>} : memref<16x16x128xf32, #tpu.memory_space<vmem>>, vector<16xf32>,
            %max3A_342 = arith.maximumf %max3A_334, %get3A_341 : vector<16xf32>
            %mul3A_343 = arith.constant 16 : i32
            %mul3A_344 = arith.muli %scan3A_279, %mul3A_343 : i32
            %get3A_345 = arith.constant 8 : i32
            %get3A_346 = arith.index_cast %scan3A_241 : i32 to index
            %get3A_347 = arith.index_cast %get3A_345 : i32 to index
            %get3A_348 = arith.index_cast %mul3A_344 : i32 to index
            %get3A_349 = tpu.vector_load %arg6[%get3A_346, %get3A_347, %get3A_348] {strides = array<i32>} : memref<16x16x128xf32, #tpu.memory_space<vmem>>, vector<16xf32>,
            %max3A_350 = arith.maximumf %max3A_342, %get3A_349 : vector<16xf32>
            %mul3A_351 = arith.constant 16 : i32
            %mul3A_352 = arith.muli %scan3A_279, %mul3A_351 : i32
            %get3A_353 = arith.constant 9 : i32
            %get3A_354 = arith.index_cast %scan3A_241 : i32 to index
            %get3A_355 = arith.index_cast %get3A_353 : i32 to index
            %get3A_356 = arith.index_cast %mul3A_352 : i32 to index
            %get3A_357 = tpu.vector_load %arg6[%get3A_354, %get3A_355, %get3A_356] {strides = array<i32>} : memref<16x16x128xf32, #tpu.memory_space<vmem>>, vector<16xf32>,
            %max3A_358 = arith.maximumf %max3A_350, %get3A_357 : vector<16xf32>
            %mul3A_359 = arith.constant 16 : i32
            %mul3A_360 = arith.muli %scan3A_279, %mul3A_359 : i32
            %get3A_361 = arith.constant 10 : i32
            %get3A_362 = arith.index_cast %scan3A_241 : i32 to index
            %get3A_363 = arith.index_cast %get3A_361 : i32 to index
            %get3A_364 = arith.index_cast %mul3A_360 : i32 to index
            %get3A_365 = tpu.vector_load %arg6[%get3A_362, %get3A_363, %get3A_364] {strides = array<i32>} : memref<16x16x128xf32, #tpu.memory_space<vmem>>, vector<16xf32>,
            %max3A_366 = arith.maximumf %max3A_358, %get3A_365 : vector<16xf32>
            %mul3A_367 = arith.constant 16 : i32
            %mul3A_368 = arith.muli %scan3A_279, %mul3A_367 : i32
            %get3A_369 = arith.constant 11 : i32
            %get3A_370 = arith.index_cast %scan3A_241 : i32 to index
            %get3A_371 = arith.index_cast %get3A_369 : i32 to index
            %get3A_372 = arith.index_cast %mul3A_368 : i32 to index
            %get3A_373 = tpu.vector_load %arg6[%get3A_370, %get3A_371, %get3A_372] {strides = array<i32>} : memref<16x16x128xf32, #tpu.memory_space<vmem>>, vector<16xf32>,
            %max3A_374 = arith.maximumf %max3A_366, %get3A_373 : vector<16xf32>
            %mul3A_375 = arith.constant 16 : i32
            %mul3A_376 = arith.muli %scan3A_279, %mul3A_375 : i32
            %get3A_377 = arith.constant 12 : i32
            %get3A_378 = arith.index_cast %scan3A_241 : i32 to index
            %get3A_379 = arith.index_cast %get3A_377 : i32 to index
            %get3A_380 = arith.index_cast %mul3A_376 : i32 to index
            %get3A_381 = tpu.vector_load %arg6[%get3A_378, %get3A_379, %get3A_380] {strides = array<i32>} : memref<16x16x128xf32, #tpu.memory_space<vmem>>, vector<16xf32>,
            %max3A_382 = arith.maximumf %max3A_374, %get3A_381 : vector<16xf32>
            %mul3A_383 = arith.constant 16 : i32
            %mul3A_384 = arith.muli %scan3A_279, %mul3A_383 : i32
            %get3A_385 = arith.constant 13 : i32
            %get3A_386 = arith.index_cast %scan3A_241 : i32 to index
            %get3A_387 = arith.index_cast %get3A_385 : i32 to index
            %get3A_388 = arith.index_cast %mul3A_384 : i32 to index
            %get3A_389 = tpu.vector_load %arg6[%get3A_386, %get3A_387, %get3A_388] {strides = array<i32>} : memref<16x16x128xf32, #tpu.memory_space<vmem>>, vector<16xf32>,
            %max3A_390 = arith.maximumf %max3A_382, %get3A_389 : vector<16xf32>
            %mul3A_391 = arith.constant 16 : i32
            %mul3A_392 = arith.muli %scan3A_279, %mul3A_391 : i32
            %get3A_393 = arith.constant 14 : i32
            %get3A_394 = arith.index_cast %scan3A_241 : i32 to index
            %get3A_395 = arith.index_cast %get3A_393 : i32 to index
            %get3A_396 = arith.index_cast %mul3A_392 : i32 to index
            %get3A_397 = tpu.vector_load %arg6[%get3A_394, %get3A_395, %get3A_396] {strides = array<i32>} : memref<16x16x128xf32, #tpu.memory_space<vmem>>, vector<16xf32>,
            %max3A_398 = arith.maximumf %max3A_390, %get3A_397 : vector<16xf32>
            %mul3A_399 = arith.constant 16 : i32
            %mul3A_400 = arith.muli %scan3A_279, %mul3A_399 : i32
            %get3A_401 = arith.constant 15 : i32
            %get3A_402 = arith.index_cast %scan3A_241 : i32 to index
            %get3A_403 = arith.index_cast %get3A_401 : i32 to index
            %get3A_404 = arith.index_cast %mul3A_400 : i32 to index
            %get3A_405 = tpu.vector_load %arg6[%get3A_402, %get3A_403, %get3A_404] {strides = array<i32>} : memref<16x16x128xf32, #tpu.memory_space<vmem>>, vector<16xf32>,
            %max3A_406 = arith.maximumf %max3A_398, %get3A_405 : vector<16xf32>
            %ge3A_407 = arith.constant 5.000000e-01 : f32
            %ge3A_408 = vector.broadcast %ge3A_407 : f32 to vector<16xf32>
            %ge3A_409 = arith.cmpf oge, %max3A_406, %ge3A_408 : vector<16xf32>
            %mul3A_410 = arith.constant 16 : i32
            %mul3A_411 = arith.muli %scan3A_279, %mul3A_410 : i32
            %add3A_412 = vector.broadcast %mul3A_411 : i32 to vector<16xi32>
            %add3A_413 = arith.addi %add3A_412, %iota3A : vector<16xi32>
            %jit3A_414 = arith.constant 128 : i32
            %broadcast_in_dim3A_415 = vector.broadcast %jit3A_414 : i32 to vector<16xi32>
            %select_n3A_416 = arith.select %ge3A_409, %add3A_413, %broadcast_in_dim3A_415 : vector<16xi1>, vector<16xi32>
            %reduce_min3A_417 = arith.constant true
            %reduce_min3A_418 = vector.broadcast %reduce_min3A_417 : i1 to vector<16xi1>
            %reduce_min3A_419 = arith.constant -2147483648 : i32
            %reduce_min3A_420 = vector.broadcast %reduce_min3A_419 : i32 to vector<16xi32>
            %reduce_min3A_421 = arith.xori %select_n3A_416, %reduce_min3A_420 : vector<16xi32>
            %reduce_min3A_422 = tpu.scan <min>, %reduce_min3A_421 masked %reduce_min3A_418 : vector<16xi32>, vector<16xi1> -> vector<16xi32>
            %reduce_min3A_423 = arith.xori %reduce_min3A_422, %reduce_min3A_420 : vector<16xi32>
            %reduce_min3A_424 = vector.extract %reduce_min3A_423[15] : i32 from vector<16xi32>
            %min3A = arith.minsi %scan3A_280, %reduce_min3A_424 : i32
            scf.yield %min3A : i32
          }
          %scan3A_250 = arith.constant 8 : i32
          %lt3A_251 = arith.constant 128 : i32
          %lt3A_252 = arith.cmpi slt, %scan3A_249, %lt3A_251 : i32
          %jit3A_253 = arith.constant 0 : i32
          %select_n3A_254 = arith.select %lt3A_252, %scan3A_249, %jit3A_253 : i32
          %broadcast_in_dim3A_255 = vector.broadcast %scan3A_241 : i32 to vector<16xi32>
          %broadcast_in_dim3A_256 = vector.broadcast %select_n3A_254 : i32 to vector<16xi32>
          %gather3A_257 = tpu.vector_load_idx %arg6[%broadcast_in_dim3A_255, %iota3A, %broadcast_in_dim3A_256] : memref<16x16x128xf32, #tpu.memory_space<vmem>>[vector<16xi32>, vector<16xi32>, vector<16xi32>], vector<16xf32>,
          %reduce_max3A = arith.constant true
          %reduce_max3A_258 = vector.broadcast %reduce_max3A : i1 to vector<16xi1>
          %reduce_max3A_259 = tpu.scan <max>, %gather3A_257 masked %reduce_max3A_258 : vector<16xf32>, vector<16xi1> -> vector<16xf32>
          %reduce_max3A_260 = vector.extract %reduce_max3A_259[15] : f32 from vector<16xf32>
          %eq3A = vector.broadcast %reduce_max3A_260 : f32 to vector<16xf32>
          %eq3A_261 = arith.cmpf oeq, %gather3A_257, %eq3A : vector<16xf32>
          %jit3A_262 = arith.constant 16 : i32
          %broadcast_in_dim3A_263 = vector.broadcast %jit3A_262 : i32 to vector<16xi32>
          %select_n3A_264 = arith.select %eq3A_261, %iota3A, %broadcast_in_dim3A_263 : vector<16xi1>, vector<16xi32>
          %reduce_min3A = arith.constant true
          %reduce_min3A_265 = vector.broadcast %reduce_min3A : i1 to vector<16xi1>
          %reduce_min3A_266 = arith.constant -2147483648 : i32
          %reduce_min3A_267 = vector.broadcast %reduce_min3A_266 : i32 to vector<16xi32>
          %reduce_min3A_268 = arith.xori %select_n3A_264, %reduce_min3A_267 : vector<16xi32>
          %reduce_min3A_269 = tpu.scan <min>, %reduce_min3A_268 masked %reduce_min3A_265 : vector<16xi32>, vector<16xi1> -> vector<16xi32>
          %reduce_min3A_270 = arith.xori %reduce_min3A_269, %reduce_min3A_267 : vector<16xi32>
          %reduce_min3A_271 = vector.extract %reduce_min3A_270[15] : i32 from vector<16xi32>
          %eq3A_272 = vector.broadcast %scan3A_241 : i32 to vector<16xi32>
          %eq3A_273 = arith.cmpi eq, %iota3A, %eq3A_272 : vector<16xi32>
          %convert_element_type3A_274 = arith.extui %lt3A_252 : i1 to i32
          %broadcast_in_dim3A_275 = vector.broadcast %convert_element_type3A_274 : i32 to vector<16xi32>
          %select_n3A_276 = arith.select %eq3A_273, %broadcast_in_dim3A_275, %scan3A_242 : vector<16xi1>, vector<16xi32>
          %broadcast_in_dim3A_277 = vector.broadcast %reduce_min3A_271 : i32 to vector<16xi32>
          %select_n3A_278 = arith.select %eq3A_273, %broadcast_in_dim3A_277, %scan3A_243 : vector<16xi1>, vector<16xi32>
          scf.yield %select_n3A_276, %select_n3A_278 : vector<16xi32>, vector<16xi32>
        }
        %scan3A_232 = arith.constant 16 : i32
        %mul3A_233 = arith.constant 16 : i32
        %mul3A_234 = arith.muli %add3A_90, %mul3A_233 : i32
        %swap3A_235 = arith.index_cast %mul3A_234 : i32 to index
        %swap3A_236 = tpu.vector_load %arg7[%swap3A_235] {strides = array<i32>} : memref<512xi32, #tpu.memory_space<vmem>>, vector<16xi32>,
        tpu.vector_store %arg7[%swap3A_235], %scan3A_231#0 {strides = array<i32>} : memref<512xi32, #tpu.memory_space<vmem>>, vector<16xi32>,
        %mul3A_237 = arith.constant 16 : i32
        %mul3A_238 = arith.muli %add3A_90, %mul3A_237 : i32
        %swap3A_239 = arith.index_cast %mul3A_238 : i32 to index
        %swap3A_240 = tpu.vector_load %arg8[%swap3A_239] {strides = array<i32>} : memref<512xi32, #tpu.memory_space<vmem>>, vector<16xi32>,
        tpu.vector_store %arg8[%swap3A_239], %scan3A_231#1 {strides = array<i32>} : memref<512xi32, #tpu.memory_space<vmem>>, vector<16xi32>,
      } else {
      }
      %scan3A_223 = arith.constant 0 : i32
      scf.yield %scan3A_223 : i32
    }
    %scan3A_71 = arith.constant 8 : i32
    %dma_wait3A_72 = arith.constant 0 : i32
    %dma_wait3A_73 = arith.constant 0 : i32
    %dma_wait3A_74 = tpu.memref_slice %arg2[%add3A_52, %dma_wait3A_72, %dma_wait3A_73] : memref<16384x16x128xf32, #tpu.memory_space<hbm>> -> memref<128x16x16xf32, #tpu.memory_space<hbm>>
    %dma_wait3A_75 = arith.constant 0 : i32
    %dma_wait3A_76 = arith.constant 0 : i32
    %dma_wait3A_77 = tpu.memref_slice %arg2[%add3A_52, %dma_wait3A_75, %dma_wait3A_76] : memref<16384x16x128xf32, #tpu.memory_space<hbm>> -> memref<128x16x16xf32, #tpu.memory_space<hbm>>
    tpu.wait_dma2 semaphore(%arg10 : memref<!tpu.dma_semaphore, #tpu.memory_space<semaphore_mem>>) src(%dma_wait3A_77 : memref<128x16x16xf32, #tpu.memory_space<hbm>>) dst(%arg5 : memref<128x16x16xf32, #tpu.memory_space<vmem>>)
    %scan3A_78 = arith.constant 0 : i32
    %scan3A_79 = arith.constant 0 : i32
    %scan3A_80 = arith.constant 8 : i32
    %scan3A_81 = arith.addi %scan3A_79, %scan3A_80 : i32
    %scan3A_82 = arith.constant 1 : i32
    %scan3A_83 = scf.for %scan3A_87 = %scan3A_79 to %scan3A_81 step %scan3A_82 iter_args(%scan3A_88 = %scan3A_78) -> (i32)  : i32 {
      %add3A_89 = arith.constant 24 : i32
      %add3A_90 = arith.addi %add3A_89, %scan3A_87 : i32
      %mul3A_91 = arith.constant 16 : i32
      %mul3A_92 = arith.muli %scan3A_87, %mul3A_91 : i32
      %add3A_93 = vector.broadcast %mul3A_92 : i32 to vector<16xi32>
      %add3A_94 = arith.addi %add3A_93, %iota3A : vector<16xi32>
      %gather3A = tpu.vector_load_idx %arg5[%add3A_94, %broadcast_in_dim3A_3, %broadcast_in_dim3A_3] : memref<128x16x16xf32, #tpu.memory_space<vmem>>[vector<16xi32>, vector<16xi32>, vector<16xi32>], vector<16xf32>,
      %broadcast_in_dim3A_95 = arith.constant 1 : i32
      %broadcast_in_dim3A_96 = vector.broadcast %broadcast_in_dim3A_95 : i32 to vector<16xi32>
      %gather3A_97 = tpu.vector_load_idx %arg5[%add3A_94, %broadcast_in_dim3A_96, %broadcast_in_dim3A_3] : memref<128x16x16xf32, #tpu.memory_space<vmem>>[vector<16xi32>, vector<16xi32>, vector<16xi32>], vector<16xf32>,
      %gt3A = arith.cmpf ogt, %gather3A_97, %gather3A : vector<16xf32>
      %jit3A = arith.constant 1 : i32
      %broadcast_in_dim3A_98 = vector.broadcast %jit3A : i32 to vector<16xi32>
      %select_n3A = arith.select %gt3A, %broadcast_in_dim3A_98, %broadcast_in_dim3A_3 : vector<16xi1>, vector<16xi32>
      %max3A = arith.maximumf %gather3A_97, %gather3A : vector<16xf32>
      %broadcast_in_dim3A_99 = arith.constant 2 : i32
      %broadcast_in_dim3A_100 = vector.broadcast %broadcast_in_dim3A_99 : i32 to vector<16xi32>
      %gather3A_101 = tpu.vector_load_idx %arg5[%add3A_94, %broadcast_in_dim3A_100, %broadcast_in_dim3A_3] : memref<128x16x16xf32, #tpu.memory_space<vmem>>[vector<16xi32>, vector<16xi32>, vector<16xi32>], vector<16xf32>,
      %gt3A_102 = arith.cmpf ogt, %gather3A_101, %max3A : vector<16xf32>
      %jit3A_103 = arith.constant 2 : i32
      %broadcast_in_dim3A_104 = vector.broadcast %jit3A_103 : i32 to vector<16xi32>
      %select_n3A_105 = arith.select %gt3A_102, %broadcast_in_dim3A_104, %select_n3A : vector<16xi1>, vector<16xi32>
      %max3A_106 = arith.maximumf %gather3A_101, %max3A : vector<16xf32>
      %broadcast_in_dim3A_107 = arith.constant 3 : i32
      %broadcast_in_dim3A_108 = vector.broadcast %broadcast_in_dim3A_107 : i32 to vector<16xi32>
      %gather3A_109 = tpu.vector_load_idx %arg5[%add3A_94, %broadcast_in_dim3A_108, %broadcast_in_dim3A_3] : memref<128x16x16xf32, #tpu.memory_space<vmem>>[vector<16xi32>, vector<16xi32>, vector<16xi32>], vector<16xf32>,
      %gt3A_110 = arith.cmpf ogt, %gather3A_109, %max3A_106 : vector<16xf32>
      %jit3A_111 = arith.constant 3 : i32
      %broadcast_in_dim3A_112 = vector.broadcast %jit3A_111 : i32 to vector<16xi32>
      %select_n3A_113 = arith.select %gt3A_110, %broadcast_in_dim3A_112, %select_n3A_105 : vector<16xi1>, vector<16xi32>
      %max3A_114 = arith.maximumf %gather3A_109, %max3A_106 : vector<16xf32>
      %broadcast_in_dim3A_115 = arith.constant 4 : i32
      %broadcast_in_dim3A_116 = vector.broadcast %broadcast_in_dim3A_115 : i32 to vector<16xi32>
      %gather3A_117 = tpu.vector_load_idx %arg5[%add3A_94, %broadcast_in_dim3A_116, %broadcast_in_dim3A_3] : memref<128x16x16xf32, #tpu.memory_space<vmem>>[vector<16xi32>, vector<16xi32>, vector<16xi32>], vector<16xf32>,
      %gt3A_118 = arith.cmpf ogt, %gather3A_117, %max3A_114 : vector<16xf32>
      %jit3A_119 = arith.constant 4 : i32
      %broadcast_in_dim3A_120 = vector.broadcast %jit3A_119 : i32 to vector<16xi32>
      %select_n3A_121 = arith.select %gt3A_118, %broadcast_in_dim3A_120, %select_n3A_113 : vector<16xi1>, vector<16xi32>
      %max3A_122 = arith.maximumf %gather3A_117, %max3A_114 : vector<16xf32>
      %broadcast_in_dim3A_123 = arith.constant 5 : i32
      %broadcast_in_dim3A_124 = vector.broadcast %broadcast_in_dim3A_123 : i32 to vector<16xi32>
      %gather3A_125 = tpu.vector_load_idx %arg5[%add3A_94, %broadcast_in_dim3A_124, %broadcast_in_dim3A_3] : memref<128x16x16xf32, #tpu.memory_space<vmem>>[vector<16xi32>, vector<16xi32>, vector<16xi32>], vector<16xf32>,
      %gt3A_126 = arith.cmpf ogt, %gather3A_125, %max3A_122 : vector<16xf32>
      %jit3A_127 = arith.constant 5 : i32
      %broadcast_in_dim3A_128 = vector.broadcast %jit3A_127 : i32 to vector<16xi32>
      %select_n3A_129 = arith.select %gt3A_126, %broadcast_in_dim3A_128, %select_n3A_121 : vector<16xi1>, vector<16xi32>
      %max3A_130 = arith.maximumf %gather3A_125, %max3A_122 : vector<16xf32>
      %broadcast_in_dim3A_131 = arith.constant 6 : i32
      %broadcast_in_dim3A_132 = vector.broadcast %broadcast_in_dim3A_131 : i32 to vector<16xi32>
      %gather3A_133 = tpu.vector_load_idx %arg5[%add3A_94, %broadcast_in_dim3A_132, %broadcast_in_dim3A_3] : memref<128x16x16xf32, #tpu.memory_space<vmem>>[vector<16xi32>, vector<16xi32>, vector<16xi32>], vector<16xf32>,
      %gt3A_134 = arith.cmpf ogt, %gather3A_133, %max3A_130 : vector<16xf32>
      %jit3A_135 = arith.constant 6 : i32
      %broadcast_in_dim3A_136 = vector.broadcast %jit3A_135 : i32 to vector<16xi32>
      %select_n3A_137 = arith.select %gt3A_134, %broadcast_in_dim3A_136, %select_n3A_129 : vector<16xi1>, vector<16xi32>
      %max3A_138 = arith.maximumf %gather3A_133, %max3A_130 : vector<16xf32>
      %broadcast_in_dim3A_139 = arith.constant 7 : i32
      %broadcast_in_dim3A_140 = vector.broadcast %broadcast_in_dim3A_139 : i32 to vector<16xi32>
      %gather3A_141 = tpu.vector_load_idx %arg5[%add3A_94, %broadcast_in_dim3A_140, %broadcast_in_dim3A_3] : memref<128x16x16xf32, #tpu.memory_space<vmem>>[vector<16xi32>, vector<16xi32>, vector<16xi32>], vector<16xf32>,
      %gt3A_142 = arith.cmpf ogt, %gather3A_141, %max3A_138 : vector<16xf32>
      %jit3A_143 = arith.constant 7 : i32
      %broadcast_in_dim3A_144 = vector.broadcast %jit3A_143 : i32 to vector<16xi32>
      %select_n3A_145 = arith.select %gt3A_142, %broadcast_in_dim3A_144, %select_n3A_137 : vector<16xi1>, vector<16xi32>
      %max3A_146 = arith.maximumf %gather3A_141, %max3A_138 : vector<16xf32>
      %broadcast_in_dim3A_147 = arith.constant 8 : i32
      %broadcast_in_dim3A_148 = vector.broadcast %broadcast_in_dim3A_147 : i32 to vector<16xi32>
      %gather3A_149 = tpu.vector_load_idx %arg5[%add3A_94, %broadcast_in_dim3A_148, %broadcast_in_dim3A_3] : memref<128x16x16xf32, #tpu.memory_space<vmem>>[vector<16xi32>, vector<16xi32>, vector<16xi32>], vector<16xf32>,
      %gt3A_150 = arith.cmpf ogt, %gather3A_149, %max3A_146 : vector<16xf32>
      %jit3A_151 = arith.constant 8 : i32
      %broadcast_in_dim3A_152 = vector.broadcast %jit3A_151 : i32 to vector<16xi32>
      %select_n3A_153 = arith.select %gt3A_150, %broadcast_in_dim3A_152, %select_n3A_145 : vector<16xi1>, vector<16xi32>
      %max3A_154 = arith.maximumf %gather3A_149, %max3A_146 : vector<16xf32>
      %broadcast_in_dim3A_155 = arith.constant 9 : i32
      %broadcast_in_dim3A_156 = vector.broadcast %broadcast_in_dim3A_155 : i32 to vector<16xi32>
      %gather3A_157 = tpu.vector_load_idx %arg5[%add3A_94, %broadcast_in_dim3A_156, %broadcast_in_dim3A_3] : memref<128x16x16xf32, #tpu.memory_space<vmem>>[vector<16xi32>, vector<16xi32>, vector<16xi32>], vector<16xf32>,
      %gt3A_158 = arith.cmpf ogt, %gather3A_157, %max3A_154 : vector<16xf32>
      %jit3A_159 = arith.constant 9 : i32
      %broadcast_in_dim3A_160 = vector.broadcast %jit3A_159 : i32 to vector<16xi32>
      %select_n3A_161 = arith.select %gt3A_158, %broadcast_in_dim3A_160, %select_n3A_153 : vector<16xi1>, vector<16xi32>
      %max3A_162 = arith.maximumf %gather3A_157, %max3A_154 : vector<16xf32>
      %broadcast_in_dim3A_163 = arith.constant 10 : i32
      %broadcast_in_dim3A_164 = vector.broadcast %broadcast_in_dim3A_163 : i32 to vector<16xi32>
      %gather3A_165 = tpu.vector_load_idx %arg5[%add3A_94, %broadcast_in_dim3A_164, %broadcast_in_dim3A_3] : memref<128x16x16xf32, #tpu.memory_space<vmem>>[vector<16xi32>, vector<16xi32>, vector<16xi32>], vector<16xf32>,
      %gt3A_166 = arith.cmpf ogt, %gather3A_165, %max3A_162 : vector<16xf32>
      %jit3A_167 = arith.constant 10 : i32
      %broadcast_in_dim3A_168 = vector.broadcast %jit3A_167 : i32 to vector<16xi32>
      %select_n3A_169 = arith.select %gt3A_166, %broadcast_in_dim3A_168, %select_n3A_161 : vector<16xi1>, vector<16xi32>
      %max3A_170 = arith.maximumf %gather3A_165, %max3A_162 : vector<16xf32>
      %broadcast_in_dim3A_171 = arith.constant 11 : i32
      %broadcast_in_dim3A_172 = vector.broadcast %broadcast_in_dim3A_171 : i32 to vector<16xi32>
      %gather3A_173 = tpu.vector_load_idx %arg5[%add3A_94, %broadcast_in_dim3A_172, %broadcast_in_dim3A_3] : memref<128x16x16xf32, #tpu.memory_space<vmem>>[vector<16xi32>, vector<16xi32>, vector<16xi32>], vector<16xf32>,
      %gt3A_174 = arith.cmpf ogt, %gather3A_173, %max3A_170 : vector<16xf32>
      %jit3A_175 = arith.constant 11 : i32
      %broadcast_in_dim3A_176 = vector.broadcast %jit3A_175 : i32 to vector<16xi32>
      %select_n3A_177 = arith.select %gt3A_174, %broadcast_in_dim3A_176, %select_n3A_169 : vector<16xi1>, vector<16xi32>
      %max3A_178 = arith.maximumf %gather3A_173, %max3A_170 : vector<16xf32>
      %broadcast_in_dim3A_179 = arith.constant 12 : i32
      %broadcast_in_dim3A_180 = vector.broadcast %broadcast_in_dim3A_179 : i32 to vector<16xi32>
      %gather3A_181 = tpu.vector_load_idx %arg5[%add3A_94, %broadcast_in_dim3A_180, %broadcast_in_dim3A_3] : memref<128x16x16xf32, #tpu.memory_space<vmem>>[vector<16xi32>, vector<16xi32>, vector<16xi32>], vector<16xf32>,
      %gt3A_182 = arith.cmpf ogt, %gather3A_181, %max3A_178 : vector<16xf32>
      %jit3A_183 = arith.constant 12 : i32
      %broadcast_in_dim3A_184 = vector.broadcast %jit3A_183 : i32 to vector<16xi32>
      %select_n3A_185 = arith.select %gt3A_182, %broadcast_in_dim3A_184, %select_n3A_177 : vector<16xi1>, vector<16xi32>
      %max3A_186 = arith.maximumf %gather3A_181, %max3A_178 : vector<16xf32>
      %broadcast_in_dim3A_187 = arith.constant 13 : i32
      %broadcast_in_dim3A_188 = vector.broadcast %broadcast_in_dim3A_187 : i32 to vector<16xi32>
      %gather3A_189 = tpu.vector_load_idx %arg5[%add3A_94, %broadcast_in_dim3A_188, %broadcast_in_dim3A_3] : memref<128x16x16xf32, #tpu.memory_space<vmem>>[vector<16xi32>, vector<16xi32>, vector<16xi32>], vector<16xf32>,
      %gt3A_190 = arith.cmpf ogt, %gather3A_189, %max3A_186 : vector<16xf32>
      %jit3A_191 = arith.constant 13 : i32
      %broadcast_in_dim3A_192 = vector.broadcast %jit3A_191 : i32 to vector<16xi32>
      %select_n3A_193 = arith.select %gt3A_190, %broadcast_in_dim3A_192, %select_n3A_185 : vector<16xi1>, vector<16xi32>
      %max3A_194 = arith.maximumf %gather3A_189, %max3A_186 : vector<16xf32>
      %broadcast_in_dim3A_195 = arith.constant 14 : i32
      %broadcast_in_dim3A_196 = vector.broadcast %broadcast_in_dim3A_195 : i32 to vector<16xi32>
      %gather3A_197 = tpu.vector_load_idx %arg5[%add3A_94, %broadcast_in_dim3A_196, %broadcast_in_dim3A_3] : memref<128x16x16xf32, #tpu.memory_space<vmem>>[vector<16xi32>, vector<16xi32>, vector<16xi32>], vector<16xf32>,
      %gt3A_198 = arith.cmpf ogt, %gather3A_197, %max3A_194 : vector<16xf32>
      %jit3A_199 = arith.constant 14 : i32
      %broadcast_in_dim3A_200 = vector.broadcast %jit3A_199 : i32 to vector<16xi32>
      %select_n3A_201 = arith.select %gt3A_198, %broadcast_in_dim3A_200, %select_n3A_193 : vector<16xi1>, vector<16xi32>
      %max3A_202 = arith.maximumf %gather3A_197, %max3A_194 : vector<16xf32>
      %broadcast_in_dim3A_203 = arith.constant 15 : i32
      %broadcast_in_dim3A_204 = vector.broadcast %broadcast_in_dim3A_203 : i32 to vector<16xi32>
      %gather3A_205 = tpu.vector_load_idx %arg5[%add3A_94, %broadcast_in_dim3A_204, %broadcast_in_dim3A_3] : memref<128x16x16xf32, #tpu.memory_space<vmem>>[vector<16xi32>, vector<16xi32>, vector<16xi32>], vector<16xf32>,
      %gt3A_206 = arith.cmpf ogt, %gather3A_205, %max3A_202 : vector<16xf32>
      %jit3A_207 = arith.constant 15 : i32
      %broadcast_in_dim3A_208 = vector.broadcast %jit3A_207 : i32 to vector<16xi32>
      %select_n3A_209 = arith.select %gt3A_206, %broadcast_in_dim3A_208, %select_n3A_201 : vector<16xi1>, vector<16xi32>
      %max3A_210 = arith.maximumf %gather3A_205, %max3A_202 : vector<16xf32>
      %ge3A = arith.constant 5.000000e-01 : f32
      %ge3A_211 = vector.broadcast %ge3A : f32 to vector<16xf32>
      %ge3A_212 = arith.cmpf oge, %max3A_210, %ge3A_211 : vector<16xf32>
      %convert_element_type3A = arith.extui %ge3A_212 : vector<16xi1> to vector<16xi32>
      %mul3A_213 = arith.constant 16 : i32
      %mul3A_214 = arith.muli %add3A_90, %mul3A_213 : i32
      %swap3A = arith.index_cast %mul3A_214 : i32 to index
      %swap3A_215 = tpu.vector_load %arg7[%swap3A] {strides = array<i32>} : memref<512xi32, #tpu.memory_space<vmem>>, vector<16xi32>,
      tpu.vector_store %arg7[%swap3A], %convert_element_type3A {strides = array<i32>} : memref<512xi32, #tpu.memory_space<vmem>>, vector<16xi32>,
      %mul3A_216 = arith.constant 16 : i32
      %mul3A_217 = arith.muli %add3A_90, %mul3A_216 : i32
      %swap3A_218 = arith.index_cast %mul3A_217 : i32 to index
      %swap3A_219 = tpu.vector_load %arg8[%swap3A_218] {strides = array<i32>} : memref<512xi32, #tpu.memory_space<vmem>>, vector<16xi32>,
      tpu.vector_store %arg8[%swap3A_218], %select_n3A_209 {strides = array<i32>} : memref<512xi32, #tpu.memory_space<vmem>>, vector<16xi32>,
      %all_reduce_population_count3A = tpu.all_reduce %ge3A_212 {dim = 0 : i64, kind = #tpu.reduction_kind<sum>} : vector<16xi1> -> vector<16xi32>
      %slice3A = vector.extract_strided_slice %all_reduce_population_count3A {offsets = [15], sizes = [1], strides = [1]} : vector<16xi32> to vector<1xi32>
      %squeeze3A = vector.extract %slice3A[0] : i32 from vector<1xi32>
      %lt3A = arith.constant 16 : i32
      %lt3A_220 = arith.cmpi slt, %squeeze3A, %lt3A : i32
      %convert_element_type3A_221 = arith.extui %lt3A_220 : i1 to i32
      %cond3A = arith.constant 0 : i32
      %cond3A_222 = arith.cmpi ne, %convert_element_type3A_221, %cond3A : i32
      scf.if %cond3A_222 {
        %mul3A_224 = arith.constant 16 : i32
        %mul3A_225 = arith.muli %add3A_90, %mul3A_224 : i32
        %add3A_226 = arith.addi %mul3A_2, %mul3A_225 : i32
        "tpu.region"() ({
          %run_scoped3A = tpu.sem_alloc : memref<!tpu.dma_semaphore, #tpu.memory_space<semaphore_mem>>
          %dma_start3A_241 = arith.constant 0 : i32
          %dma_start3A_242 = arith.constant 0 : i32
          %dma_start3A_243 = tpu.memref_slice %arg2[%add3A_226, %dma_start3A_241, %dma_start3A_242] : memref<16384x16x128xf32, #tpu.memory_space<hbm>> -> memref<16x16x128xf32, #tpu.memory_space<hbm>>
          %dma_start3A_244 = arith.constant 0 : i32
          %dma_start3A_245 = arith.constant 0 : i32
          %dma_start3A_246 = tpu.memref_slice %arg2[%add3A_226, %dma_start3A_244, %dma_start3A_245] : memref<16384x16x128xf32, #tpu.memory_space<hbm>> -> memref<16x16x128xf32, #tpu.memory_space<hbm>>
          tpu.enqueue_dma source(%dma_start3A_246 : memref<16x16x128xf32, #tpu.memory_space<hbm>>) target(%arg6 : memref<16x16x128xf32, #tpu.memory_space<vmem>>) target_semaphore(%run_scoped3A : memref<!tpu.dma_semaphore, #tpu.memory_space<semaphore_mem>>)
          %dma_wait3A_247 = arith.constant 0 : i32
          %dma_wait3A_248 = arith.constant 0 : i32
          %dma_wait3A_249 = tpu.memref_slice %arg2[%add3A_226, %dma_wait3A_247, %dma_wait3A_248] : memref<16384x16x128xf32, #tpu.memory_space<hbm>> -> memref<16x16x128xf32, #tpu.memory_space<hbm>>
          %dma_wait3A_250 = arith.constant 0 : i32
          %dma_wait3A_251 = arith.constant 0 : i32
          %dma_wait3A_252 = tpu.memref_slice %arg2[%add3A_226, %dma_wait3A_250, %dma_wait3A_251] : memref<16384x16x128xf32, #tpu.memory_space<hbm>> -> memref<16x16x128xf32, #tpu.memory_space<hbm>>
          tpu.wait_dma2 semaphore(%run_scoped3A : memref<!tpu.dma_semaphore, #tpu.memory_space<semaphore_mem>>) src(%dma_wait3A_252 : memref<16x16x128xf32, #tpu.memory_space<hbm>>) dst(%arg6 : memref<16x16x128xf32, #tpu.memory_space<vmem>>)
          tpu.yield
        }) : () -> ()
        %scan3A_227 = arith.constant 0 : i32
        %scan3A_228 = arith.constant 16 : i32
        %scan3A_229 = arith.addi %scan3A_227, %scan3A_228 : i32
        %scan3A_230 = arith.constant 1 : i32
        %scan3A_231:2 = scf.for %scan3A_241 = %scan3A_227 to %scan3A_229 step %scan3A_230 iter_args(%scan3A_242 = %broadcast_in_dim3A_3, %scan3A_243 = %broadcast_in_dim3A_3) -> (vector<16xi32>, vector<16xi32>)  : i32 {
          %scan3A_244 = arith.constant 128 : i32
          %scan3A_245 = arith.constant 0 : i32
          %scan3A_246 = arith.constant 8 : i32
          %scan3A_247 = arith.addi %scan3A_245, %scan3A_246 : i32
          %scan3A_248 = arith.constant 1 : i32
          %scan3A_249 = scf.for %scan3A_279 = %scan3A_245 to %scan3A_247 step %scan3A_248 iter_args(%scan3A_280 = %scan3A_244) -> (i32)  : i32 {
            %mul3A_281 = arith.constant 16 : i32
            %mul3A_282 = arith.muli %scan3A_279, %mul3A_281 : i32
            %get3A = arith.constant 0 : i32
            %get3A_283 = arith.index_cast %scan3A_241 : i32 to index
            %get3A_284 = arith.index_cast %get3A : i32 to index
            %get3A_285 = arith.index_cast %mul3A_282 : i32 to index
            %get3A_286 = tpu.vector_load %arg6[%get3A_283, %get3A_284, %get3A_285] {strides = array<i32>} : memref<16x16x128xf32, #tpu.memory_space<vmem>>, vector<16xf32>,
            %mul3A_287 = arith.constant 16 : i32
            %mul3A_288 = arith.muli %scan3A_279, %mul3A_287 : i32
            %get3A_289 = arith.constant 1 : i32
            %get3A_290 = arith.index_cast %scan3A_241 : i32 to index
            %get3A_291 = arith.index_cast %get3A_289 : i32 to index
            %get3A_292 = arith.index_cast %mul3A_288 : i32 to index
            %get3A_293 = tpu.vector_load %arg6[%get3A_290, %get3A_291, %get3A_292] {strides = array<i32>} : memref<16x16x128xf32, #tpu.memory_space<vmem>>, vector<16xf32>,
            %max3A_294 = arith.maximumf %get3A_286, %get3A_293 : vector<16xf32>
            %mul3A_295 = arith.constant 16 : i32
            %mul3A_296 = arith.muli %scan3A_279, %mul3A_295 : i32
            %get3A_297 = arith.constant 2 : i32
            %get3A_298 = arith.index_cast %scan3A_241 : i32 to index
            %get3A_299 = arith.index_cast %get3A_297 : i32 to index
            %get3A_300 = arith.index_cast %mul3A_296 : i32 to index
            %get3A_301 = tpu.vector_load %arg6[%get3A_298, %get3A_299, %get3A_300] {strides = array<i32>} : memref<16x16x128xf32, #tpu.memory_space<vmem>>, vector<16xf32>,
            %max3A_302 = arith.maximumf %max3A_294, %get3A_301 : vector<16xf32>
            %mul3A_303 = arith.constant 16 : i32
            %mul3A_304 = arith.muli %scan3A_279, %mul3A_303 : i32
            %get3A_305 = arith.constant 3 : i32
            %get3A_306 = arith.index_cast %scan3A_241 : i32 to index
            %get3A_307 = arith.index_cast %get3A_305 : i32 to index
            %get3A_308 = arith.index_cast %mul3A_304 : i32 to index
            %get3A_309 = tpu.vector_load %arg6[%get3A_306, %get3A_307, %get3A_308] {strides = array<i32>} : memref<16x16x128xf32, #tpu.memory_space<vmem>>, vector<16xf32>,
            %max3A_310 = arith.maximumf %max3A_302, %get3A_309 : vector<16xf32>
            %mul3A_311 = arith.constant 16 : i32
            %mul3A_312 = arith.muli %scan3A_279, %mul3A_311 : i32
            %get3A_313 = arith.constant 4 : i32
            %get3A_314 = arith.index_cast %scan3A_241 : i32 to index
            %get3A_315 = arith.index_cast %get3A_313 : i32 to index
            %get3A_316 = arith.index_cast %mul3A_312 : i32 to index
            %get3A_317 = tpu.vector_load %arg6[%get3A_314, %get3A_315, %get3A_316] {strides = array<i32>} : memref<16x16x128xf32, #tpu.memory_space<vmem>>, vector<16xf32>,
            %max3A_318 = arith.maximumf %max3A_310, %get3A_317 : vector<16xf32>
            %mul3A_319 = arith.constant 16 : i32
            %mul3A_320 = arith.muli %scan3A_279, %mul3A_319 : i32
            %get3A_321 = arith.constant 5 : i32
            %get3A_322 = arith.index_cast %scan3A_241 : i32 to index
            %get3A_323 = arith.index_cast %get3A_321 : i32 to index
            %get3A_324 = arith.index_cast %mul3A_320 : i32 to index
            %get3A_325 = tpu.vector_load %arg6[%get3A_322, %get3A_323, %get3A_324] {strides = array<i32>} : memref<16x16x128xf32, #tpu.memory_space<vmem>>, vector<16xf32>,
            %max3A_326 = arith.maximumf %max3A_318, %get3A_325 : vector<16xf32>
            %mul3A_327 = arith.constant 16 : i32
            %mul3A_328 = arith.muli %scan3A_279, %mul3A_327 : i32
            %get3A_329 = arith.constant 6 : i32
            %get3A_330 = arith.index_cast %scan3A_241 : i32 to index
            %get3A_331 = arith.index_cast %get3A_329 : i32 to index
            %get3A_332 = arith.index_cast %mul3A_328 : i32 to index
            %get3A_333 = tpu.vector_load %arg6[%get3A_330, %get3A_331, %get3A_332] {strides = array<i32>} : memref<16x16x128xf32, #tpu.memory_space<vmem>>, vector<16xf32>,
            %max3A_334 = arith.maximumf %max3A_326, %get3A_333 : vector<16xf32>
            %mul3A_335 = arith.constant 16 : i32
            %mul3A_336 = arith.muli %scan3A_279, %mul3A_335 : i32
            %get3A_337 = arith.constant 7 : i32
            %get3A_338 = arith.index_cast %scan3A_241 : i32 to index
            %get3A_339 = arith.index_cast %get3A_337 : i32 to index
            %get3A_340 = arith.index_cast %mul3A_336 : i32 to index
            %get3A_341 = tpu.vector_load %arg6[%get3A_338, %get3A_339, %get3A_340] {strides = array<i32>} : memref<16x16x128xf32, #tpu.memory_space<vmem>>, vector<16xf32>,
            %max3A_342 = arith.maximumf %max3A_334, %get3A_341 : vector<16xf32>
            %mul3A_343 = arith.constant 16 : i32
            %mul3A_344 = arith.muli %scan3A_279, %mul3A_343 : i32
            %get3A_345 = arith.constant 8 : i32
            %get3A_346 = arith.index_cast %scan3A_241 : i32 to index
            %get3A_347 = arith.index_cast %get3A_345 : i32 to index
            %get3A_348 = arith.index_cast %mul3A_344 : i32 to index
            %get3A_349 = tpu.vector_load %arg6[%get3A_346, %get3A_347, %get3A_348] {strides = array<i32>} : memref<16x16x128xf32, #tpu.memory_space<vmem>>, vector<16xf32>,
            %max3A_350 = arith.maximumf %max3A_342, %get3A_349 : vector<16xf32>
            %mul3A_351 = arith.constant 16 : i32
            %mul3A_352 = arith.muli %scan3A_279, %mul3A_351 : i32
            %get3A_353 = arith.constant 9 : i32
            %get3A_354 = arith.index_cast %scan3A_241 : i32 to index
            %get3A_355 = arith.index_cast %get3A_353 : i32 to index
            %get3A_356 = arith.index_cast %mul3A_352 : i32 to index
            %get3A_357 = tpu.vector_load %arg6[%get3A_354, %get3A_355, %get3A_356] {strides = array<i32>} : memref<16x16x128xf32, #tpu.memory_space<vmem>>, vector<16xf32>,
            %max3A_358 = arith.maximumf %max3A_350, %get3A_357 : vector<16xf32>
            %mul3A_359 = arith.constant 16 : i32
            %mul3A_360 = arith.muli %scan3A_279, %mul3A_359 : i32
            %get3A_361 = arith.constant 10 : i32
            %get3A_362 = arith.index_cast %scan3A_241 : i32 to index
            %get3A_363 = arith.index_cast %get3A_361 : i32 to index
            %get3A_364 = arith.index_cast %mul3A_360 : i32 to index
            %get3A_365 = tpu.vector_load %arg6[%get3A_362, %get3A_363, %get3A_364] {strides = array<i32>} : memref<16x16x128xf32, #tpu.memory_space<vmem>>, vector<16xf32>,
            %max3A_366 = arith.maximumf %max3A_358, %get3A_365 : vector<16xf32>
            %mul3A_367 = arith.constant 16 : i32
            %mul3A_368 = arith.muli %scan3A_279, %mul3A_367 : i32
            %get3A_369 = arith.constant 11 : i32
            %get3A_370 = arith.index_cast %scan3A_241 : i32 to index
            %get3A_371 = arith.index_cast %get3A_369 : i32 to index
            %get3A_372 = arith.index_cast %mul3A_368 : i32 to index
            %get3A_373 = tpu.vector_load %arg6[%get3A_370, %get3A_371, %get3A_372] {strides = array<i32>} : memref<16x16x128xf32, #tpu.memory_space<vmem>>, vector<16xf32>,
            %max3A_374 = arith.maximumf %max3A_366, %get3A_373 : vector<16xf32>
            %mul3A_375 = arith.constant 16 : i32
            %mul3A_376 = arith.muli %scan3A_279, %mul3A_375 : i32
            %get3A_377 = arith.constant 12 : i32
            %get3A_378 = arith.index_cast %scan3A_241 : i32 to index
            %get3A_379 = arith.index_cast %get3A_377 : i32 to index
            %get3A_380 = arith.index_cast %mul3A_376 : i32 to index
            %get3A_381 = tpu.vector_load %arg6[%get3A_378, %get3A_379, %get3A_380] {strides = array<i32>} : memref<16x16x128xf32, #tpu.memory_space<vmem>>, vector<16xf32>,
            %max3A_382 = arith.maximumf %max3A_374, %get3A_381 : vector<16xf32>
            %mul3A_383 = arith.constant 16 : i32
            %mul3A_384 = arith.muli %scan3A_279, %mul3A_383 : i32
            %get3A_385 = arith.constant 13 : i32
            %get3A_386 = arith.index_cast %scan3A_241 : i32 to index
            %get3A_387 = arith.index_cast %get3A_385 : i32 to index
            %get3A_388 = arith.index_cast %mul3A_384 : i32 to index
            %get3A_389 = tpu.vector_load %arg6[%get3A_386, %get3A_387, %get3A_388] {strides = array<i32>} : memref<16x16x128xf32, #tpu.memory_space<vmem>>, vector<16xf32>,
            %max3A_390 = arith.maximumf %max3A_382, %get3A_389 : vector<16xf32>
            %mul3A_391 = arith.constant 16 : i32
            %mul3A_392 = arith.muli %scan3A_279, %mul3A_391 : i32
            %get3A_393 = arith.constant 14 : i32
            %get3A_394 = arith.index_cast %scan3A_241 : i32 to index
            %get3A_395 = arith.index_cast %get3A_393 : i32 to index
            %get3A_396 = arith.index_cast %mul3A_392 : i32 to index
            %get3A_397 = tpu.vector_load %arg6[%get3A_394, %get3A_395, %get3A_396] {strides = array<i32>} : memref<16x16x128xf32, #tpu.memory_space<vmem>>, vector<16xf32>,
            %max3A_398 = arith.maximumf %max3A_390, %get3A_397 : vector<16xf32>
            %mul3A_399 = arith.constant 16 : i32
            %mul3A_400 = arith.muli %scan3A_279, %mul3A_399 : i32
            %get3A_401 = arith.constant 15 : i32
            %get3A_402 = arith.index_cast %scan3A_241 : i32 to index
            %get3A_403 = arith.index_cast %get3A_401 : i32 to index
            %get3A_404 = arith.index_cast %mul3A_400 : i32 to index
            %get3A_405 = tpu.vector_load %arg6[%get3A_402, %get3A_403, %get3A_404] {strides = array<i32>} : memref<16x16x128xf32, #tpu.memory_space<vmem>>, vector<16xf32>,
            %max3A_406 = arith.maximumf %max3A_398, %get3A_405 : vector<16xf32>
            %ge3A_407 = arith.constant 5.000000e-01 : f32
            %ge3A_408 = vector.broadcast %ge3A_407 : f32 to vector<16xf32>
            %ge3A_409 = arith.cmpf oge, %max3A_406, %ge3A_408 : vector<16xf32>
            %mul3A_410 = arith.constant 16 : i32
            %mul3A_411 = arith.muli %scan3A_279, %mul3A_410 : i32
            %add3A_412 = vector.broadcast %mul3A_411 : i32 to vector<16xi32>
            %add3A_413 = arith.addi %add3A_412, %iota3A : vector<16xi32>
            %jit3A_414 = arith.constant 128 : i32
            %broadcast_in_dim3A_415 = vector.broadcast %jit3A_414 : i32 to vector<16xi32>
            %select_n3A_416 = arith.select %ge3A_409, %add3A_413, %broadcast_in_dim3A_415 : vector<16xi1>, vector<16xi32>
            %reduce_min3A_417 = arith.constant true
            %reduce_min3A_418 = vector.broadcast %reduce_min3A_417 : i1 to vector<16xi1>
            %reduce_min3A_419 = arith.constant -2147483648 : i32
            %reduce_min3A_420 = vector.broadcast %reduce_min3A_419 : i32 to vector<16xi32>
            %reduce_min3A_421 = arith.xori %select_n3A_416, %reduce_min3A_420 : vector<16xi32>
            %reduce_min3A_422 = tpu.scan <min>, %reduce_min3A_421 masked %reduce_min3A_418 : vector<16xi32>, vector<16xi1> -> vector<16xi32>
            %reduce_min3A_423 = arith.xori %reduce_min3A_422, %reduce_min3A_420 : vector<16xi32>
            %reduce_min3A_424 = vector.extract %reduce_min3A_423[15] : i32 from vector<16xi32>
            %min3A = arith.minsi %scan3A_280, %reduce_min3A_424 : i32
            scf.yield %min3A : i32
          }
          %scan3A_250 = arith.constant 8 : i32
          %lt3A_251 = arith.constant 128 : i32
          %lt3A_252 = arith.cmpi slt, %scan3A_249, %lt3A_251 : i32
          %jit3A_253 = arith.constant 0 : i32
          %select_n3A_254 = arith.select %lt3A_252, %scan3A_249, %jit3A_253 : i32
          %broadcast_in_dim3A_255 = vector.broadcast %scan3A_241 : i32 to vector<16xi32>
          %broadcast_in_dim3A_256 = vector.broadcast %select_n3A_254 : i32 to vector<16xi32>
          %gather3A_257 = tpu.vector_load_idx %arg6[%broadcast_in_dim3A_255, %iota3A, %broadcast_in_dim3A_256] : memref<16x16x128xf32, #tpu.memory_space<vmem>>[vector<16xi32>, vector<16xi32>, vector<16xi32>], vector<16xf32>,
          %reduce_max3A = arith.constant true
          %reduce_max3A_258 = vector.broadcast %reduce_max3A : i1 to vector<16xi1>
          %reduce_max3A_259 = tpu.scan <max>, %gather3A_257 masked %reduce_max3A_258 : vector<16xf32>, vector<16xi1> -> vector<16xf32>
          %reduce_max3A_260 = vector.extract %reduce_max3A_259[15] : f32 from vector<16xf32>
          %eq3A = vector.broadcast %reduce_max3A_260 : f32 to vector<16xf32>
          %eq3A_261 = arith.cmpf oeq, %gather3A_257, %eq3A : vector<16xf32>
          %jit3A_262 = arith.constant 16 : i32
          %broadcast_in_dim3A_263 = vector.broadcast %jit3A_262 : i32 to vector<16xi32>
          %select_n3A_264 = arith.select %eq3A_261, %iota3A, %broadcast_in_dim3A_263 : vector<16xi1>, vector<16xi32>
          %reduce_min3A = arith.constant true
          %reduce_min3A_265 = vector.broadcast %reduce_min3A : i1 to vector<16xi1>
          %reduce_min3A_266 = arith.constant -2147483648 : i32
          %reduce_min3A_267 = vector.broadcast %reduce_min3A_266 : i32 to vector<16xi32>
          %reduce_min3A_268 = arith.xori %select_n3A_264, %reduce_min3A_267 : vector<16xi32>
          %reduce_min3A_269 = tpu.scan <min>, %reduce_min3A_268 masked %reduce_min3A_265 : vector<16xi32>, vector<16xi1> -> vector<16xi32>
          %reduce_min3A_270 = arith.xori %reduce_min3A_269, %reduce_min3A_267 : vector<16xi32>
          %reduce_min3A_271 = vector.extract %reduce_min3A_270[15] : i32 from vector<16xi32>
          %eq3A_272 = vector.broadcast %scan3A_241 : i32 to vector<16xi32>
          %eq3A_273 = arith.cmpi eq, %iota3A, %eq3A_272 : vector<16xi32>
          %convert_element_type3A_274 = arith.extui %lt3A_252 : i1 to i32
          %broadcast_in_dim3A_275 = vector.broadcast %convert_element_type3A_274 : i32 to vector<16xi32>
          %select_n3A_276 = arith.select %eq3A_273, %broadcast_in_dim3A_275, %scan3A_242 : vector<16xi1>, vector<16xi32>
          %broadcast_in_dim3A_277 = vector.broadcast %reduce_min3A_271 : i32 to vector<16xi32>
          %select_n3A_278 = arith.select %eq3A_273, %broadcast_in_dim3A_277, %scan3A_243 : vector<16xi1>, vector<16xi32>
          scf.yield %select_n3A_276, %select_n3A_278 : vector<16xi32>, vector<16xi32>
        }
        %scan3A_232 = arith.constant 16 : i32
        %mul3A_233 = arith.constant 16 : i32
        %mul3A_234 = arith.muli %add3A_90, %mul3A_233 : i32
        %swap3A_235 = arith.index_cast %mul3A_234 : i32 to index
        %swap3A_236 = tpu.vector_load %arg7[%swap3A_235] {strides = array<i32>} : memref<512xi32, #tpu.memory_space<vmem>>, vector<16xi32>,
        tpu.vector_store %arg7[%swap3A_235], %scan3A_231#0 {strides = array<i32>} : memref<512xi32, #tpu.memory_space<vmem>>, vector<16xi32>,
        %mul3A_237 = arith.constant 16 : i32
        %mul3A_238 = arith.muli %add3A_90, %mul3A_237 : i32
        %swap3A_239 = arith.index_cast %mul3A_238 : i32 to index
        %swap3A_240 = tpu.vector_load %arg8[%swap3A_239] {strides = array<i32>} : memref<512xi32, #tpu.memory_space<vmem>>, vector<16xi32>,
        tpu.vector_store %arg8[%swap3A_239], %scan3A_231#1 {strides = array<i32>} : memref<512xi32, #tpu.memory_space<vmem>>, vector<16xi32>,
      } else {
      }
      %scan3A_223 = arith.constant 0 : i32
      scf.yield %scan3A_223 : i32
    }
    %scan3A_84 = arith.constant 8 : i32
    "tpu.region"() ({
      %run_scoped3A = tpu.sem_alloc : memref<!tpu.dma_semaphore, #tpu.memory_space<semaphore_mem>>
      %dma_start3A_87 = tpu.memref_slice %arg3[%mul3A_2] : memref<32768xi32, #tpu.memory_space<hbm>> -> memref<512xi32, #tpu.memory_space<hbm>>
      %dma_start3A_88 = tpu.memref_slice %arg3[%mul3A_2] : memref<32768xi32, #tpu.memory_space<hbm>> -> memref<512xi32, #tpu.memory_space<hbm>>
      tpu.enqueue_dma source(%arg7 : memref<512xi32, #tpu.memory_space<vmem>>) target(%dma_start3A_88 : memref<512xi32, #tpu.memory_space<hbm>>) target_semaphore(%run_scoped3A : memref<!tpu.dma_semaphore, #tpu.memory_space<semaphore_mem>>)
      %dma_wait3A_89 = tpu.memref_slice %arg3[%mul3A_2] : memref<32768xi32, #tpu.memory_space<hbm>> -> memref<512xi32, #tpu.memory_space<hbm>>
      %dma_wait3A_90 = tpu.memref_slice %arg3[%mul3A_2] : memref<32768xi32, #tpu.memory_space<hbm>> -> memref<512xi32, #tpu.memory_space<hbm>>
      tpu.wait_dma2 semaphore(%run_scoped3A : memref<!tpu.dma_semaphore, #tpu.memory_space<semaphore_mem>>) src(%arg7 : memref<512xi32, #tpu.memory_space<vmem>>) dst(%dma_wait3A_90 : memref<512xi32, #tpu.memory_space<hbm>>)
      tpu.yield
    }) : () -> ()
    %add3A_85 = arith.constant 16384 : i32
    %add3A_86 = arith.addi %add3A_85, %mul3A_2 : i32
    "tpu.region"() ({
      %run_scoped3A = tpu.sem_alloc : memref<!tpu.dma_semaphore, #tpu.memory_space<semaphore_mem>>
      %dma_start3A_87 = tpu.memref_slice %arg3[%add3A_86] : memref<32768xi32, #tpu.memory_space<hbm>> -> memref<512xi32, #tpu.memory_space<hbm>>
      %dma_start3A_88 = tpu.memref_slice %arg3[%add3A_86] : memref<32768xi32, #tpu.memory_space<hbm>> -> memref<512xi32, #tpu.memory_space<hbm>>
      tpu.enqueue_dma source(%arg8 : memref<512xi32, #tpu.memory_space<vmem>>) target(%dma_start3A_88 : memref<512xi32, #tpu.memory_space<hbm>>) target_semaphore(%run_scoped3A : memref<!tpu.dma_semaphore, #tpu.memory_space<semaphore_mem>>)
      %dma_wait3A_89 = tpu.memref_slice %arg3[%add3A_86] : memref<32768xi32, #tpu.memory_space<hbm>> -> memref<512xi32, #tpu.memory_space<hbm>>
      %dma_wait3A_90 = tpu.memref_slice %arg3[%add3A_86] : memref<32768xi32, #tpu.memory_space<hbm>> -> memref<512xi32, #tpu.memory_space<hbm>>
      tpu.wait_dma2 semaphore(%run_scoped3A : memref<!tpu.dma_semaphore, #tpu.memory_space<semaphore_mem>>) src(%arg8 : memref<512xi32, #tpu.memory_space<vmem>>) dst(%dma_wait3A_90 : memref<512xi32, #tpu.memory_space<hbm>>)
      tpu.yield
    }) : () -> ()
    return
  }
}

</mosaic_0001>

<sc_bundles>
// kernel: _run.3.cloned.1.call-start
scs
__scs_entry_jumppad:
0x0: {  	(pc) =	sbr.rel $0x88, $3  }
0x1: {  	(tag) =	ssettag $0x0;
	lr =	simm.s32 $0x1  }
0x2: {  	[smem:$0x3FA0] =	sst lr;
	_ =	strace $0xD0000000  }
0x3: {  	_ = 	snop  }
0x4: {  	_ = 	snop  }
0x5: {  	_ = 	snop  }
0x6: {  	_ = 	snop  }
0x7: {  	_ = 	snop  }
__scs_overlays_trampoline_lowered:
0x8: {  	[smem:$0x3FAF] =	sst s0  }
0x9: {  	[smem:$0x3FB0] =	sst s1  }
0xa: {  	[smem:$0x3FB1] =	sst s2  }
0xb: {  	[smem:$0x3FB2] =	sst s3  }
0xc: {  	[smem:$0x3FB3] =	sst s4  }
0xd: {  	[smem:$0x3FB4] =	sst s5  }
0xe: {  	[smem:$0x3FB5] =	sst s6  }
0xf: {  	[smem:$0x3FB6] =	sst s7  }
0x10: {  	[smem:$0x3FB7] =	sst s8  }
0x11: {  	[smem:$0x3FB8] =	sst s9;
	s0 =	simm.s32 @!p0 $0x0  }
0x12: {  	s1 =	sld [smem:$0x3F9E];
	s0 =	simm.s32 @p0 $0x1  }
0x13: {  	[smem:$0x3FB9] =	sst s0;
	s0 =	simm.s32 @!p1 $0x0  }
0x14: {  	s2 =	sld [smem:$0x3F9D];
	s0 =	simm.s32 @p1 $0x1  }
0x15: {  	[smem:$0x3FBA] =	sst s0;
	s0 =	simm.s32 @!p2 $0x0  }
0x16: {  	s3 =	sld [smem:$0x3FDB];
	s0 =	simm.s32 @p2 $0x1  }
0x17: {  	s4 =	simm.s32 $0x1BF5;
	[smem:$0x3FBC] =	sst s0  }
0x18: {  	s0 =	sld [smem:$0x3F9F];
	_ =	swait.ge [sflag:s4], $0x0  }
0x19: {  	s7 =	sld [smem:$0x3FA0]  }
0x1a: {  	s8 =	sadd.s32 $0xFFFFE003, lr  }
0x1b: {  	s9 =	sadd.s32 $0xFFFFFEF7, lr;
	s5 =	simm.s32 $0xFFFFFFFF;
	p2 =	slt.u32 s8, $0xFFFFF086  }
0x1c: {  	p1 =	slt.u32 s9, $0xF7A;
	s5 =	simm.s32 @!p2 $0x0  }
0x1d: {  	s5 =	simm.s32 @p1 $0x1;
	p0 =	seq.s32 s7, s2  }
0x1e: {  	s7 =	smul.u32 @!p0 $0xF7A, s2;
	p2 =	seq.s32 @!p0 s5, $0x0  }
0x1f: {  	s9 =	smul.u32 $0xF7A, s1;
	s8 =	simm.s32 @!p0 $0x1BF5;
	p2 =	por !p2, p0  }
0x20: {  	[sflag:s8] =	ssyncset.s32 @!p0 $0xFFFFF086;
	s6 =	sadd.s32 @!p0 s3, s7;
	s7 =	simm.s32 @!p0 $0x108  }
0x21: {  	s3 =	sadd.s32 s3, s9;
	s6 =	sadd.s32 @!p0 $0x88, s6;
	s7 =	simm.s32 @p2 $0x1082  }
0x22: {  	[simem:s7], [sflag:s8] =	dma.local @!p0 [hbm:s6], $0xF7A  }
0x23: {  	s9 =	sor.u32 $0xD0000000, s2;
	s6 =	simm.s32 $0x108;
	_ =	swait.ge @!p0 [sflag:s8], $0x0  }
0x24: {  	s3 =	sadd.s32 $0x88, s3;
	s6 =	simm.s32 @!p1 $0x1082;
	[sflag:s4] =	ssyncset.s32 $0xFFFFF086  }
0x25: {  	[simem:s6], [sflag:s4] =	dma.local [hbm:s3], $0xF7A  }
0x26: {  	[smem:$0x3FA0] =	sst s1;
	(tag) =	ssettag s2;
	_ =	strace s9  }
0x27: {  	s1 =	sld [smem:$0x3FB0]  }
0x28: {  	s2 =	sld [smem:$0x3FB1]  }
0x29: {  	s4 =	sld [smem:$0x3FB3]  }
0x2a: {  	p0 =	seq.s32 s5, $0x0;
	s5 =	sld [smem:$0x3FB4]  }
0x2b: {  	s6 =	sld [smem:$0x3FB5]  }
0x2c: {  	s7 =	sld [smem:$0x3FB6]  }
0x2d: {  	s3 =	simm.s32 $0x108;
	s8 =	sld [smem:$0x3FB7]  }
0x2e: {  	s3 =	simm.s32 @!p0 $0x1082;
	s9 =	sld [smem:$0x3FB8]  }
0x2f: {  	lr =	sadd.s32 s0, s3;
	s0 =	sld [smem:$0x3FAF]  }
0x30: {  	s3 =	sld [smem:$0x3FB2]  }
0x31: {  	[smem:$0x3FBB] =	sst s10  }
0x32: {  	s10 =	sld [smem:$0x3FB9];
	_ =	sdelay $0x3  }
0x33: {  	p0 =	seq.s32 s10, $0x1;
	s10 =	sld [smem:$0x3FBB];
	_ =	sdelay $0x3  }
0x34: {  	[smem:$0x3FBB] =	sst s10  }
0x35: {  	s10 =	sld [smem:$0x3FBA];
	_ =	sdelay $0x3  }
0x36: {  	p1 =	seq.s32 s10, $0x1;
	s10 =	sld [smem:$0x3FBB];
	_ =	sdelay $0x3  }
0x37: {  	[smem:$0x3FBB] =	sst s10  }
0x38: {  	s10 =	sld [smem:$0x3FBC]  }
0x39: {  	_ = 	snop;
	(pc) =	sbr.ind lr, $3  }
0x3a: {  	_ = 	snop  }
0x3b: {  	_ = 	snop  }
0x3c: {  	p2 =	seq.s32 s10, $0x1;
	s10 =	sld [smem:$0x3FBB]  }
0x3d: {  	_ =	shalt  }
0x3e: {  	_ =	shalt  }
0x3f: {  	_ =	shalt  }
0x40: {  	_ =	shalt  }
0x41: {  	_ =	shalt  }
0x42: {  	_ =	shalt  }
0x43: {  	_ =	shalt  }
0x44: {  	_ =	shalt  }
0x45: {  	_ =	shalt  }
0x46: {  	_ =	shalt  }
0x47: {  	_ =	shalt  }
0x48: {  	_ =	shalt  }
0x49: {  	_ =	shalt  }
0x4a: {  	_ =	shalt  }
0x4b: {  	_ =	shalt  }
0x4c: {  	_ =	shalt  }
0x4d: {  	_ =	shalt  }
0x4e: {  	_ =	shalt  }
0x4f: {  	_ =	shalt  }
0x50: {  	_ =	shalt  }
0x51: {  	_ =	shalt  }
0x52: {  	_ =	shalt  }
0x53: {  	_ =	shalt  }
0x54: {  	_ =	shalt  }
0x55: {  	_ =	shalt  }
0x56: {  	_ =	shalt  }
0x57: {  	_ =	shalt  }
0x58: {  	_ =	shalt  }
0x59: {  	_ =	shalt  }
0x5a: {  	_ =	shalt  }
0x5b: {  	_ =	shalt  }
0x5c: {  	_ =	shalt  }
0x5d: {  	_ =	shalt  }
0x5e: {  	_ =	shalt  }
0x5f: {  	_ =	shalt  }
0x60: {  	_ =	shalt  }
0x61: {  	_ =	shalt  }
0x62: {  	_ =	shalt  }
0x63: {  	_ =	shalt  }
0x64: {  	_ =	shalt  }
0x65: {  	_ =	shalt  }
0x66: {  	_ =	shalt  }
0x67: {  	_ =	shalt  }
0x68: {  	_ =	shalt  }
0x69: {  	_ =	shalt  }
0x6a: {  	_ =	shalt  }
0x6b: {  	_ =	shalt  }
0x6c: {  	_ =	shalt  }
0x6d: {  	_ =	shalt  }
0x6e: {  	_ =	shalt  }
0x6f: {  	_ =	shalt  }
0x70: {  	_ =	shalt  }
0x71: {  	_ =	shalt  }
0x72: {  	_ =	shalt  }
0x73: {  	_ =	shalt  }
0x74: {  	_ =	shalt  }
0x75: {  	_ =	shalt  }
0x76: {  	_ =	shalt  }
0x77: {  	_ =	shalt  }
0x78: {  	_ =	shalt  }
0x79: {  	_ =	shalt  }
0x7a: {  	_ =	shalt  }
0x7b: {  	_ =	shalt  }
0x7c: {  	_ =	shalt  }
0x7d: {  	_ =	shalt  }
0x7e: {  	_ =	shalt  }
0x7f: {  	_ =	shalt  }
0x80: {  	_ =	shalt  }
0x81: {  	_ =	shalt  }
0x82: {  	_ =	shalt  }
0x83: {  	_ =	shalt  }
0x84: {  	_ =	shalt  }
0x85: {  	_ =	shalt  }
0x86: {  	_ =	shalt  }
0x87: {  	_ =	shalt  }
.Lfunc_end0:
.L_simem_size_0:
called_computation_lowered:
.L_overlay_start_0:
0x88: {  	s2 =	sld [smem:$0x3FD9]  }
0x89: {  	s3 =	sld [smem:$0x3FFE];
	_ =	sdelay $0x1  }
0x8a: {  	s1 =	srdreg.scid  }
0x8b: {  	s0 =	sand.u32 $0x1, s1  }
0x8c: {  	s18 =	sshll.u32 s0, $0xA;
	s2 =	sadd.s32 s3, s2  }
0x8d: {  	s2 =	sadd.s32 s2, s18  }
0x8e: {  	[smem:$0x3FC7] =	sst s2  }
0x8f: {  	_ = 	snop  }
0x90: {  	s2 =	sld [smem:$0x3FC9]  }
0x91: {  	s19 =	sld [smem:$0x3FD0];
	(tm) =	ssettm $0x1  }
0x92: {  	s4 =	sld [smem:$0x3FFB];
	_ =	sdelay $0x3  }
0x93: {  	_ =	strace s4  }
0x94: {  	s4 =	sld [smem:$0x3FFC];
	_ =	sdelay $0x3  }
0x95: {  	_ =	strace s4  }
0x96: {  	s4 =	sld [smem:$0x3FFD];
	_ =	sdelay $0x3  }
0x97: {  	_ =	strace s4  }
0x98: {  	_ =	strace $0x8FFFFFFF  }
0x99: {  	s20 =	sld [smem:$0x3FDB];
	_ =	sdelay $0x1  }
0x9a: {  	s5 =	simm.s32 $_scs_section_size  }
0x9b: {  	s6 =	simm.s32 $_size__tile_overlayer_lowered;
	s7 =	simm.s32 $_tile_overlayer_lowered  }
0x9c: {  	s23 =	simm.s32 $0x1BFF;
	s22 =	sshll.u32 s7, $0x1;
	s4 =	sadd.s32 s5, s20  }
0x9d: {  	s8 =	simm.s32 $0x0;
	s21 =	sshll.u32 s6, $0x1;
	s6 =	sadd.s32 s22, s4  }
0x9e: {  	[timem:s8], [sflag:s23] =	dma.local [hbm:s6], s21  }
0x9f: {  	_ =	swait.ge [sflag:s23], s21  }
0xa0: {  	s5 =	ssub.s32 $0x0, s21;
	[sflag:s23] =	ssyncset.done $0x0  }
0xa1: {  	[sflag:s23] =	ssyncadd.s32 s5;
	_ =	sdelay $0x1  }
0xa2: {  	s24 =	simm.s32 $0x1B8B  }
0xa3: {  	_ =	swait.ge [sflag:s24], $0x1  }
0xa4: {  	[sflag:s24] =	ssyncset.done $0x0  }
0xa5: {  	s25 =	simm.s32 $0x1B8E;
	[sflag:s24] =	ssyncadd.s32 $0xFFFFFFFF  }
0xa6: {  	s26 =	simm.s32 $execute0_lowered;
	[smem:$0x3FD2] =	sst s25  }
0xa7: {  	s5 =	sshll.u32 s26, $0x1;
	_ =	strace $0x80000046;
	[dreg:$0x1] =	wrdreg $0xFFFFFFFF  }
0xa8: {  	s28 =	simm.s32 $_size_execute0_lowered;
	s4 =	sadd.s32 s4, s5;
	[dreg:$0x0] =	wrdreg $0x0  }
0xa9: {  	s5 =	sshll.u32 s28, $0x1;
	[dreg:$0x2] =	wrdreg s4  }
0xaa: {  	[dreg:$0x3] =	wrdreg s5  }
0xab: {  	[dreg:$0x4] =	wrdreg $0xC0  }
0xac: {  	_ =	task [dreg:s8], $0x5FFFF  }
0xad: {  	[dreg:$0x1] =	wrdreg $0xFFFFFFFF  }
0xae: {  	[dreg:$0x0] =	wrdreg $0x60  }
0xaf: {  	[dreg:$0x2] =	wrdreg s2  }
0xb0: {  	[dreg:$0x3] =	wrdreg s19  }
0xb1: {  	[dreg:$0x4] =	wrdreg $0x9  }
0xb2: {  	_ =	task.clear_ibuf [dreg:s8], $0x5FFFF;
	_ =	strace $0x90000046  }
0xb3: {  	s29 =	simm.s32 $0x9;
	_ =	strace $0x80000048  }
0xb4: {  	_ =	swait.ge [sflag:s29], $0x1  }
0xb5: {  	[sflag:s29] =	ssyncadd.s32 $0xFFFFFFFF  }
0xb6: {  	_ =	strace $0x90000048  }
0xb7: {  	_ =	sfence  }
0xb8: {  	s30 =	sld [smem:$0x0];
	_ =	sdelay $0x2  }
0xb9: {  	s31 =	sshll.u32 s1, $0xD;
	s1 =	sshrl.u32 s1, $0x2  }
0xba: {  	s3 =	sand.u32 $0x4000, s31;
	s1 =	sadd.s32 s1, s30  }
0xbb: {  	s0 =	sor.u32 s3, s0;
	s1 =	sshll.u32 s1, $0x11  }
0xbc: {  	s0 =	sor.u32 s1, s0  }
0xbd: {  	s0 =	sadd.s32 $0x8F2B, s0  }
0xbe: {  	[sflag:s0] =	ssyncadd.remote.s32 $0x1  }
0xbf: {  	_ =	sfence.sel $0xFFFF  }
0xc0: {  	[dreg:$0x0] =	wrdreg $0xFFFFFFFF;
	(pc) =	sbr.abs _section_cstart, $3  }
0xc1: {  	[dreg:$0x1] =	wrdreg $0xFFFFFFFF  }
0xc2: {  	_ =	task.clear_ibuf [dreg:s8], $0x2FFFF;
	_ =	strace $0x9FFFFFFF  }
0xc3: {  	(tm) =	ssettm $0x7FFFFFFF  }
tec
execute0_lowered:
.L_overlay_start_1:
0x0: {  	(tag) =	ssettag $0x1  }
0x1: {  	s1 =	srdreg.scid;
	s2 =	rddreg [dreg:$0x0]  }
0x2: {  	s0 =	stileid.u32;
	s9 =	rddreg [dreg:$0x1]  }
0x3: {  	s3 =	simm.s32 $0x0;
	s12 =	simm.s32 $0x10;
	s13 =	simm.s32 $0x80  }
0x4: {  	s14 =	simm.s32 $0x8000;
	s15 =	simm.s32 $0x1;
	s16 =	simm.s32 $0x10000  }
0x5: {  	s17 =	simm.s32 $0x3;
	s18 =	simm.s32 $0x2;
	s19 =	simm.s32 $0x18000  }
0x6: {  	s20 =	simm.s32 $0x18200;
	s21 =	simm.s32 $0x0;
	s1 =	sand.u32 $0x1, s1  }
0x7: {  	s4 =	sshll.u32 s0, $0xA;
	[smem:$0x7FF] =	sst s3;
	s5 =	sshll.u32 s1, $0x9  }
.Ltmp0:
0x8: {  	s1 =	ssub.s32 $0x2, s1;
	s4 =	sor.u32 s5, s4;
	(pc) =	sbr.rel .LBB2_1-.Ltmp0, $4  }
0x9: {  	_ =	strace $0x80000047;
	s6 =	sshrl.u32 s1, $0x1;
	s5 =	sshll.u32 s4, $0x8  }
0xa: {  	s1 =	ssub.s32 s1, s6;
	s10 =	sshrl.u32 s4, $0x3;
	s5 =	sadd.s32 s2, s5  }
0xb: {  	v0 =	vlaneseq.u32;
	v2 =	vimm.s32 $0x0;
	s9 =	sadd.s32 s9, s10;
	s11 =	smax.u32 s1, $0x1;
	s6 =	sadd.s32 $0x8000, s5  }
0xc: {  	v1 =	vmul.u32 $0x100, v0;
	v3 =	vor.u32 $0x80000000, v0;
	v4 =	vmul.u32 $0x80, v0;
	s7 =	sadd.s32 $0x10000, s5;
	s8 =	sadd.s32 $0x18000, s5;
	s10 =	sadd.s32 $0x800, s9  }
.LBB2_33:
0xd: {  	[hbm4b:s9+s3] =	stream.linear.scatter [tilespmem:s19], [sflag:$0x3], $0x200, $0x38;
	[tilespmem:$0x18400] =	vst v63  }
0xe: {  	s21 =	sadd.s32 $0x1, s21;
	_ =	swait.ge [sflag:s17], $0x200  }
0xf: {  	p0 =	sne.s32 s21, s11;
	[sflag:s17] =	ssyncset.done $0x0  }
.Ltmp1:
0x10: {  	[sflag:s17] =	ssyncadd.s32 $0xFFFFFE00;
	(pc) =	sbr.rel @!p0 .LBB2_34-.Ltmp1, $4  }
0x11: {  	[hbm4b:s10+s3] =	stream.linear.scatter [tilespmem:s20], [sflag:$0x3], $0x200, $0x38;
	[tilespmem:$0x18400] =	vst v63  }
0x12: {  	_ =	swait.ge [sflag:s17], $0x200  }
0x13: {  	[sflag:s17] =	ssyncset.done $0x0  }
0x14: {  	[sflag:s17] =	ssyncadd.s32 $0xFFFFFE00  }
.LBB2_1:
0x15: {  	[tilespmem:s3], [sflag:$0x1] =	stream.strided.gather [hbm4b:s5+s12], $0x8000, s13, s12, $0x38;
	[tilespmem:$0x18400] =	vst v63  }
.Ltmp2:
0x16: {  	_ = 	snop;
	(pc) =	sbr.rel .LBB2_2-.Ltmp2, $4  }
0x17: {  	[tilespmem:s14], [sflag:$0x2] =	stream.strided.gather [hbm4b:s6+s12], $0x8000, s13, s12, $0x38;
	[tilespmem:$0x18400] =	vst v63  }
0x18: {  	_ =	swait.ge [sflag:s15], $0x8000  }
0x19: {  	[sflag:s15] =	ssyncset.done $0x0  }
0x1a: {  	s22 =	simm.s32 $0x0;
	[sflag:s15] =	ssyncadd.s32 $0xFFFF8000  }
.LBB2_8:
0x1b: {  	s22 =	sadd.s32 $0x1, s22  }
0x1c: {  	p0 =	sne.s32 s22, $0x8  }
.Ltmp3:
0x1d: {  	_ = 	snop;
	(pc) =	sbr.rel @!p0 .LBB2_9-.Ltmp3, $1  }
0x1e: {  	_ =	sdelay $0x3  }
.LBB2_2:
0x1f: {  	s23 =	sshll.u32 s22, $0x4  }
0x20: {  	v5 =	vmov s23  }
0x21: {  	v5 =	vshll.u32 v5, $0x8  }
0x22: {  	v5 =	vor.u32 v1, v5  }
0x23: {  	v6 =	vor.u32 $0x10, v5  }
0x24: {  	v7 =	vor.u32 $0x20, v5  }
0x25: {  	v8 =	vor.u32 $0x30, v5  }
0x26: {  	v9 =	vor.u32 $0x40, v5  }
0x27: {  	v11 =	vor.u32 $0x50, v5;
	v10 =	vld.idx.msk [tilespmem:v5+s3+$0x0], $0xffff  }
0x28: {  	v12 =	vor.u32 $0x60, v5;
	v6 =	vld.idx.msk [tilespmem:v6+s3+$0x0], $0xffff  }
0x29: {  	v13 =	vor.u32 $0x70, v5;
	v7 =	vld.idx.msk [tilespmem:v7+s3+$0x0], $0xffff  }
0x2a: {  	v14 =	vor.u32 $0x80, v5;
	v8 =	vld.idx.msk [tilespmem:v8+s3+$0x0], $0xffff  }
0x2b: {  	v15 =	vor.u32 $0x90, v5;
	v9 =	vld.idx.msk [tilespmem:v9+s3+$0x0], $0xffff  }
0x2c: {  	v16 =	vor.u32 $0xA0, v5;
	v11 =	vld.idx.msk [tilespmem:v11+s3+$0x0], $0xffff  }
0x2d: {  	v18 =	vor.u32 $0xB0, v5;
	v12 =	vld.idx.msk [tilespmem:v12+s3+$0x0], $0xffff;
	v17 =	vmax.f32 v6, v10  }
0x2e: {  	v20 =	vor.u32 $0xC0, v5;
	v13 =	vld.idx.msk [tilespmem:v13+s3+$0x0], $0xffff;
	v19 =	vmax.f32 v7, v17  }
0x2f: {  	v22 =	vor.u32 $0xD0, v5;
	v14 =	vld.idx.msk [tilespmem:v14+s3+$0x0], $0xffff;
	v21 =	vmax.f32 v8, v19  }
0x30: {  	v24 =	vor.u32 $0xE0, v5;
	v15 =	vld.idx.msk [tilespmem:v15+s3+$0x0], $0xffff;
	v23 =	vmax.f32 v9, v21  }
0x31: {  	v5 =	vor.u32 $0xF0, v5;
	v16 =	vld.idx.msk [tilespmem:v16+s3+$0x0], $0xffff;
	v25 =	vmax.f32 v11, v23  }
0x32: {  	v18 =	vld.idx.msk [tilespmem:v18+s3+$0x0], $0xffff;
	v26 =	vmax.f32 v12, v25  }
0x33: {  	v20 =	vld.idx.msk [tilespmem:v20+s3+$0x0], $0xffff;
	v27 =	vmax.f32 v13, v26  }
0x34: {  	v22 =	vld.idx.msk [tilespmem:v22+s3+$0x0], $0xffff;
	v28 =	vmax.f32 v14, v27  }
0x35: {  	v24 =	vld.idx.msk [tilespmem:v24+s3+$0x0], $0xffff;
	v29 =	vmax.f32 v15, v28  }
0x36: {  	v5 =	vld.idx.msk [tilespmem:v5+s3+$0x0], $0xffff;
	v30 =	vmax.f32 v16, v29  }
0x37: {  	v31 =	vmax.f32 v18, v30  }
0x38: {  	v32 =	vmax.f32 v20, v31  }
0x39: {  	v33 =	vmax.f32 v22, v32  }
0x3a: {  	v34 =	vmax.f32 v24, v33  }
0x3b: {  	v35 =	vmax.f32 v5, v34  }
0x3c: {  	vm0 =	vge.f32 v35, $5.000000000e-01  }
0x3d: {  	v35 =	vmpcnt.ones.xlane vm0;
	_ =	sdelay $0x1  }
0x3e: {  	(v2sf) =	vpush v35, $0xF;
	_ =	sdelay $0x3  }
0x3f: {  	vm1 =	vgt.f32 v6, v10  }
0x40: {  	v6 =	vsel vm1, $0x1, v2;
	vm14 =	vgt.f32 v7, v17  }
0x41: {  	v6 =	vsel vm14, $0x2, v6;
	vm15 =	vgt.f32 v8, v19  }
0x42: {  	v6 =	vsel vm15, $0x3, v6;
	vm4 =	vgt.f32 v9, v21  }
0x43: {  	v6 =	vsel vm4, $0x4, v6;
	vm5 =	vgt.f32 v11, v23  }
0x44: {  	v6 =	vsel vm5, $0x5, v6;
	vm6 =	vgt.f32 v12, v25  }
0x45: {  	v6 =	vsel vm6, $0x6, v6;
	vm7 =	vgt.f32 v13, v26  }
0x46: {  	v6 =	vsel vm7, $0x7, v6;
	vm8 =	vgt.f32 v14, v27  }
0x47: {  	v6 =	vsel vm8, $0x8, v6;
	vm9 =	vgt.f32 v15, v28  }
0x48: {  	v6 =	vsel vm9, $0x9, v6;
	vm10 =	vgt.f32 v16, v29  }
0x49: {  	v6 =	vsel vm10, $0xA, v6;
	vm11 =	vgt.f32 v18, v30  }
0x4a: {  	v6 =	vsel vm11, $0xB, v6;
	vm12 =	vgt.f32 v20, v31;
	s1 =	spop (v2sf)  }
0x4b: {  	v6 =	vsel vm12, $0xC, v6;
	vm13 =	vgt.f32 v22, v32;
	p0 =	sgt.s32 s1, $0xF  }
.Ltmp4:
0x4c: {  	v6 =	vsel vm13, $0xD, v6;
	vm14 =	vgt.f32 v24, v33;
	(pc) =	sbr.rel @p0 .LBB2_8-.Ltmp4, $4  }
0x4d: {  	v6 =	vsel vm14, $0xE, v6;
	vm15 =	vgt.f32 v5, v34  }
0x4e: {  	v5 =	vsel vm15, $0xF, v6  }
0x4f: {  	v7 =	vsel vm0, $0x1, v2;
	[tilespmem:s23+$0x18200] =	vst v5  }
0x50: {  	[tilespmem:s23+$0x18000] =	vst v7  }
0x51: {  	s1 =	sadd.s32 s4, s23  }
0x52: {  	s1 =	sshll.u32 s1, $0x8  }
0x53: {  	s24 =	simm.s32 $0x0;
	s1 =	sadd.s32 s2, s1  }
0x54: {  	[tilespmem:s16], [sflag:$0x3] =	stream.linear.gather [hbm4b:s1+s24], $0x8000, $0x38;
	[tilespmem:$0x18400] =	vst v63  }
0x55: {  	_ =	swait.ge [sflag:s17], $0x8000  }
0x56: {  	[sflag:s17] =	ssyncset.done $0x0  }
0x57: {  	v5 =	vimm.s32 $0x0;
	s25 =	simm.s32 $0x10400;
	v6 =	vimm.s32 $0x0;
	s26 =	simm.s32 $0x0;
	[sflag:s17] =	ssyncadd.s32 $0xFFFF8000  }
.LBB2_4:
0x58: {  	v7 =	vld [tilespmem:s25+$0xFFFFFC00]  }
0x59: {  	v8 =	vld [tilespmem:s25+$0xFFFFFC80]  }
0x5a: {  	v9 =	vld [tilespmem:s25+$0xFFFFFD00]  }
0x5b: {  	v10 =	vld [tilespmem:s25+$0xFFFFFD80]  }
0x5c: {  	v11 =	vld [tilespmem:s25+$0xFFFFFE00]  }
0x5d: {  	v12 =	vld [tilespmem:s25+$0xFFFFFE80]  }
0x5e: {  	v13 =	vld [tilespmem:s25+$0xFFFFFF00]  }
0x5f: {  	v14 =	vld [tilespmem:s25+$0xFFFFFF80];
	v7 =	vmax.f32 v7, v8  }
0x60: {  	v15 =	vld [tilespmem:s25+$0x0];
	v7 =	vmax.f32 v7, v9  }
0x61: {  	v8 =	vld [tilespmem:s25+$0x80];
	v7 =	vmax.f32 v7, v10  }
0x62: {  	v9 =	vld [tilespmem:s25+$0x100];
	v7 =	vmax.f32 v7, v11  }
0x63: {  	v10 =	vld [tilespmem:s25+$0x180];
	v7 =	vmax.f32 v7, v12  }
0x64: {  	v11 =	vld [tilespmem:s25+$0x200];
	v7 =	vmax.f32 v7, v13  }
0x65: {  	v12 =	vld [tilespmem:s25+$0x280];
	v7 =	vmax.f32 v7, v14  }
0x66: {  	v13 =	vld [tilespmem:s25+$0x300];
	v7 =	vmax.f32 v7, v15  }
0x67: {  	s1 =	sadd.s32 $0x10, s25;
	v14 =	vld [tilespmem:s25+$0x380];
	v7 =	vmax.f32 v7, v8  }
0x68: {  	v15 =	vld [tilespmem:s1+$0xFFFFFC00];
	v7 =	vmax.f32 v7, v9  }
0x69: {  	v8 =	vld [tilespmem:s1+$0xFFFFFC80];
	v7 =	vmax.f32 v7, v10  }
0x6a: {  	v9 =	vld [tilespmem:s1+$0xFFFFFD00];
	v7 =	vmax.f32 v7, v11  }
0x6b: {  	v10 =	vld [tilespmem:s1+$0xFFFFFD80];
	v7 =	vmax.f32 v7, v12  }
0x6c: {  	v11 =	vld [tilespmem:s1+$0xFFFFFE00];
	v7 =	vmax.f32 v7, v13  }
0x6d: {  	v12 =	vld [tilespmem:s1+$0xFFFFFE80];
	v7 =	vmax.f32 v7, v14  }
0x6e: {  	v8 =	vmax.f32 v15, v8;
	v13 =	vld [tilespmem:s1+$0xFFFFFF00];
	vm0 =	vge.f32 v7, $5.000000000e-01;
	v7 =	vor.u32 s24, v3  }
0x6f: {  	v8 =	vmax.f32 v8, v9;
	v9 =	vld [tilespmem:s1+$0xFFFFFF80];
	v7 =	vnsel vm0, $0x80000080, v7  }
0x70: {  	v8 =	vmax.f32 v8, v10;
	v10 =	vld [tilespmem:s1+$0x0];
	(xrf0) =	vmin.scan.msk.u32 $0xffff, v7  }
0x71: {  	v8 =	vmax.f32 v8, v11;
	v11 =	vld [tilespmem:s1+$0x80]  }
0x72: {  	v7 =	vmax.f32 v8, v12;
	v12 =	vld [tilespmem:s1+$0x100]  }
0x73: {  	v7 =	vmax.f32 v7, v13;
	v13 =	vld [tilespmem:s1+$0x180]  }
0x74: {  	v14 =	vld [tilespmem:s1+$0x200];
	v7 =	vmax.f32 v7, v9  }
0x75: {  	v8 =	vmax.f32 v7, v10;
	v7 =	vld [tilespmem:s1+$0x280]  }
0x76: {  	v9 =	vmax.f32 v8, v11;
	v8 =	vld [tilespmem:s1+$0x300];
	v11, _, _ =	vpop (xrf0)  }
0x77: {  	s30 =	sadd.s32 $0x10, s1;
	v10 =	vmax.f32 v9, v12;
	v9 =	vld [tilespmem:s1+$0x380];
	(v2sf) =	vpush v11, $0xF  }
0x78: {  	s31 =	simm.s32 $0x80;
	v12 =	vld [tilespmem:s30+$0xFFFFFC80];
	v13 =	vmax.f32 v10, v13  }
0x79: {  	s29 =	simm.s32 $0x10;
	s28 =	simm.s32 $0x20;
	s1 =	simm.s32 $0x30;
	v10 =	vld [tilespmem:s30+$0xFFFFFC00];
	v11 =	vmax.f32 v13, v14  }
.LBB2_5:
0x7a: {  	s0 =	smov.u32 s31  }
0x7b: {  	p0 =	sne.s32 s1, $0x70;
	v7 =	vmax.f32 v11, v7;
	v13 =	vld [tilespmem:s30+$0xFFFFFD00]  }
0x7c: {  	v7 =	vmax.f32 v7, v8;
	v11 =	vld [tilespmem:s30+$0xFFFFFD80]  }
0x7d: {  	v7 =	vmax.f32 v7, v9;
	v8 =	vld [tilespmem:s30+$0xFFFFFE00]  }
0x7e: {  	vm0 =	vge.f32 v7, $5.000000000e-01;
	v7 =	vor.u32 s29, v3;
	s29 =	smov.u32 s28;
	s28 =	smov.u32 s1;
	v9 =	vld [tilespmem:s30+$0xFFFFFE80]  }
0x7f: {  	v10 =	vmax.f32 v10, v12;
	v7 =	vnsel vm0, $0x80000080, v7;
	v12 =	vld [tilespmem:s30+$0xFFFFFF00]  }
0x80: {  	v10 =	vmax.f32 v10, v13;
	v13 =	vld [tilespmem:s30+$0xFFFFFF80];
	(xrf0) =	vmin.scan.msk.u32 $0xffff, v7  }
0x81: {  	v7 =	vmax.f32 v10, v11;
	v10 =	vld [tilespmem:s30+$0x0]  }
0x82: {  	v7 =	vmax.f32 v7, v8;
	v8 =	vld [tilespmem:s30+$0x80]  }
0x83: {  	v7 =	vmax.f32 v7, v9;
	v9 =	vld [tilespmem:s30+$0x100]  }
0x84: {  	v7 =	vmax.f32 v7, v12;
	v11 =	vld [tilespmem:s30+$0x180]  }
0x85: {  	v7 =	vmax.f32 v7, v13;
	v13 =	vld [tilespmem:s30+$0x200]  }
.Ltmp5:
0x86: {  	v10 =	vmax.f32 v7, v10;
	v7 =	vld [tilespmem:s30+$0x280];
	v12, _, _ =	vpop (xrf0);
	s31 =	spop (v2sf);
	(pc) =	sbr.rel @p0 .LBB2_5-.Ltmp5, $4  }
0x87: {  	v10 =	vmax.f32 v10, v8;
	v8 =	vld [tilespmem:s30+$0x300];
	(v2sf) =	vpush v12, $0xF;
	s31 =	sxor.u32 $0x80000000, s31  }
0x88: {  	v12 =	vmax.f32 v10, v9;
	v9 =	vld [tilespmem:s30+$0x380];
	s30 =	sadd.s32 $0x10, s30;
	p1 =	slt.s32 s0, s31  }
0x89: {  	v10 =	vld [tilespmem:s30+$0xFFFFFC00];
	v11 =	vmax.f32 v12, v11;
	s31 =	smov.u32 @p1 s0  }
0x8a: {  	s1 =	sadd.s32 $0x10, s1;
	v12 =	vld [tilespmem:s30+$0xFFFFFC80];
	v11 =	vmax.f32 v11, v13  }
0x8b: {  	v13 =	vld [tilespmem:s30+$0xFFFFFD00]  }
0x8c: {  	v14 =	vld [tilespmem:s30+$0xFFFFFD80]  }
0x8d: {  	v15 =	vld [tilespmem:s30+$0xFFFFFE00]  }
0x8e: {  	v16 =	vld [tilespmem:s30+$0xFFFFFE80]  }
0x8f: {  	v51 =	vld [tilespmem:s30+$0xFFFFFF00];
	v10 =	vmax.f32 v10, v12  }
0x90: {  	v52 =	vld [tilespmem:s30+$0xFFFFFF80];
	v10 =	vmax.f32 v10, v13  }
0x91: {  	v53 =	vld [tilespmem:s30+$0x0];
	v10 =	vmax.f32 v10, v14  }
0x92: {  	v54 =	vld [tilespmem:s30+$0x80];
	v10 =	vmax.f32 v10, v15  }
0x93: {  	v55 =	vld [tilespmem:s30+$0x100];
	v10 =	vmax.f32 v10, v16  }
0x94: {  	v56 =	vld [tilespmem:s30+$0x180];
	v10 =	vmax.f32 v10, v51  }
0x95: {  	v57 =	vld [tilespmem:s30+$0x200];
	v10 =	vmax.f32 v10, v52  }
0x96: {  	v58 =	vld [tilespmem:s30+$0x280];
	v10 =	vmax.f32 v10, v53  }
0x97: {  	v59 =	vld [tilespmem:s30+$0x300];
	v10 =	vmax.f32 v10, v54  }
0x98: {  	v60 =	vld [tilespmem:s30+$0x380];
	v10 =	vmax.f32 v10, v55  }
0x99: {  	v7 =	vmax.f32 v11, v7;
	v10 =	vmax.f32 v10, v56  }
0x9a: {  	v7 =	vmax.f32 v7, v8;
	v8 =	vmax.f32 v10, v57  }
0x9b: {  	v7 =	vmax.f32 v7, v9;
	v8 =	vmax.f32 v8, v58  }
0x9c: {  	vm0 =	vge.f32 v7, $5.000000000e-01;
	v7 =	vor.u32 s29, v3;
	v8 =	vmax.f32 v8, v59  }
0x9d: {  	v7 =	vnsel vm0, $0x80000080, v7;
	v8 =	vmax.f32 v8, v60  }
0x9e: {  	(xrf0) =	vmin.scan.msk.u32 $0xffff, v7;
	v7 =	vor.u32 s28, v3;
	vm13 =	vge.f32 v8, $5.000000000e-01  }
0x9f: {  	v7 =	vnsel vm13, $0x80000080, v7  }
0xa0: {  	(xrf0) =	vmin.scan.msk.u32 $0xffff, v7;
	_ =	sdelay $0x3  }
0xa1: {  	v7, _, _ =	vpop (xrf0)  }
0xa2: {  	(v2sf) =	vpush v7, $0xF  }
0xa3: {  	v7, _, _ =	vpop (xrf0)  }
0xa4: {  	(v2sf) =	vpush v7, $0xF;
	_ =	sdelay $0xa  }
0xa5: {  	s0 =	spop (v2sf)  }
0xa6: {  	s0 =	sxor.u32 $0x80000000, s0  }
0xa7: {  	p0 =	slt.s32 s31, s0;
	s1 =	spop (v2sf)  }
0xa8: {  	s0 =	smov.u32 @p0 s31;
	s1 =	sxor.u32 $0x80000000, s1  }
0xa9: {  	p0 =	slt.s32 s0, s1;
	s30 =	spop (v2sf)  }
0xaa: {  	s1 =	smov.u32 @p0 s0;
	s0 =	sxor.u32 $0x80000000, s30  }
0xab: {  	p0 =	slt.s32 s1, s0  }
0xac: {  	s0 =	smov.u32 @p0 s1  }
0xad: {  	p0 =	slt.s32 s0, $0x80  }
0xae: {  	s0 =	simm.s32 @!p0 $0x0  }
0xaf: {  	v7 =	vmov s26;
	v8 =	vmov s0  }
0xb0: {  	v62 =	vshll.u32 v7, $0xB;
	v61 =	vand.u32 $0xFFFFFFF8, v8  }
0xb1: {  	v8 =	vand.u32 $0x7, v8;
	v9 =	vadd.s32 v62, v61  }
0xb2: {  	v8 =	vor.u32 v8, v9  }
0xb3: {  	v8 =	vadd.s32 v4, v8;
	_ =	sdelay $0x4  }
0xb4: {  	v8 =	vld.idx.msk [tilespmem:v8+s16+$0x0], $0xffff;
	_ =	sdelay $0x4  }
0xb5: {  	(xrf0) =	vmax.scan.msk.f32 $0xffff, v8;
	_ =	sdelay $0x5  }
0xb6: {  	v63, _, _ =	vpop (xrf0)  }
0xb7: {  	v9 =	vbroadcast v63, $0xF;
	_ =	sdelay $0x1  }
0xb8: {  	vm14 =	veq.f32 v8, v9  }
0xb9: {  	v8 =	vnsel vm14, $0x80000010, v3  }
0xba: {  	(xrf0) =	vmin.scan.msk.u32 $0xffff, v8;
	_ =	sdelay $0x5  }
0xbb: {  	v8, _, _ =	vpop (xrf0)  }
0xbc: {  	(v2sf) =	vpush v8, $0xF;
	_ =	sdelay $0xa  }
0xbd: {  	s26 =	sadd.s32 $0x1, s26;
	s1 =	simm.s32 $0x1  }
0xbe: {  	s1 =	simm.s32 @!p0 $0x0;
	p0 =	sne.s32 s26, $0x10  }
.Ltmp6:
0xbf: {  	_ = 	snop;
	(pc) =	sbr.rel @p0 .LBB2_4-.Ltmp6, $4  }
0xc0: {  	_ = 	snop  }
0xc1: {  	s31 =	spop (v2sf)  }
0xc2: {  	vm15 =	veq.s32 v7, v0;
	s0 =	sxor.u32 $0x80000000, s31  }
0xc3: {  	s25 =	sadd.s32 $0x800, s25;
	v6 =	vsel vm15, s1, v6;
	v5 =	vsel vm15, s0, v5  }
.Ltmp7:
0xc4: {  	(pc) =	sbr.rel .LBB2_8-.Ltmp7, $3  }
0xc5: {  	_ =	sdelay $0x1  }
0xc6: {  	[tilespmem:s23+$0x18000] =	vst v6  }
0xc7: {  	[tilespmem:s23+$0x18200] =	vst v5  }
.LBB2_9:
.Ltmp8:
0xc8: {  	s22 =	simm.s32 $0x0;
	(pc) =	sbr.rel .LBB2_10-.Ltmp8, $4  }
0xc9: {  	[tilespmem:s22], [sflag:$0x1] =	stream.strided.gather [hbm4b:s7+s12], $0x8000, s13, s12, $0x38;
	[tilespmem:$0x18400] =	vst v63  }
0xca: {  	_ =	swait.ge [sflag:s18], $0x8000  }
0xcb: {  	[sflag:s18] =	ssyncset.done $0x0  }
0xcc: {  	[sflag:s18] =	ssyncadd.s32 $0xFFFF8000  }
.LBB2_16:
0xcd: {  	s22 =	sadd.s32 $0x1, s22  }
0xce: {  	p0 =	sne.s32 s22, $0x8  }
.Ltmp9:
0xcf: {  	_ = 	snop;
	(pc) =	sbr.rel @!p0 .LBB2_17-.Ltmp9, $1  }
0xd0: {  	_ =	sdelay $0x3  }
.LBB2_10:
0xd1: {  	s23 =	sshll.u32 s22, $0x4  }
0xd2: {  	v5 =	vmov s23  }
0xd3: {  	v5 =	vshll.u32 v5, $0x8  }
0xd4: {  	v5 =	vor.u32 v1, v5  }
0xd5: {  	v6 =	vor.u32 $0x10, v5  }
0xd6: {  	v7 =	vor.u32 $0x20, v5  }
0xd7: {  	v8 =	vor.u32 $0x30, v5  }
0xd8: {  	v9 =	vor.u32 $0x40, v5  }
0xd9: {  	v11 =	vor.u32 $0x50, v5;
	v10 =	vld.idx.msk [tilespmem:v5+s14+$0x0], $0xffff  }
0xda: {  	v12 =	vor.u32 $0x60, v5;
	v6 =	vld.idx.msk [tilespmem:v6+s14+$0x0], $0xffff  }
0xdb: {  	v13 =	vor.u32 $0x70, v5;
	v7 =	vld.idx.msk [tilespmem:v7+s14+$0x0], $0xffff  }
0xdc: {  	v14 =	vor.u32 $0x80, v5;
	v8 =	vld.idx.msk [tilespmem:v8+s14+$0x0], $0xffff  }
0xdd: {  	v15 =	vor.u32 $0x90, v5;
	v9 =	vld.idx.msk [tilespmem:v9+s14+$0x0], $0xffff  }
0xde: {  	v16 =	vor.u32 $0xA0, v5;
	v11 =	vld.idx.msk [tilespmem:v11+s14+$0x0], $0xffff  }
0xdf: {  	v18 =	vor.u32 $0xB0, v5;
	v12 =	vld.idx.msk [tilespmem:v12+s14+$0x0], $0xffff;
	v17 =	vmax.f32 v6, v10  }
0xe0: {  	v20 =	vor.u32 $0xC0, v5;
	v13 =	vld.idx.msk [tilespmem:v13+s14+$0x0], $0xffff;
	v19 =	vmax.f32 v7, v17  }
0xe1: {  	v22 =	vor.u32 $0xD0, v5;
	v14 =	vld.idx.msk [tilespmem:v14+s14+$0x0], $0xffff;
	v21 =	vmax.f32 v8, v19  }
0xe2: {  	v24 =	vor.u32 $0xE0, v5;
	v15 =	vld.idx.msk [tilespmem:v15+s14+$0x0], $0xffff;
	v23 =	vmax.f32 v9, v21  }
0xe3: {  	v5 =	vor.u32 $0xF0, v5;
	v16 =	vld.idx.msk [tilespmem:v16+s14+$0x0], $0xffff;
	v25 =	vmax.f32 v11, v23  }
0xe4: {  	v18 =	vld.idx.msk [tilespmem:v18+s14+$0x0], $0xffff;
	v26 =	vmax.f32 v12, v25  }
0xe5: {  	v20 =	vld.idx.msk [tilespmem:v20+s14+$0x0], $0xffff;
	v27 =	vmax.f32 v13, v26  }
0xe6: {  	v22 =	vld.idx.msk [tilespmem:v22+s14+$0x0], $0xffff;
	v28 =	vmax.f32 v14, v27  }
0xe7: {  	v24 =	vld.idx.msk [tilespmem:v24+s14+$0x0], $0xffff;
	v29 =	vmax.f32 v15, v28  }
0xe8: {  	v5 =	vld.idx.msk [tilespmem:v5+s14+$0x0], $0xffff;
	v30 =	vmax.f32 v16, v29  }
0xe9: {  	v31 =	vmax.f32 v18, v30  }
0xea: {  	v32 =	vmax.f32 v20, v31  }
0xeb: {  	v33 =	vmax.f32 v22, v32  }
0xec: {  	v34 =	vmax.f32 v24, v33  }
0xed: {  	v35 =	vmax.f32 v5, v34  }
0xee: {  	vm0 =	vge.f32 v35, $5.000000000e-01  }
0xef: {  	v35 =	vmpcnt.ones.xlane vm0;
	_ =	sdelay $0x1  }
0xf0: {  	(v2sf) =	vpush v35, $0xF;
	_ =	sdelay $0x3  }
0xf1: {  	vm1 =	vgt.f32 v6, v10  }
0xf2: {  	v6 =	vsel vm1, $0x1, v2;
	vm14 =	vgt.f32 v7, v17  }
0xf3: {  	v6 =	vsel vm14, $0x2, v6;
	vm15 =	vgt.f32 v8, v19  }
0xf4: {  	v6 =	vsel vm15, $0x3, v6;
	vm4 =	vgt.f32 v9, v21  }
0xf5: {  	v6 =	vsel vm4, $0x4, v6;
	vm5 =	vgt.f32 v11, v23  }
0xf6: {  	v6 =	vsel vm5, $0x5, v6;
	vm6 =	vgt.f32 v12, v25  }
0xf7: {  	v6 =	vsel vm6, $0x6, v6;
	vm7 =	vgt.f32 v13, v26  }
0xf8: {  	v6 =	vsel vm7, $0x7, v6;
	vm8 =	vgt.f32 v14, v27  }
0xf9: {  	v6 =	vsel vm8, $0x8, v6;
	vm9 =	vgt.f32 v15, v28  }
0xfa: {  	v6 =	vsel vm9, $0x9, v6;
	vm10 =	vgt.f32 v16, v29  }
0xfb: {  	v6 =	vsel vm10, $0xA, v6;
	vm11 =	vgt.f32 v18, v30  }
0xfc: {  	v6 =	vsel vm11, $0xB, v6;
	vm12 =	vgt.f32 v20, v31;
	s0 =	spop (v2sf)  }
0xfd: {  	v6 =	vsel vm12, $0xC, v6;
	vm13 =	vgt.f32 v22, v32;
	p0 =	sgt.s32 s0, $0xF  }
.Ltmp10:
0xfe: {  	v6 =	vsel vm13, $0xD, v6;
	vm14 =	vgt.f32 v24, v33;
	(pc) =	sbr.rel @p0 .LBB2_16-.Ltmp10, $4  }
0xff: {  	v6 =	vsel vm14, $0xE, v6;
	vm15 =	vgt.f32 v5, v34  }
0x100: {  	v5 =	vsel vm15, $0xF, v6  }
0x101: {  	v7 =	vsel vm0, $0x1, v2;
	[tilespmem:s23+$0x18280] =	vst v5  }
0x102: {  	[tilespmem:s23+$0x18080] =	vst v7  }
0x103: {  	s23 =	sor.u32 $0x80, s23  }
0x104: {  	s0 =	sadd.s32 s4, s23  }
0x105: {  	s0 =	sshll.u32 s0, $0x8  }
0x106: {  	s24 =	simm.s32 $0x0;
	s0 =	sadd.s32 s2, s0  }
0x107: {  	[tilespmem:s16], [sflag:$0x3] =	stream.linear.gather [hbm4b:s0+s24], $0x8000, $0x38;
	[tilespmem:$0x18400] =	vst v63  }
0x108: {  	_ =	swait.ge [sflag:s17], $0x8000  }
0x109: {  	[sflag:s17] =	ssyncset.done $0x0  }
0x10a: {  	v5 =	vimm.s32 $0x0;
	s25 =	simm.s32 $0x10400;
	v6 =	vimm.s32 $0x0;
	s26 =	simm.s32 $0x0;
	[sflag:s17] =	ssyncadd.s32 $0xFFFF8000  }
.LBB2_12:
0x10b: {  	v7 =	vld [tilespmem:s25+$0xFFFFFC00]  }
0x10c: {  	v8 =	vld [tilespmem:s25+$0xFFFFFC80]  }
0x10d: {  	v9 =	vld [tilespmem:s25+$0xFFFFFD00]  }
0x10e: {  	v10 =	vld [tilespmem:s25+$0xFFFFFD80]  }
0x10f: {  	v11 =	vld [tilespmem:s25+$0xFFFFFE00]  }
0x110: {  	v12 =	vld [tilespmem:s25+$0xFFFFFE80]  }
0x111: {  	v13 =	vld [tilespmem:s25+$0xFFFFFF00]  }
0x112: {  	v14 =	vld [tilespmem:s25+$0xFFFFFF80];
	v7 =	vmax.f32 v7, v8  }
0x113: {  	v15 =	vld [tilespmem:s25+$0x0];
	v7 =	vmax.f32 v7, v9  }
0x114: {  	v8 =	vld [tilespmem:s25+$0x80];
	v7 =	vmax.f32 v7, v10  }
0x115: {  	v9 =	vld [tilespmem:s25+$0x100];
	v7 =	vmax.f32 v7, v11  }
0x116: {  	v10 =	vld [tilespmem:s25+$0x180];
	v7 =	vmax.f32 v7, v12  }
0x117: {  	v11 =	vld [tilespmem:s25+$0x200];
	v7 =	vmax.f32 v7, v13  }
0x118: {  	v12 =	vld [tilespmem:s25+$0x280];
	v7 =	vmax.f32 v7, v14  }
0x119: {  	v13 =	vld [tilespmem:s25+$0x300];
	v7 =	vmax.f32 v7, v15  }
0x11a: {  	s0 =	sadd.s32 $0x10, s25;
	v14 =	vld [tilespmem:s25+$0x380];
	v7 =	vmax.f32 v7, v8  }
0x11b: {  	v15 =	vld [tilespmem:s0+$0xFFFFFC00];
	v7 =	vmax.f32 v7, v9  }
0x11c: {  	v8 =	vld [tilespmem:s0+$0xFFFFFC80];
	v7 =	vmax.f32 v7, v10  }
0x11d: {  	v9 =	vld [tilespmem:s0+$0xFFFFFD00];
	v7 =	vmax.f32 v7, v11  }
0x11e: {  	v10 =	vld [tilespmem:s0+$0xFFFFFD80];
	v7 =	vmax.f32 v7, v12  }
0x11f: {  	v11 =	vld [tilespmem:s0+$0xFFFFFE00];
	v7 =	vmax.f32 v7, v13  }
0x120: {  	v12 =	vld [tilespmem:s0+$0xFFFFFE80];
	v7 =	vmax.f32 v7, v14  }
0x121: {  	v8 =	vmax.f32 v15, v8;
	v13 =	vld [tilespmem:s0+$0xFFFFFF00];
	vm0 =	vge.f32 v7, $5.000000000e-01;
	v7 =	vor.u32 s24, v3  }
0x122: {  	v8 =	vmax.f32 v8, v9;
	v9 =	vld [tilespmem:s0+$0xFFFFFF80];
	v7 =	vnsel vm0, $0x80000080, v7  }
0x123: {  	v8 =	vmax.f32 v8, v10;
	v10 =	vld [tilespmem:s0+$0x0];
	(xrf0) =	vmin.scan.msk.u32 $0xffff, v7  }
0x124: {  	v8 =	vmax.f32 v8, v11;
	v11 =	vld [tilespmem:s0+$0x80]  }
0x125: {  	v7 =	vmax.f32 v8, v12;
	v12 =	vld [tilespmem:s0+$0x100]  }
0x126: {  	v7 =	vmax.f32 v7, v13;
	v13 =	vld [tilespmem:s0+$0x180]  }
0x127: {  	v14 =	vld [tilespmem:s0+$0x200];
	v7 =	vmax.f32 v7, v9  }
0x128: {  	v8 =	vmax.f32 v7, v10;
	v7 =	vld [tilespmem:s0+$0x280]  }
0x129: {  	v9 =	vmax.f32 v8, v11;
	v8 =	vld [tilespmem:s0+$0x300];
	v11, _, _ =	vpop (xrf0)  }
0x12a: {  	s30 =	sadd.s32 $0x10, s0;
	v10 =	vmax.f32 v9, v12;
	v9 =	vld [tilespmem:s0+$0x380];
	(v2sf) =	vpush v11, $0xF  }
0x12b: {  	s31 =	simm.s32 $0x80;
	v12 =	vld [tilespmem:s30+$0xFFFFFC80];
	v13 =	vmax.f32 v10, v13  }
0x12c: {  	s29 =	simm.s32 $0x10;
	s28 =	simm.s32 $0x20;
	s1 =	simm.s32 $0x30;
	v10 =	vld [tilespmem:s30+$0xFFFFFC00];
	v11 =	vmax.f32 v13, v14  }
.LBB2_13:
0x12d: {  	s0 =	smov.u32 s31  }
0x12e: {  	p0 =	sne.s32 s1, $0x70;
	v7 =	vmax.f32 v11, v7;
	v13 =	vld [tilespmem:s30+$0xFFFFFD00]  }
0x12f: {  	v7 =	vmax.f32 v7, v8;
	v11 =	vld [tilespmem:s30+$0xFFFFFD80]  }
0x130: {  	v7 =	vmax.f32 v7, v9;
	v8 =	vld [tilespmem:s30+$0xFFFFFE00]  }
0x131: {  	vm0 =	vge.f32 v7, $5.000000000e-01;
	v7 =	vor.u32 s29, v3;
	s29 =	smov.u32 s28;
	s28 =	smov.u32 s1;
	v9 =	vld [tilespmem:s30+$0xFFFFFE80]  }
0x132: {  	v10 =	vmax.f32 v10, v12;
	v7 =	vnsel vm0, $0x80000080, v7;
	v12 =	vld [tilespmem:s30+$0xFFFFFF00]  }
0x133: {  	v10 =	vmax.f32 v10, v13;
	v13 =	vld [tilespmem:s30+$0xFFFFFF80];
	(xrf0) =	vmin.scan.msk.u32 $0xffff, v7  }
0x134: {  	v7 =	vmax.f32 v10, v11;
	v10 =	vld [tilespmem:s30+$0x0]  }
0x135: {  	v7 =	vmax.f32 v7, v8;
	v8 =	vld [tilespmem:s30+$0x80]  }
0x136: {  	v7 =	vmax.f32 v7, v9;
	v9 =	vld [tilespmem:s30+$0x100]  }
0x137: {  	v7 =	vmax.f32 v7, v12;
	v11 =	vld [tilespmem:s30+$0x180]  }
0x138: {  	v7 =	vmax.f32 v7, v13;
	v13 =	vld [tilespmem:s30+$0x200]  }
.Ltmp11:
0x139: {  	v10 =	vmax.f32 v7, v10;
	v7 =	vld [tilespmem:s30+$0x280];
	v12, _, _ =	vpop (xrf0);
	s31 =	spop (v2sf);
	(pc) =	sbr.rel @p0 .LBB2_13-.Ltmp11, $4  }
0x13a: {  	v10 =	vmax.f32 v10, v8;
	v8 =	vld [tilespmem:s30+$0x300];
	(v2sf) =	vpush v12, $0xF;
	s31 =	sxor.u32 $0x80000000, s31  }
0x13b: {  	v12 =	vmax.f32 v10, v9;
	v9 =	vld [tilespmem:s30+$0x380];
	s30 =	sadd.s32 $0x10, s30;
	p1 =	slt.s32 s0, s31  }
0x13c: {  	v10 =	vld [tilespmem:s30+$0xFFFFFC00];
	v11 =	vmax.f32 v12, v11;
	s31 =	smov.u32 @p1 s0  }
0x13d: {  	s1 =	sadd.s32 $0x10, s1;
	v12 =	vld [tilespmem:s30+$0xFFFFFC80];
	v11 =	vmax.f32 v11, v13  }
0x13e: {  	v13 =	vld [tilespmem:s30+$0xFFFFFD00]  }
0x13f: {  	v14 =	vld [tilespmem:s30+$0xFFFFFD80]  }
0x140: {  	v15 =	vld [tilespmem:s30+$0xFFFFFE00]  }
0x141: {  	v16 =	vld [tilespmem:s30+$0xFFFFFE80]  }
0x142: {  	v51 =	vld [tilespmem:s30+$0xFFFFFF00];
	v10 =	vmax.f32 v10, v12  }
0x143: {  	v52 =	vld [tilespmem:s30+$0xFFFFFF80];
	v10 =	vmax.f32 v10, v13  }
0x144: {  	v53 =	vld [tilespmem:s30+$0x0];
	v10 =	vmax.f32 v10, v14  }
0x145: {  	v54 =	vld [tilespmem:s30+$0x80];
	v10 =	vmax.f32 v10, v15  }
0x146: {  	v55 =	vld [tilespmem:s30+$0x100];
	v10 =	vmax.f32 v10, v16  }
0x147: {  	v56 =	vld [tilespmem:s30+$0x180];
	v10 =	vmax.f32 v10, v51  }
0x148: {  	v57 =	vld [tilespmem:s30+$0x200];
	v10 =	vmax.f32 v10, v52  }
0x149: {  	v58 =	vld [tilespmem:s30+$0x280];
	v10 =	vmax.f32 v10, v53  }
0x14a: {  	v59 =	vld [tilespmem:s30+$0x300];
	v10 =	vmax.f32 v10, v54  }
0x14b: {  	v60 =	vld [tilespmem:s30+$0x380];
	v10 =	vmax.f32 v10, v55  }
0x14c: {  	v7 =	vmax.f32 v11, v7;
	v10 =	vmax.f32 v10, v56  }
0x14d: {  	v7 =	vmax.f32 v7, v8;
	v8 =	vmax.f32 v10, v57  }
0x14e: {  	v7 =	vmax.f32 v7, v9;
	v8 =	vmax.f32 v8, v58  }
0x14f: {  	vm0 =	vge.f32 v7, $5.000000000e-01;
	v7 =	vor.u32 s29, v3;
	v8 =	vmax.f32 v8, v59  }
0x150: {  	v7 =	vnsel vm0, $0x80000080, v7;
	v8 =	vmax.f32 v8, v60  }
0x151: {  	(xrf0) =	vmin.scan.msk.u32 $0xffff, v7;
	v7 =	vor.u32 s28, v3;
	vm13 =	vge.f32 v8, $5.000000000e-01  }
0x152: {  	v7 =	vnsel vm13, $0x80000080, v7  }
0x153: {  	(xrf0) =	vmin.scan.msk.u32 $0xffff, v7;
	_ =	sdelay $0x3  }
0x154: {  	v7, _, _ =	vpop (xrf0)  }
0x155: {  	(v2sf) =	vpush v7, $0xF  }
0x156: {  	v7, _, _ =	vpop (xrf0)  }
0x157: {  	(v2sf) =	vpush v7, $0xF;
	_ =	sdelay $0xa  }
0x158: {  	s0 =	spop (v2sf)  }
0x159: {  	s0 =	sxor.u32 $0x80000000, s0  }
0x15a: {  	p0 =	slt.s32 s31, s0;
	s1 =	spop (v2sf)  }
0x15b: {  	s0 =	smov.u32 @p0 s31;
	s1 =	sxor.u32 $0x80000000, s1  }
0x15c: {  	p0 =	slt.s32 s0, s1;
	s30 =	spop (v2sf)  }
0x15d: {  	s1 =	smov.u32 @p0 s0;
	s0 =	sxor.u32 $0x80000000, s30  }
0x15e: {  	p0 =	slt.s32 s1, s0  }
0x15f: {  	s0 =	smov.u32 @p0 s1  }
0x160: {  	p0 =	slt.s32 s0, $0x80  }
0x161: {  	s0 =	simm.s32 @!p0 $0x0  }
0x162: {  	v7 =	vmov s26;
	v8 =	vmov s0  }
0x163: {  	v62 =	vshll.u32 v7, $0xB;
	v61 =	vand.u32 $0xFFFFFFF8, v8  }
0x164: {  	v8 =	vand.u32 $0x7, v8;
	v9 =	vadd.s32 v62, v61  }
0x165: {  	v8 =	vor.u32 v8, v9  }
0x166: {  	v8 =	vadd.s32 v4, v8;
	_ =	sdelay $0x4  }
0x167: {  	v8 =	vld.idx.msk [tilespmem:v8+s16+$0x0], $0xffff;
	_ =	sdelay $0x4  }
0x168: {  	(xrf0) =	vmax.scan.msk.f32 $0xffff, v8;
	_ =	sdelay $0x5  }
0x169: {  	v63, _, _ =	vpop (xrf0)  }
0x16a: {  	v9 =	vbroadcast v63, $0xF;
	_ =	sdelay $0x1  }
0x16b: {  	vm14 =	veq.f32 v8, v9  }
0x16c: {  	v8 =	vnsel vm14, $0x80000010, v3  }
0x16d: {  	(xrf0) =	vmin.scan.msk.u32 $0xffff, v8;
	_ =	sdelay $0x5  }
0x16e: {  	v8, _, _ =	vpop (xrf0)  }
0x16f: {  	(v2sf) =	vpush v8, $0xF;
	_ =	sdelay $0xa  }
0x170: {  	s26 =	sadd.s32 $0x1, s26;
	s1 =	simm.s32 $0x1  }
0x171: {  	s1 =	simm.s32 @!p0 $0x0;
	p0 =	sne.s32 s26, $0x10  }
.Ltmp12:
0x172: {  	_ = 	snop;
	(pc) =	sbr.rel @p0 .LBB2_12-.Ltmp12, $4  }
0x173: {  	_ = 	snop  }
0x174: {  	s31 =	spop (v2sf)  }
0x175: {  	vm15 =	veq.s32 v7, v0;
	s0 =	sxor.u32 $0x80000000, s31  }
0x176: {  	s25 =	sadd.s32 $0x800, s25;
	v6 =	vsel vm15, s1, v6;
	v5 =	vsel vm15, s0, v5  }
.Ltmp13:
0x177: {  	(pc) =	sbr.rel .LBB2_16-.Ltmp13, $3  }
0x178: {  	_ =	sdelay $0x1  }
0x179: {  	[tilespmem:s23+$0x18000] =	vst v6  }
0x17a: {  	[tilespmem:s23+$0x18200] =	vst v5  }
.LBB2_17:
.Ltmp14:
0x17b: {  	(pc) =	sbr.rel .LBB2_18-.Ltmp14, $4  }
0x17c: {  	[tilespmem:s14], [sflag:$0x2] =	stream.strided.gather [hbm4b:s8+s12], $0x8000, s13, s12, $0x38;
	[tilespmem:$0x18400] =	vst v63  }
0x17d: {  	_ =	swait.ge [sflag:s15], $0x8000  }
0x17e: {  	[sflag:s15] =	ssyncset.done $0x0  }
0x17f: {  	s22 =	simm.s32 $0x0;
	[sflag:s15] =	ssyncadd.s32 $0xFFFF8000  }
.LBB2_24:
0x180: {  	s22 =	sadd.s32 $0x1, s22  }
0x181: {  	p0 =	sne.s32 s22, $0x8  }
.Ltmp15:
0x182: {  	_ = 	snop;
	(pc) =	sbr.rel @!p0 .LBB2_25-.Ltmp15, $1  }
0x183: {  	_ =	sdelay $0x3  }
.LBB2_18:
0x184: {  	s23 =	sshll.u32 s22, $0x4  }
0x185: {  	v5 =	vmov s23  }
0x186: {  	v5 =	vshll.u32 v5, $0x8  }
0x187: {  	v5 =	vor.u32 v1, v5  }
0x188: {  	v6 =	vor.u32 $0x10, v5  }
0x189: {  	v7 =	vor.u32 $0x20, v5  }
0x18a: {  	v8 =	vor.u32 $0x30, v5  }
0x18b: {  	v9 =	vor.u32 $0x40, v5  }
0x18c: {  	v11 =	vor.u32 $0x50, v5;
	v10 =	vld.idx.msk [tilespmem:v5+s3+$0x0], $0xffff  }
0x18d: {  	v12 =	vor.u32 $0x60, v5;
	v6 =	vld.idx.msk [tilespmem:v6+s3+$0x0], $0xffff  }
0x18e: {  	v13 =	vor.u32 $0x70, v5;
	v7 =	vld.idx.msk [tilespmem:v7+s3+$0x0], $0xffff  }
0x18f: {  	v14 =	vor.u32 $0x80, v5;
	v8 =	vld.idx.msk [tilespmem:v8+s3+$0x0], $0xffff  }
0x190: {  	v15 =	vor.u32 $0x90, v5;
	v9 =	vld.idx.msk [tilespmem:v9+s3+$0x0], $0xffff  }
0x191: {  	v16 =	vor.u32 $0xA0, v5;
	v11 =	vld.idx.msk [tilespmem:v11+s3+$0x0], $0xffff  }
0x192: {  	v18 =	vor.u32 $0xB0, v5;
	v12 =	vld.idx.msk [tilespmem:v12+s3+$0x0], $0xffff;
	v17 =	vmax.f32 v6, v10  }
0x193: {  	v20 =	vor.u32 $0xC0, v5;
	v13 =	vld.idx.msk [tilespmem:v13+s3+$0x0], $0xffff;
	v19 =	vmax.f32 v7, v17  }
0x194: {  	v22 =	vor.u32 $0xD0, v5;
	v14 =	vld.idx.msk [tilespmem:v14+s3+$0x0], $0xffff;
	v21 =	vmax.f32 v8, v19  }
0x195: {  	v24 =	vor.u32 $0xE0, v5;
	v15 =	vld.idx.msk [tilespmem:v15+s3+$0x0], $0xffff;
	v23 =	vmax.f32 v9, v21  }
0x196: {  	v5 =	vor.u32 $0xF0, v5;
	v16 =	vld.idx.msk [tilespmem:v16+s3+$0x0], $0xffff;
	v25 =	vmax.f32 v11, v23  }
0x197: {  	v18 =	vld.idx.msk [tilespmem:v18+s3+$0x0], $0xffff;
	v26 =	vmax.f32 v12, v25  }
0x198: {  	v20 =	vld.idx.msk [tilespmem:v20+s3+$0x0], $0xffff;
	v27 =	vmax.f32 v13, v26  }
0x199: {  	v22 =	vld.idx.msk [tilespmem:v22+s3+$0x0], $0xffff;
	v28 =	vmax.f32 v14, v27  }
0x19a: {  	v24 =	vld.idx.msk [tilespmem:v24+s3+$0x0], $0xffff;
	v29 =	vmax.f32 v15, v28  }
0x19b: {  	v5 =	vld.idx.msk [tilespmem:v5+s3+$0x0], $0xffff;
	v30 =	vmax.f32 v16, v29  }
0x19c: {  	v31 =	vmax.f32 v18, v30  }
0x19d: {  	v32 =	vmax.f32 v20, v31  }
0x19e: {  	v33 =	vmax.f32 v22, v32  }
0x19f: {  	v34 =	vmax.f32 v24, v33  }
0x1a0: {  	v35 =	vmax.f32 v5, v34  }
0x1a1: {  	vm0 =	vge.f32 v35, $5.000000000e-01  }
0x1a2: {  	v35 =	vmpcnt.ones.xlane vm0;
	_ =	sdelay $0x1  }
0x1a3: {  	(v2sf) =	vpush v35, $0xF;
	_ =	sdelay $0x3  }
0x1a4: {  	vm1 =	vgt.f32 v6, v10  }
0x1a5: {  	v6 =	vsel vm1, $0x1, v2;
	vm14 =	vgt.f32 v7, v17  }
0x1a6: {  	v6 =	vsel vm14, $0x2, v6;
	vm15 =	vgt.f32 v8, v19  }
0x1a7: {  	v6 =	vsel vm15, $0x3, v6;
	vm4 =	vgt.f32 v9, v21  }
0x1a8: {  	v6 =	vsel vm4, $0x4, v6;
	vm5 =	vgt.f32 v11, v23  }
0x1a9: {  	v6 =	vsel vm5, $0x5, v6;
	vm6 =	vgt.f32 v12, v25  }
0x1aa: {  	v6 =	vsel vm6, $0x6, v6;
	vm7 =	vgt.f32 v13, v26  }
0x1ab: {  	v6 =	vsel vm7, $0x7, v6;
	vm8 =	vgt.f32 v14, v27  }
0x1ac: {  	v6 =	vsel vm8, $0x8, v6;
	vm9 =	vgt.f32 v15, v28  }
0x1ad: {  	v6 =	vsel vm9, $0x9, v6;
	vm10 =	vgt.f32 v16, v29  }
0x1ae: {  	v6 =	vsel vm10, $0xA, v6;
	vm11 =	vgt.f32 v18, v30  }
0x1af: {  	v6 =	vsel vm11, $0xB, v6;
	vm12 =	vgt.f32 v20, v31;
	s0 =	spop (v2sf)  }
0x1b0: {  	v6 =	vsel vm12, $0xC, v6;
	vm13 =	vgt.f32 v22, v32;
	p0 =	sgt.s32 s0, $0xF  }
.Ltmp16:
0x1b1: {  	v6 =	vsel vm13, $0xD, v6;
	vm14 =	vgt.f32 v24, v33;
	(pc) =	sbr.rel @p0 .LBB2_24-.Ltmp16, $4  }
0x1b2: {  	v6 =	vsel vm14, $0xE, v6;
	vm15 =	vgt.f32 v5, v34  }
0x1b3: {  	v5 =	vsel vm15, $0xF, v6  }
0x1b4: {  	v7 =	vsel vm0, $0x1, v2;
	[tilespmem:s23+$0x18300] =	vst v5  }
0x1b5: {  	[tilespmem:s23+$0x18100] =	vst v7  }
0x1b6: {  	s23 =	sor.u32 $0x100, s23  }
0x1b7: {  	s0 =	sadd.s32 s4, s23  }
0x1b8: {  	s0 =	sshll.u32 s0, $0x8  }
0x1b9: {  	s24 =	simm.s32 $0x0;
	s0 =	sadd.s32 s2, s0  }
0x1ba: {  	[tilespmem:s16], [sflag:$0x3] =	stream.linear.gather [hbm4b:s0+s24], $0x8000, $0x38;
	[tilespmem:$0x18400] =	vst v63  }
0x1bb: {  	_ =	swait.ge [sflag:s17], $0x8000  }
0x1bc: {  	[sflag:s17] =	ssyncset.done $0x0  }
0x1bd: {  	v5 =	vimm.s32 $0x0;
	s25 =	simm.s32 $0x10400;
	v6 =	vimm.s32 $0x0;
	s26 =	simm.s32 $0x0;
	[sflag:s17] =	ssyncadd.s32 $0xFFFF8000  }
.LBB2_20:
0x1be: {  	v7 =	vld [tilespmem:s25+$0xFFFFFC00]  }
0x1bf: {  	v8 =	vld [tilespmem:s25+$0xFFFFFC80]  }
0x1c0: {  	v9 =	vld [tilespmem:s25+$0xFFFFFD00]  }
0x1c1: {  	v10 =	vld [tilespmem:s25+$0xFFFFFD80]  }
0x1c2: {  	v11 =	vld [tilespmem:s25+$0xFFFFFE00]  }
0x1c3: {  	v12 =	vld [tilespmem:s25+$0xFFFFFE80]  }
0x1c4: {  	v13 =	vld [tilespmem:s25+$0xFFFFFF00]  }
0x1c5: {  	v14 =	vld [tilespmem:s25+$0xFFFFFF80];
	v7 =	vmax.f32 v7, v8  }
0x1c6: {  	v15 =	vld [tilespmem:s25+$0x0];
	v7 =	vmax.f32 v7, v9  }
0x1c7: {  	v8 =	vld [tilespmem:s25+$0x80];
	v7 =	vmax.f32 v7, v10  }
0x1c8: {  	v9 =	vld [tilespmem:s25+$0x100];
	v7 =	vmax.f32 v7, v11  }
0x1c9: {  	v10 =	vld [tilespmem:s25+$0x180];
	v7 =	vmax.f32 v7, v12  }
0x1ca: {  	v11 =	vld [tilespmem:s25+$0x200];
	v7 =	vmax.f32 v7, v13  }
0x1cb: {  	v12 =	vld [tilespmem:s25+$0x280];
	v7 =	vmax.f32 v7, v14  }
0x1cc: {  	v13 =	vld [tilespmem:s25+$0x300];
	v7 =	vmax.f32 v7, v15  }
0x1cd: {  	s0 =	sadd.s32 $0x10, s25;
	v14 =	vld [tilespmem:s25+$0x380];
	v7 =	vmax.f32 v7, v8  }
0x1ce: {  	v15 =	vld [tilespmem:s0+$0xFFFFFC00];
	v7 =	vmax.f32 v7, v9  }
0x1cf: {  	v8 =	vld [tilespmem:s0+$0xFFFFFC80];
	v7 =	vmax.f32 v7, v10  }
0x1d0: {  	v9 =	vld [tilespmem:s0+$0xFFFFFD00];
	v7 =	vmax.f32 v7, v11  }
0x1d1: {  	v10 =	vld [tilespmem:s0+$0xFFFFFD80];
	v7 =	vmax.f32 v7, v12  }
0x1d2: {  	v11 =	vld [tilespmem:s0+$0xFFFFFE00];
	v7 =	vmax.f32 v7, v13  }
0x1d3: {  	v12 =	vld [tilespmem:s0+$0xFFFFFE80];
	v7 =	vmax.f32 v7, v14  }
0x1d4: {  	v8 =	vmax.f32 v15, v8;
	v13 =	vld [tilespmem:s0+$0xFFFFFF00];
	vm0 =	vge.f32 v7, $5.000000000e-01;
	v7 =	vor.u32 s24, v3  }
0x1d5: {  	v8 =	vmax.f32 v8, v9;
	v9 =	vld [tilespmem:s0+$0xFFFFFF80];
	v7 =	vnsel vm0, $0x80000080, v7  }
0x1d6: {  	v8 =	vmax.f32 v8, v10;
	v10 =	vld [tilespmem:s0+$0x0];
	(xrf0) =	vmin.scan.msk.u32 $0xffff, v7  }
0x1d7: {  	v8 =	vmax.f32 v8, v11;
	v11 =	vld [tilespmem:s0+$0x80]  }
0x1d8: {  	v7 =	vmax.f32 v8, v12;
	v12 =	vld [tilespmem:s0+$0x100]  }
0x1d9: {  	v7 =	vmax.f32 v7, v13;
	v13 =	vld [tilespmem:s0+$0x180]  }
0x1da: {  	v14 =	vld [tilespmem:s0+$0x200];
	v7 =	vmax.f32 v7, v9  }
0x1db: {  	v8 =	vmax.f32 v7, v10;
	v7 =	vld [tilespmem:s0+$0x280]  }
0x1dc: {  	v9 =	vmax.f32 v8, v11;
	v8 =	vld [tilespmem:s0+$0x300];
	v11, _, _ =	vpop (xrf0)  }
0x1dd: {  	s30 =	sadd.s32 $0x10, s0;
	v10 =	vmax.f32 v9, v12;
	v9 =	vld [tilespmem:s0+$0x380];
	(v2sf) =	vpush v11, $0xF  }
0x1de: {  	s31 =	simm.s32 $0x80;
	v12 =	vld [tilespmem:s30+$0xFFFFFC80];
	v13 =	vmax.f32 v10, v13  }
0x1df: {  	s29 =	simm.s32 $0x10;
	s28 =	simm.s32 $0x20;
	s1 =	simm.s32 $0x30;
	v10 =	vld [tilespmem:s30+$0xFFFFFC00];
	v11 =	vmax.f32 v13, v14  }
.LBB2_21:
0x1e0: {  	s0 =	smov.u32 s31  }
0x1e1: {  	p0 =	sne.s32 s1, $0x70;
	v7 =	vmax.f32 v11, v7;
	v13 =	vld [tilespmem:s30+$0xFFFFFD00]  }
0x1e2: {  	v7 =	vmax.f32 v7, v8;
	v11 =	vld [tilespmem:s30+$0xFFFFFD80]  }
0x1e3: {  	v7 =	vmax.f32 v7, v9;
	v8 =	vld [tilespmem:s30+$0xFFFFFE00]  }
0x1e4: {  	vm0 =	vge.f32 v7, $5.000000000e-01;
	v7 =	vor.u32 s29, v3;
	s29 =	smov.u32 s28;
	s28 =	smov.u32 s1;
	v9 =	vld [tilespmem:s30+$0xFFFFFE80]  }
0x1e5: {  	v10 =	vmax.f32 v10, v12;
	v7 =	vnsel vm0, $0x80000080, v7;
	v12 =	vld [tilespmem:s30+$0xFFFFFF00]  }
0x1e6: {  	v10 =	vmax.f32 v10, v13;
	v13 =	vld [tilespmem:s30+$0xFFFFFF80];
	(xrf0) =	vmin.scan.msk.u32 $0xffff, v7  }
0x1e7: {  	v7 =	vmax.f32 v10, v11;
	v10 =	vld [tilespmem:s30+$0x0]  }
0x1e8: {  	v7 =	vmax.f32 v7, v8;
	v8 =	vld [tilespmem:s30+$0x80]  }
0x1e9: {  	v7 =	vmax.f32 v7, v9;
	v9 =	vld [tilespmem:s30+$0x100]  }
0x1ea: {  	v7 =	vmax.f32 v7, v12;
	v11 =	vld [tilespmem:s30+$0x180]  }
0x1eb: {  	v7 =	vmax.f32 v7, v13;
	v13 =	vld [tilespmem:s30+$0x200]  }
.Ltmp17:
0x1ec: {  	v10 =	vmax.f32 v7, v10;
	v7 =	vld [tilespmem:s30+$0x280];
	v12, _, _ =	vpop (xrf0);
	s31 =	spop (v2sf);
	(pc) =	sbr.rel @p0 .LBB2_21-.Ltmp17, $4  }
0x1ed: {  	v10 =	vmax.f32 v10, v8;
	v8 =	vld [tilespmem:s30+$0x300];
	(v2sf) =	vpush v12, $0xF;
	s31 =	sxor.u32 $0x80000000, s31  }
0x1ee: {  	v12 =	vmax.f32 v10, v9;
	v9 =	vld [tilespmem:s30+$0x380];
	s30 =	sadd.s32 $0x10, s30;
	p1 =	slt.s32 s0, s31  }
0x1ef: {  	v10 =	vld [tilespmem:s30+$0xFFFFFC00];
	v11 =	vmax.f32 v12, v11;
	s31 =	smov.u32 @p1 s0  }
0x1f0: {  	s1 =	sadd.s32 $0x10, s1;
	v12 =	vld [tilespmem:s30+$0xFFFFFC80];
	v11 =	vmax.f32 v11, v13  }
0x1f1: {  	v13 =	vld [tilespmem:s30+$0xFFFFFD00]  }
0x1f2: {  	v14 =	vld [tilespmem:s30+$0xFFFFFD80]  }
0x1f3: {  	v15 =	vld [tilespmem:s30+$0xFFFFFE00]  }
0x1f4: {  	v16 =	vld [tilespmem:s30+$0xFFFFFE80]  }
0x1f5: {  	v51 =	vld [tilespmem:s30+$0xFFFFFF00];
	v10 =	vmax.f32 v10, v12  }
0x1f6: {  	v52 =	vld [tilespmem:s30+$0xFFFFFF80];
	v10 =	vmax.f32 v10, v13  }
0x1f7: {  	v53 =	vld [tilespmem:s30+$0x0];
	v10 =	vmax.f32 v10, v14  }
0x1f8: {  	v54 =	vld [tilespmem:s30+$0x80];
	v10 =	vmax.f32 v10, v15  }
0x1f9: {  	v55 =	vld [tilespmem:s30+$0x100];
	v10 =	vmax.f32 v10, v16  }
0x1fa: {  	v56 =	vld [tilespmem:s30+$0x180];
	v10 =	vmax.f32 v10, v51  }
0x1fb: {  	v57 =	vld [tilespmem:s30+$0x200];
	v10 =	vmax.f32 v10, v52  }
0x1fc: {  	v58 =	vld [tilespmem:s30+$0x280];
	v10 =	vmax.f32 v10, v53  }
0x1fd: {  	v59 =	vld [tilespmem:s30+$0x300];
	v10 =	vmax.f32 v10, v54  }
0x1fe: {  	v60 =	vld [tilespmem:s30+$0x380];
	v10 =	vmax.f32 v10, v55  }
0x1ff: {  	v7 =	vmax.f32 v11, v7;
	v10 =	vmax.f32 v10, v56  }
0x200: {  	v7 =	vmax.f32 v7, v8;
	v8 =	vmax.f32 v10, v57  }
0x201: {  	v7 =	vmax.f32 v7, v9;
	v8 =	vmax.f32 v8, v58  }
0x202: {  	vm0 =	vge.f32 v7, $5.000000000e-01;
	v7 =	vor.u32 s29, v3;
	v8 =	vmax.f32 v8, v59  }
0x203: {  	v7 =	vnsel vm0, $0x80000080, v7;
	v8 =	vmax.f32 v8, v60  }
0x204: {  	(xrf0) =	vmin.scan.msk.u32 $0xffff, v7;
	v7 =	vor.u32 s28, v3;
	vm13 =	vge.f32 v8, $5.000000000e-01  }
0x205: {  	v7 =	vnsel vm13, $0x80000080, v7  }
0x206: {  	(xrf0) =	vmin.scan.msk.u32 $0xffff, v7;
	_ =	sdelay $0x3  }
0x207: {  	v7, _, _ =	vpop (xrf0)  }
0x208: {  	(v2sf) =	vpush v7, $0xF  }
0x209: {  	v7, _, _ =	vpop (xrf0)  }
0x20a: {  	(v2sf) =	vpush v7, $0xF;
	_ =	sdelay $0xa  }
0x20b: {  	s0 =	spop (v2sf)  }
0x20c: {  	s0 =	sxor.u32 $0x80000000, s0  }
0x20d: {  	p0 =	slt.s32 s31, s0;
	s1 =	spop (v2sf)  }
0x20e: {  	s0 =	smov.u32 @p0 s31;
	s1 =	sxor.u32 $0x80000000, s1  }
0x20f: {  	p0 =	slt.s32 s0, s1;
	s30 =	spop (v2sf)  }
0x210: {  	s1 =	smov.u32 @p0 s0;
	s0 =	sxor.u32 $0x80000000, s30  }
0x211: {  	p0 =	slt.s32 s1, s0  }
0x212: {  	s0 =	smov.u32 @p0 s1  }
0x213: {  	p0 =	slt.s32 s0, $0x80  }
0x214: {  	s0 =	simm.s32 @!p0 $0x0  }
0x215: {  	v7 =	vmov s26;
	v8 =	vmov s0  }
0x216: {  	v62 =	vshll.u32 v7, $0xB;
	v61 =	vand.u32 $0xFFFFFFF8, v8  }
0x217: {  	v8 =	vand.u32 $0x7, v8;
	v9 =	vadd.s32 v62, v61  }
0x218: {  	v8 =	vor.u32 v8, v9  }
0x219: {  	v8 =	vadd.s32 v4, v8;
	_ =	sdelay $0x4  }
0x21a: {  	v8 =	vld.idx.msk [tilespmem:v8+s16+$0x0], $0xffff;
	_ =	sdelay $0x4  }
0x21b: {  	(xrf0) =	vmax.scan.msk.f32 $0xffff, v8;
	_ =	sdelay $0x5  }
0x21c: {  	v63, _, _ =	vpop (xrf0)  }
0x21d: {  	v9 =	vbroadcast v63, $0xF;
	_ =	sdelay $0x1  }
0x21e: {  	vm14 =	veq.f32 v8, v9  }
0x21f: {  	v8 =	vnsel vm14, $0x80000010, v3  }
0x220: {  	(xrf0) =	vmin.scan.msk.u32 $0xffff, v8;
	_ =	sdelay $0x5  }
0x221: {  	v8, _, _ =	vpop (xrf0)  }
0x222: {  	(v2sf) =	vpush v8, $0xF;
	_ =	sdelay $0xa  }
0x223: {  	s26 =	sadd.s32 $0x1, s26;
	s1 =	simm.s32 $0x1  }
0x224: {  	s1 =	simm.s32 @!p0 $0x0;
	p0 =	sne.s32 s26, $0x10  }
.Ltmp18:
0x225: {  	_ = 	snop;
	(pc) =	sbr.rel @p0 .LBB2_20-.Ltmp18, $4  }
0x226: {  	_ = 	snop  }
0x227: {  	s31 =	spop (v2sf)  }
0x228: {  	vm15 =	veq.s32 v7, v0;
	s0 =	sxor.u32 $0x80000000, s31  }
0x229: {  	s25 =	sadd.s32 $0x800, s25;
	v6 =	vsel vm15, s1, v6;
	v5 =	vsel vm15, s0, v5  }
.Ltmp19:
0x22a: {  	(pc) =	sbr.rel .LBB2_24-.Ltmp19, $3  }
0x22b: {  	_ =	sdelay $0x1  }
0x22c: {  	[tilespmem:s23+$0x18000] =	vst v6  }
0x22d: {  	[tilespmem:s23+$0x18200] =	vst v5  }
.LBB2_25:
.Ltmp20:
0x22e: {  	(pc) =	sbr.rel .LBB2_26-.Ltmp20, $4  }
0x22f: {  	_ = 	snop  }
0x230: {  	_ =	swait.ge [sflag:s18], $0x8000  }
0x231: {  	[sflag:s18] =	ssyncset.done $0x0  }
0x232: {  	s22 =	simm.s32 $0x0;
	[sflag:s18] =	ssyncadd.s32 $0xFFFF8000  }
.LBB2_32:
0x233: {  	s22 =	sadd.s32 $0x1, s22  }
0x234: {  	p0 =	sne.s32 s22, $0x8  }
.Ltmp21:
0x235: {  	_ = 	snop;
	(pc) =	sbr.rel @!p0 .LBB2_33-.Ltmp21, $1  }
0x236: {  	_ =	sdelay $0x3  }
.LBB2_26:
0x237: {  	s23 =	sshll.u32 s22, $0x4  }
0x238: {  	v5 =	vmov s23  }
0x239: {  	v5 =	vshll.u32 v5, $0x8  }
0x23a: {  	v5 =	vor.u32 v1, v5  }
0x23b: {  	v6 =	vor.u32 $0x10, v5  }
0x23c: {  	v7 =	vor.u32 $0x20, v5  }
0x23d: {  	v8 =	vor.u32 $0x30, v5  }
0x23e: {  	v9 =	vor.u32 $0x40, v5  }
0x23f: {  	v11 =	vor.u32 $0x50, v5;
	v10 =	vld.idx.msk [tilespmem:v5+s14+$0x0], $0xffff  }
0x240: {  	v12 =	vor.u32 $0x60, v5;
	v6 =	vld.idx.msk [tilespmem:v6+s14+$0x0], $0xffff  }
0x241: {  	v13 =	vor.u32 $0x70, v5;
	v7 =	vld.idx.msk [tilespmem:v7+s14+$0x0], $0xffff  }
0x242: {  	v14 =	vor.u32 $0x80, v5;
	v8 =	vld.idx.msk [tilespmem:v8+s14+$0x0], $0xffff  }
0x243: {  	v15 =	vor.u32 $0x90, v5;
	v9 =	vld.idx.msk [tilespmem:v9+s14+$0x0], $0xffff  }
0x244: {  	v16 =	vor.u32 $0xA0, v5;
	v11 =	vld.idx.msk [tilespmem:v11+s14+$0x0], $0xffff  }
0x245: {  	v18 =	vor.u32 $0xB0, v5;
	v12 =	vld.idx.msk [tilespmem:v12+s14+$0x0], $0xffff;
	v17 =	vmax.f32 v6, v10  }
0x246: {  	v20 =	vor.u32 $0xC0, v5;
	v13 =	vld.idx.msk [tilespmem:v13+s14+$0x0], $0xffff;
	v19 =	vmax.f32 v7, v17  }
0x247: {  	v22 =	vor.u32 $0xD0, v5;
	v14 =	vld.idx.msk [tilespmem:v14+s14+$0x0], $0xffff;
	v21 =	vmax.f32 v8, v19  }
0x248: {  	v24 =	vor.u32 $0xE0, v5;
	v15 =	vld.idx.msk [tilespmem:v15+s14+$0x0], $0xffff;
	v23 =	vmax.f32 v9, v21  }
0x249: {  	v5 =	vor.u32 $0xF0, v5;
	v16 =	vld.idx.msk [tilespmem:v16+s14+$0x0], $0xffff;
	v25 =	vmax.f32 v11, v23  }
0x24a: {  	v18 =	vld.idx.msk [tilespmem:v18+s14+$0x0], $0xffff;
	v26 =	vmax.f32 v12, v25  }
0x24b: {  	v20 =	vld.idx.msk [tilespmem:v20+s14+$0x0], $0xffff;
	v27 =	vmax.f32 v13, v26  }
0x24c: {  	v22 =	vld.idx.msk [tilespmem:v22+s14+$0x0], $0xffff;
	v28 =	vmax.f32 v14, v27  }
0x24d: {  	v24 =	vld.idx.msk [tilespmem:v24+s14+$0x0], $0xffff;
	v29 =	vmax.f32 v15, v28  }
0x24e: {  	v5 =	vld.idx.msk [tilespmem:v5+s14+$0x0], $0xffff;
	v30 =	vmax.f32 v16, v29  }
0x24f: {  	v31 =	vmax.f32 v18, v30  }
0x250: {  	v32 =	vmax.f32 v20, v31  }
0x251: {  	v33 =	vmax.f32 v22, v32  }
0x252: {  	v34 =	vmax.f32 v24, v33  }
0x253: {  	v35 =	vmax.f32 v5, v34  }
0x254: {  	vm0 =	vge.f32 v35, $5.000000000e-01  }
0x255: {  	v35 =	vmpcnt.ones.xlane vm0;
	_ =	sdelay $0x1  }
0x256: {  	(v2sf) =	vpush v35, $0xF;
	_ =	sdelay $0x3  }
0x257: {  	vm1 =	vgt.f32 v6, v10  }
0x258: {  	v6 =	vsel vm1, $0x1, v2;
	vm14 =	vgt.f32 v7, v17  }
0x259: {  	v6 =	vsel vm14, $0x2, v6;
	vm15 =	vgt.f32 v8, v19  }
0x25a: {  	v6 =	vsel vm15, $0x3, v6;
	vm4 =	vgt.f32 v9, v21  }
0x25b: {  	v6 =	vsel vm4, $0x4, v6;
	vm5 =	vgt.f32 v11, v23  }
0x25c: {  	v6 =	vsel vm5, $0x5, v6;
	vm6 =	vgt.f32 v12, v25  }
0x25d: {  	v6 =	vsel vm6, $0x6, v6;
	vm7 =	vgt.f32 v13, v26  }
0x25e: {  	v6 =	vsel vm7, $0x7, v6;
	vm8 =	vgt.f32 v14, v27  }
0x25f: {  	v6 =	vsel vm8, $0x8, v6;
	vm9 =	vgt.f32 v15, v28  }
0x260: {  	v6 =	vsel vm9, $0x9, v6;
	vm10 =	vgt.f32 v16, v29  }
0x261: {  	v6 =	vsel vm10, $0xA, v6;
	vm11 =	vgt.f32 v18, v30  }
0x262: {  	v6 =	vsel vm11, $0xB, v6;
	vm12 =	vgt.f32 v20, v31;
	s0 =	spop (v2sf)  }
0x263: {  	v6 =	vsel vm12, $0xC, v6;
	vm13 =	vgt.f32 v22, v32;
	p0 =	sgt.s32 s0, $0xF  }
.Ltmp22:
0x264: {  	v6 =	vsel vm13, $0xD, v6;
	vm14 =	vgt.f32 v24, v33;
	(pc) =	sbr.rel @p0 .LBB2_32-.Ltmp22, $4  }
0x265: {  	v6 =	vsel vm14, $0xE, v6;
	vm15 =	vgt.f32 v5, v34  }
0x266: {  	v5 =	vsel vm15, $0xF, v6  }
0x267: {  	v7 =	vsel vm0, $0x1, v2;
	[tilespmem:s23+$0x18380] =	vst v5  }
0x268: {  	[tilespmem:s23+$0x18180] =	vst v7  }
0x269: {  	s23 =	sor.u32 $0x180, s23  }
0x26a: {  	s0 =	sadd.s32 s4, s23  }
0x26b: {  	s0 =	sshll.u32 s0, $0x8  }
0x26c: {  	s24 =	simm.s32 $0x0;
	s0 =	sadd.s32 s2, s0  }
0x26d: {  	[tilespmem:s16], [sflag:$0x3] =	stream.linear.gather [hbm4b:s0+s24], $0x8000, $0x38;
	[tilespmem:$0x18400] =	vst v63  }
0x26e: {  	_ =	swait.ge [sflag:s17], $0x8000  }
0x26f: {  	[sflag:s17] =	ssyncset.done $0x0  }
0x270: {  	v5 =	vimm.s32 $0x0;
	s25 =	simm.s32 $0x10400;
	v6 =	vimm.s32 $0x0;
	s26 =	simm.s32 $0x0;
	[sflag:s17] =	ssyncadd.s32 $0xFFFF8000  }
.LBB2_28:
0x271: {  	v7 =	vld [tilespmem:s25+$0xFFFFFC00]  }
0x272: {  	v8 =	vld [tilespmem:s25+$0xFFFFFC80]  }
0x273: {  	v9 =	vld [tilespmem:s25+$0xFFFFFD00]  }
0x274: {  	v10 =	vld [tilespmem:s25+$0xFFFFFD80]  }
0x275: {  	v11 =	vld [tilespmem:s25+$0xFFFFFE00]  }
0x276: {  	v12 =	vld [tilespmem:s25+$0xFFFFFE80]  }
0x277: {  	v13 =	vld [tilespmem:s25+$0xFFFFFF00]  }
0x278: {  	v14 =	vld [tilespmem:s25+$0xFFFFFF80];
	v7 =	vmax.f32 v7, v8  }
0x279: {  	v15 =	vld [tilespmem:s25+$0x0];
	v7 =	vmax.f32 v7, v9  }
0x27a: {  	v8 =	vld [tilespmem:s25+$0x80];
	v7 =	vmax.f32 v7, v10  }
0x27b: {  	v9 =	vld [tilespmem:s25+$0x100];
	v7 =	vmax.f32 v7, v11  }
0x27c: {  	v10 =	vld [tilespmem:s25+$0x180];
	v7 =	vmax.f32 v7, v12  }
0x27d: {  	v11 =	vld [tilespmem:s25+$0x200];
	v7 =	vmax.f32 v7, v13  }
0x27e: {  	v12 =	vld [tilespmem:s25+$0x280];
	v7 =	vmax.f32 v7, v14  }
0x27f: {  	v13 =	vld [tilespmem:s25+$0x300];
	v7 =	vmax.f32 v7, v15  }
0x280: {  	s0 =	sadd.s32 $0x10, s25;
	v14 =	vld [tilespmem:s25+$0x380];
	v7 =	vmax.f32 v7, v8  }
0x281: {  	v15 =	vld [tilespmem:s0+$0xFFFFFC00];
	v7 =	vmax.f32 v7, v9  }
0x282: {  	v8 =	vld [tilespmem:s0+$0xFFFFFC80];
	v7 =	vmax.f32 v7, v10  }
0x283: {  	v9 =	vld [tilespmem:s0+$0xFFFFFD00];
	v7 =	vmax.f32 v7, v11  }
0x284: {  	v10 =	vld [tilespmem:s0+$0xFFFFFD80];
	v7 =	vmax.f32 v7, v12  }
0x285: {  	v11 =	vld [tilespmem:s0+$0xFFFFFE00];
	v7 =	vmax.f32 v7, v13  }
0x286: {  	v12 =	vld [tilespmem:s0+$0xFFFFFE80];
	v7 =	vmax.f32 v7, v14  }
0x287: {  	v8 =	vmax.f32 v15, v8;
	v13 =	vld [tilespmem:s0+$0xFFFFFF00];
	vm0 =	vge.f32 v7, $5.000000000e-01;
	v7 =	vor.u32 s24, v3  }
0x288: {  	v8 =	vmax.f32 v8, v9;
	v9 =	vld [tilespmem:s0+$0xFFFFFF80];
	v7 =	vnsel vm0, $0x80000080, v7  }
0x289: {  	v8 =	vmax.f32 v8, v10;
	v10 =	vld [tilespmem:s0+$0x0];
	(xrf0) =	vmin.scan.msk.u32 $0xffff, v7  }
0x28a: {  	v8 =	vmax.f32 v8, v11;
	v11 =	vld [tilespmem:s0+$0x80]  }
0x28b: {  	v7 =	vmax.f32 v8, v12;
	v12 =	vld [tilespmem:s0+$0x100]  }
0x28c: {  	v7 =	vmax.f32 v7, v13;
	v13 =	vld [tilespmem:s0+$0x180]  }
0x28d: {  	v14 =	vld [tilespmem:s0+$0x200];
	v7 =	vmax.f32 v7, v9  }
0x28e: {  	v8 =	vmax.f32 v7, v10;
	v7 =	vld [tilespmem:s0+$0x280]  }
0x28f: {  	v9 =	vmax.f32 v8, v11;
	v8 =	vld [tilespmem:s0+$0x300];
	v11, _, _ =	vpop (xrf0)  }
0x290: {  	s30 =	sadd.s32 $0x10, s0;
	v10 =	vmax.f32 v9, v12;
	v9 =	vld [tilespmem:s0+$0x380];
	(v2sf) =	vpush v11, $0xF  }
0x291: {  	s31 =	simm.s32 $0x80;
	v12 =	vld [tilespmem:s30+$0xFFFFFC80];
	v13 =	vmax.f32 v10, v13  }
0x292: {  	s29 =	simm.s32 $0x10;
	s28 =	simm.s32 $0x20;
	s1 =	simm.s32 $0x30;
	v10 =	vld [tilespmem:s30+$0xFFFFFC00];
	v11 =	vmax.f32 v13, v14  }
.LBB2_29:
0x293: {  	s0 =	smov.u32 s31  }
0x294: {  	p0 =	sne.s32 s1, $0x70;
	v7 =	vmax.f32 v11, v7;
	v13 =	vld [tilespmem:s30+$0xFFFFFD00]  }
0x295: {  	v7 =	vmax.f32 v7, v8;
	v11 =	vld [tilespmem:s30+$0xFFFFFD80]  }
0x296: {  	v7 =	vmax.f32 v7, v9;
	v8 =	vld [tilespmem:s30+$0xFFFFFE00]  }
0x297: {  	vm0 =	vge.f32 v7, $5.000000000e-01;
	v7 =	vor.u32 s29, v3;
	s29 =	smov.u32 s28;
	s28 =	smov.u32 s1;
	v9 =	vld [tilespmem:s30+$0xFFFFFE80]  }
0x298: {  	v10 =	vmax.f32 v10, v12;
	v7 =	vnsel vm0, $0x80000080, v7;
	v12 =	vld [tilespmem:s30+$0xFFFFFF00]  }
0x299: {  	v10 =	vmax.f32 v10, v13;
	v13 =	vld [tilespmem:s30+$0xFFFFFF80];
	(xrf0) =	vmin.scan.msk.u32 $0xffff, v7  }
0x29a: {  	v7 =	vmax.f32 v10, v11;
	v10 =	vld [tilespmem:s30+$0x0]  }
0x29b: {  	v7 =	vmax.f32 v7, v8;
	v8 =	vld [tilespmem:s30+$0x80]  }
0x29c: {  	v7 =	vmax.f32 v7, v9;
	v9 =	vld [tilespmem:s30+$0x100]  }
0x29d: {  	v7 =	vmax.f32 v7, v12;
	v11 =	vld [tilespmem:s30+$0x180]  }
0x29e: {  	v7 =	vmax.f32 v7, v13;
	v13 =	vld [tilespmem:s30+$0x200]  }
.Ltmp23:
0x29f: {  	v10 =	vmax.f32 v7, v10;
	v7 =	vld [tilespmem:s30+$0x280];
	v12, _, _ =	vpop (xrf0);
	s31 =	spop (v2sf);
	(pc) =	sbr.rel @p0 .LBB2_29-.Ltmp23, $4  }
0x2a0: {  	v10 =	vmax.f32 v10, v8;
	v8 =	vld [tilespmem:s30+$0x300];
	(v2sf) =	vpush v12, $0xF;
	s31 =	sxor.u32 $0x80000000, s31  }
0x2a1: {  	v12 =	vmax.f32 v10, v9;
	v9 =	vld [tilespmem:s30+$0x380];
	s30 =	sadd.s32 $0x10, s30;
	p1 =	slt.s32 s0, s31  }
0x2a2: {  	v10 =	vld [tilespmem:s30+$0xFFFFFC00];
	v11 =	vmax.f32 v12, v11;
	s31 =	smov.u32 @p1 s0  }
0x2a3: {  	s1 =	sadd.s32 $0x10, s1;
	v12 =	vld [tilespmem:s30+$0xFFFFFC80];
	v11 =	vmax.f32 v11, v13  }
0x2a4: {  	v13 =	vld [tilespmem:s30+$0xFFFFFD00]  }
0x2a5: {  	v14 =	vld [tilespmem:s30+$0xFFFFFD80]  }
0x2a6: {  	v15 =	vld [tilespmem:s30+$0xFFFFFE00]  }
0x2a7: {  	v16 =	vld [tilespmem:s30+$0xFFFFFE80]  }
0x2a8: {  	v51 =	vld [tilespmem:s30+$0xFFFFFF00];
	v10 =	vmax.f32 v10, v12  }
0x2a9: {  	v52 =	vld [tilespmem:s30+$0xFFFFFF80];
	v10 =	vmax.f32 v10, v13  }
0x2aa: {  	v53 =	vld [tilespmem:s30+$0x0];
	v10 =	vmax.f32 v10, v14  }
0x2ab: {  	v54 =	vld [tilespmem:s30+$0x80];
	v10 =	vmax.f32 v10, v15  }
0x2ac: {  	v55 =	vld [tilespmem:s30+$0x100];
	v10 =	vmax.f32 v10, v16  }
0x2ad: {  	v56 =	vld [tilespmem:s30+$0x180];
	v10 =	vmax.f32 v10, v51  }
0x2ae: {  	v57 =	vld [tilespmem:s30+$0x200];
	v10 =	vmax.f32 v10, v52  }
0x2af: {  	v58 =	vld [tilespmem:s30+$0x280];
	v10 =	vmax.f32 v10, v53  }
0x2b0: {  	v59 =	vld [tilespmem:s30+$0x300];
	v10 =	vmax.f32 v10, v54  }
0x2b1: {  	v60 =	vld [tilespmem:s30+$0x380];
	v10 =	vmax.f32 v10, v55  }
0x2b2: {  	v7 =	vmax.f32 v11, v7;
	v10 =	vmax.f32 v10, v56  }
0x2b3: {  	v7 =	vmax.f32 v7, v8;
	v8 =	vmax.f32 v10, v57  }
0x2b4: {  	v7 =	vmax.f32 v7, v9;
	v8 =	vmax.f32 v8, v58  }
0x2b5: {  	vm0 =	vge.f32 v7, $5.000000000e-01;
	v7 =	vor.u32 s29, v3;
	v8 =	vmax.f32 v8, v59  }
0x2b6: {  	v7 =	vnsel vm0, $0x80000080, v7;
	v8 =	vmax.f32 v8, v60  }
0x2b7: {  	(xrf0) =	vmin.scan.msk.u32 $0xffff, v7;
	v7 =	vor.u32 s28, v3;
	vm13 =	vge.f32 v8, $5.000000000e-01  }
0x2b8: {  	v7 =	vnsel vm13, $0x80000080, v7  }
0x2b9: {  	(xrf0) =	vmin.scan.msk.u32 $0xffff, v7;
	_ =	sdelay $0x3  }
0x2ba: {  	v7, _, _ =	vpop (xrf0)  }
0x2bb: {  	(v2sf) =	vpush v7, $0xF  }
0x2bc: {  	v7, _, _ =	vpop (xrf0)  }
0x2bd: {  	(v2sf) =	vpush v7, $0xF;
	_ =	sdelay $0xa  }
0x2be: {  	s0 =	spop (v2sf)  }
0x2bf: {  	s0 =	sxor.u32 $0x80000000, s0  }
0x2c0: {  	p0 =	slt.s32 s31, s0;
	s1 =	spop (v2sf)  }
0x2c1: {  	s0 =	smov.u32 @p0 s31;
	s1 =	sxor.u32 $0x80000000, s1  }
0x2c2: {  	p0 =	slt.s32 s0, s1;
	s30 =	spop (v2sf)  }
0x2c3: {  	s1 =	smov.u32 @p0 s0;
	s0 =	sxor.u32 $0x80000000, s30  }
0x2c4: {  	p0 =	slt.s32 s1, s0  }
0x2c5: {  	s0 =	smov.u32 @p0 s1  }
0x2c6: {  	p0 =	slt.s32 s0, $0x80  }
0x2c7: {  	s0 =	simm.s32 @!p0 $0x0  }
0x2c8: {  	v7 =	vmov s26;
	v8 =	vmov s0  }
0x2c9: {  	v62 =	vshll.u32 v7, $0xB;
	v61 =	vand.u32 $0xFFFFFFF8, v8  }
0x2ca: {  	v8 =	vand.u32 $0x7, v8;
	v9 =	vadd.s32 v62, v61  }
0x2cb: {  	v8 =	vor.u32 v8, v9  }
0x2cc: {  	v8 =	vadd.s32 v4, v8;
	_ =	sdelay $0x4  }
0x2cd: {  	v8 =	vld.idx.msk [tilespmem:v8+s16+$0x0], $0xffff;
	_ =	sdelay $0x4  }
0x2ce: {  	(xrf0) =	vmax.scan.msk.f32 $0xffff, v8;
	_ =	sdelay $0x5  }
0x2cf: {  	v63, _, _ =	vpop (xrf0)  }
0x2d0: {  	v9 =	vbroadcast v63, $0xF;
	_ =	sdelay $0x1  }
0x2d1: {  	vm14 =	veq.f32 v8, v9  }
0x2d2: {  	v8 =	vnsel vm14, $0x80000010, v3  }
0x2d3: {  	(xrf0) =	vmin.scan.msk.u32 $0xffff, v8;
	_ =	sdelay $0x5  }
0x2d4: {  	v8, _, _ =	vpop (xrf0)  }
0x2d5: {  	(v2sf) =	vpush v8, $0xF;
	_ =	sdelay $0xa  }
0x2d6: {  	s26 =	sadd.s32 $0x1, s26;
	s1 =	simm.s32 $0x1  }
0x2d7: {  	s1 =	simm.s32 @!p0 $0x0;
	p0 =	sne.s32 s26, $0x10  }
.Ltmp24:
0x2d8: {  	_ = 	snop;
	(pc) =	sbr.rel @p0 .LBB2_28-.Ltmp24, $4  }
0x2d9: {  	_ = 	snop  }
0x2da: {  	s31 =	spop (v2sf)  }
0x2db: {  	vm15 =	veq.s32 v7, v0;
	s0 =	sxor.u32 $0x80000000, s31  }
0x2dc: {  	s25 =	sadd.s32 $0x800, s25;
	v6 =	vsel vm15, s1, v6;
	v5 =	vsel vm15, s0, v5  }
.Ltmp25:
0x2dd: {  	(pc) =	sbr.rel .LBB2_32-.Ltmp25, $3  }
0x2de: {  	_ =	sdelay $0x1  }
0x2df: {  	[tilespmem:s23+$0x18000] =	vst v6  }
0x2e0: {  	[tilespmem:s23+$0x18200] =	vst v5  }
.LBB2_34:
0x2e1: {  	_ =	sfence.sel $0x180000  }
0x2e2: {  	[bflag:$0x0] =	sbarrier.arrive $0xFFFF  }
0x2e3: {  	_ =	strace $0x90000047  }
0x2e4: {  	s0 =	stileid.u32;
	[bflag:$0x2] =	sbarrier.arrive $0xFFFF  }
0x2e5: {  	p0 =	sne.s32 s0, $0x0;
	s0 =	rddreg [dreg:$0x2]  }
0x2e6: {  	s0 =	sadd.s32 @!p0 $0x100000, s0  }
0x2e7: {  	[sflag:s0] =	ssyncadd.tile.s32 @!p0 $0x1;
	_ =	shalt  }
.Lfunc_end2:
_tile_overlayer_lowered:
.L_overlay_start_2:
0x2e8: {  	(tag) =	ssettag $0x2  }
0x2e9: {  	s0 =	rddreg [dreg:$0x0];
	s2 =	stileid.u32  }
0x2ea: {  	s1 =	rddreg [dreg:$0x1];
	p0 =	sne.s32 s2, $0x0  }
0x2eb: {  	s3 =	rddreg [dreg:$0x2];
	[bflag:$0x3] =	sbarrier.arrive $0xFFFF;
	s2 =	simm.s32 @!p0 $0x1C03  }
0x2ec: {  	[timem:s3], [sflag:s2] =	dma.local @!p0 [hbm:s0], s1  }
0x2ed: {  	s0 =	simm.s32 @!p0 $0x3  }
0x2ee: {  	_ =	swait.ge @!p0 [sflag:s0], s1  }
0x2ef: {  	s1 =	ssub.s32 @!p0 $0x0, s1;
	[sflag:s0] =	ssyncset.done @!p0 $0x0  }
0x2f0: {  	[sflag:s0] =	ssyncadd.s32 @!p0 s1  }
0x2f1: {  	[bflag:$0x3] =	sbarrier.arrive $0xFFFF  }
0x2f2: {  	_ =	shalt  }

</sc_bundles>
